<compile_context>
chip_gen: v7x
topology: tpu7x:2x2x1
jax: 0.10.2.dev20260603
libtpu: 0.0.44.dev20260713+nightly
codegen_flags: <defaults>
</compile_context>

<pallas_src>
import functools

import jax
import jax.numpy as jnp
from jax import lax
from jax.experimental import pallas as pl
from jax.experimental.pallas import tpu as pltpu
from jax.experimental.pallas import tpu_sc as plsc

N = 10000
E = 320000
D = 128

NC = 2
NS = 16
NW = NC * NS
EPW = E // NW
CHUNK = 40
NCHUNK = EPW // CHUNK
NBUF = 5
NFULL = (NCHUNK // NBUF) * NBUF
RPT = 632
RPT_LAST = N - (NS - 1) * RPT

_mesh = plsc.VectorSubcoreMesh(core_axis_name="c", subcore_axis_name="s")


@functools.partial(
    pl.kernel,
    mesh=_mesh,
    out_type=jax.ShapeDtypeStruct((NC, N, D), jnp.float32),
    scratch_types=[
        pltpu.VMEM((NCHUNK, CHUNK), jnp.int32),
        pltpu.VMEM((NCHUNK, CHUNK), jnp.int32),
        pltpu.VMEM((NBUF, CHUNK, D), jnp.float32),
        pltpu.VMEM_SHARED((N, D), jnp.float32),
        pltpu.SemaphoreType.DMA((NBUF,)),
        pltpu.SemaphoreType.DMA((NBUF,)),
    ],
    compiler_params=pltpu.CompilerParams(use_tc_tiling_on_sc=False),
)
def _edge_agg(x_hbm, zeros_hbm, ei_hbm, out_hbm, src_v, dst_v, rows_v, acc,
              gsem, ssem):
    c = lax.axis_index("c")
    s = lax.axis_index("s")
    wid = s * NC + c
    row0 = pl.multiple_of(s * RPT, 8)

    pltpu.sync_copy(ei_hbm.at[0, wid], src_v)
    pltpu.sync_copy(ei_hbm.at[1, wid], dst_v)
    for b in range(NBUF):
        pltpu.async_copy(x_hbm.at[src_v.at[b]], rows_v.at[b], gsem.at[b])

    seed = [x_hbm, zeros_hbm]
    for cc in range(NC):
        @pl.when((c == cc) & (s < NS - 1))
        def _(cc=cc):
            pltpu.sync_copy(seed[cc].at[pl.ds(row0, RPT)],
                            acc.at[pl.ds(row0, RPT)])

        @pl.when((c == cc) & (s == NS - 1))
        def _(cc=cc):
            pltpu.sync_copy(seed[cc].at[pl.ds((NS - 1) * RPT, RPT_LAST)],
                            acc.at[pl.ds((NS - 1) * RPT, RPT_LAST)])

    plsc.subcore_barrier()

    def slot(i, b):
        pltpu.make_async_copy(x_hbm.at[src_v.at[i]], rows_v.at[b],
                              gsem.at[b]).wait()
        pltpu.sync_copy(rows_v.at[b], acc.at[dst_v.at[i]], add=True)

        @pl.when(i + NBUF < NCHUNK)
        def _():
            pltpu.async_copy(x_hbm.at[src_v.at[i + NBUF]], rows_v.at[b],
                             gsem.at[b])

    def step(g, carry):
        for b in range(NBUF):
            slot(g * NBUF + b, b)
        return carry

    lax.fori_loop(0, NFULL // NBUF, step, 0)
    for i in range(NFULL, NCHUNK):
        slot(i, i % NBUF)
    plsc.subcore_barrier()

    @pl.when(s < NS - 1)
    def _():
        pltpu.sync_copy(acc.at[pl.ds(row0, RPT)],
                        out_hbm.at[c, pl.ds(row0, RPT)])

    @pl.when(s == NS - 1)
    def _():
        pltpu.sync_copy(acc.at[pl.ds((NS - 1) * RPT, RPT_LAST)],
                        out_hbm.at[c, pl.ds((NS - 1) * RPT, RPT_LAST)])


def _bn_relu(h, g, b):
    mu = jnp.mean(h, axis=0, keepdims=True)
    d = h - mu
    var = jnp.mean(d * d, axis=0, keepdims=True)
    return jnp.maximum(d * (g * lax.rsqrt(var + 1e-5)) + b, 0.0)


def _dot(a, b):
    return lax.dot_general(a, b, (((1,), (0,)), ((), ())),
                           preferred_element_type=jnp.float32)


def _mlp0_body(p_ref, w1_ref, b1_ref, g1_ref, be1_ref,
               w2_ref, b2_ref, g2_ref, be2_ref, out_ref):
    z = p_ref[0] + p_ref[1]
    h = _dot(z, w1_ref[...]) + b1_ref[...]
    h = _bn_relu(h, g1_ref[...], be1_ref[...])
    h = _dot(h, w2_ref[...]) + b2_ref[...]
    out_ref[...] = _bn_relu(h, g2_ref[...], be2_ref[...])


def _mlp1_body(p_ref, w1_ref, b1_ref, g1_ref, be1_ref,
               w2_ref, b2_ref, out_ref):
    z = p_ref[0] + p_ref[1]
    h = _dot(z, w1_ref[...]) + b1_ref[...]
    h = _bn_relu(h, g1_ref[...], be1_ref[...])
    out_ref[...] = _dot(h, w2_ref[...]) + b2_ref[...]


def kernel(x, edge_index, W1_0, b1_0, g1_0, be1_0, W2_0, b2_0, g2_0, be2_0,
           W1_1, b1_1, g1_1, be1_1, W2_1, b2_1):
    ei = edge_index.reshape(2, NW, NCHUNK, CHUNK)
    zeros = jnp.zeros((N, D), jnp.float32)

    p = _edge_agg(x, zeros, ei)
    h = pl.pallas_call(
        _mlp0_body,
        out_shape=jax.ShapeDtypeStruct((N, D), jnp.float32),
    )(p, W1_0, b1_0.reshape(1, -1), g1_0.reshape(1, -1),
      be1_0.reshape(1, -1), W2_0, b2_0.reshape(1, -1), g2_0.reshape(1, -1),
      be2_0.reshape(1, -1))

    p = _edge_agg(h, zeros, ei)
    out = pl.pallas_call(
        _mlp1_body,
        out_shape=jax.ShapeDtypeStruct((N, D), jnp.float32),
    )(p, W1_1, b1_1.reshape(1, -1), g1_1.reshape(1, -1),
      be1_1.reshape(1, -1), W2_1, b2_1.reshape(1, -1))
    return out

# --- scband reference (transcript-rebuilt; emitter-appended) ---
"""Pipeline reference for scband-gin-35880156791064 (READ-ONLY COPY).

The authoritative reference and input builder live on the scoring server;
editing this copy changes nothing except your own understanding.
"""

import jax, jax.numpy as jnp
import numpy as np

N = 10000
E = 320000
D = 128
H = 128
O = 128


def _bn(x, g, b):
    mu = jnp.mean(x, axis=0, keepdims=True)
    var = jnp.var(x, axis=0, keepdims=True)
    return (x - mu) / jnp.sqrt(var + 1e-5) * g + b


def setup_inputs(seed: int = 0) -> dict:
    key = jax.random.key(seed)
    ks = jax.random.split(key, 16)
    x = jax.random.normal(ks[0], (N, D), dtype=jnp.float32)
    edge_index = jax.random.randint(ks[1], (2, E), 0, N, dtype=jnp.int32)
    s1 = 1.0 / np.sqrt(D)
    s2 = 1.0 / np.sqrt(H)
    return {
        "x": x,
        "edge_index": edge_index,
        # layer 0: MLP(2, D, H, H) + ApplyNodeFunc BN
        "W1_0": jax.random.normal(ks[2], (D, H), dtype=jnp.float32) * s1,
        "b1_0": jnp.zeros((H,), dtype=jnp.float32),
        "g1_0": jnp.ones((H,), dtype=jnp.float32),
        "be1_0": jnp.zeros((H,), dtype=jnp.float32),
        "W2_0": jax.random.normal(ks[3], (H, H), dtype=jnp.float32) * s2,
        "b2_0": jnp.zeros((H,), dtype=jnp.float32),
        "g2_0": jnp.ones((H,), dtype=jnp.float32),
        "be2_0": jnp.zeros((H,), dtype=jnp.float32),
        # layer 1 (last, encoding=False): plain MLP(2, H, H, O)
        "W1_1": jax.random.normal(ks[4], (H, H), dtype=jnp.float32) * s2,
        "b1_1": jnp.zeros((H,), dtype=jnp.float32),
        "g1_1": jnp.ones((H,), dtype=jnp.float32),
        "be1_1": jnp.zeros((H,), dtype=jnp.float32),
        "W2_1": jax.random.normal(ks[5], (H, O), dtype=jnp.float32) * s2,
        "b2_1": jnp.zeros((O,), dtype=jnp.float32),
    }


def reference(x, edge_index, W1_0, b1_0, g1_0, be1_0, W2_0, b2_0, g2_0, be2_0,
              W1_1, b1_1, g1_1, be1_1, W2_1, b2_1):
    src = edge_index[0]
    dst = edge_index[1]
    # --- GINConv layer 0: (1+eps)*x + sum_{j in N(i)} x_j, eps=0 ---
    agg = jnp.zeros_like(x).at[dst].add(x[src])
    z = x + agg
    h = z @ W1_0 + b1_0
    h = jax.nn.relu(_bn(h, g1_0, be1_0))
    h = h @ W2_0 + b2_0
    # ApplyNodeFunc: BN + ReLU
    h = jax.nn.relu(_bn(h, g2_0, be2_0))
    # --- GINConv layer 1 (last): linear output MLP ---
    agg = jnp.zeros_like(h).at[dst].add(h[src])
    z = h + agg
    h2 = z @ W1_1 + b1_1
    h2 = jax.nn.relu(_bn(h2, g1_1, be1_1))
    h2 = h2 @ W2_1 + b2_1
    return h2

if __name__ == "__main__":
    import jax
    _d = setup_inputs()
    print(jax.jit(kernel)(*tuple(_d.values())))

</pallas_src>

<mosaic_0001>
#map = affine_map<(d0, d1) -> (0, 0)>
#map1 = affine_map<(d0, d1) -> (0, 0, 0, 0)>
#map2 = affine_map<(d0, d1) -> (0, 0, 0)>
module attributes {stable_mosaic.version = 14 : i64} {
  func.func @_edge_agg(%arg0: i32, %arg1: i32, %arg2: memref<10000x128xf32, #tpu.memory_space<hbm>>, %arg3: memref<10000x128xf32, #tpu.memory_space<hbm>>, %arg4: memref<2x32x250x40xi32, #tpu.memory_space<hbm>>, %arg5: memref<2x10000x128xf32, #tpu.memory_space<hbm>>, %arg6: memref<250x40xi32, #tpu.memory_space<vmem>>, %arg7: memref<250x40xi32, #tpu.memory_space<vmem>>, %arg8: memref<5x40x128xf32, #tpu.memory_space<vmem>>, %arg9: memref<10000x128xf32, #tpu.memory_space<vmem_shared>>, %arg10: memref<5x!tpu.dma_semaphore, #tpu.memory_space<semaphore_mem>>, %arg11: memref<5x!tpu.dma_semaphore, #tpu.memory_space<semaphore_mem>>) attributes {dimension_semantics = [#tpu.dimension_semantics<core_parallel>, #tpu.dimension_semantics<subcore_parallel>], iteration_bounds = array<i64: 2, 16>, scalar_prefetch = 0 : i64, scratch_operands = 6 : i64, tpu.core_type = #tpu.core_type<sc_vector_subcore>, window_params = [{transform_indices = #map}, {transform_indices = #map}, {transform_indices = #map1}, {transform_indices = #map2}]} {
    %mul3A = arith.constant 2 : i32
    %mul3A_0 = arith.muli %arg1, %mul3A : i32
    %add3A = arith.addi %mul3A_0, %arg0 : i32
    %mul3A_1 = arith.constant 632 : i32
    %mul3A_2 = arith.muli %arg1, %mul3A_1 : i32
    %multiple_of3A = tpu.assume_multiple %mul3A_2, 8 : i32
    %run_scoped3A = arith.constant 0 : i32
    "tpu.region"() ({
      %run_scoped3A_121 = tpu.sem_alloc : memref<!tpu.dma_semaphore, #tpu.memory_space<semaphore_mem>>
      %dma_start3A_122 = arith.constant 0 : i32
      %dma_start3A_123 = arith.constant 0 : i32
      %dma_start3A_124 = tpu.memref_slice %arg4[%run_scoped3A, %add3A, %dma_start3A_122, %dma_start3A_123] : memref<2x32x250x40xi32, #tpu.memory_space<hbm>> -> memref<1x1x250x40xi32, #tpu.memory_space<hbm>>
      %dma_start3A_125 = tpu.memref_squeeze %dma_start3A_124 : memref<1x1x250x40xi32, #tpu.memory_space<hbm>> -> memref<250x40xi32, #tpu.memory_space<hbm>>
      %dma_start3A_126 = arith.constant 0 : i32
      %dma_start3A_127 = arith.constant 0 : i32
      %dma_start3A_128 = tpu.memref_slice %arg4[%run_scoped3A, %add3A, %dma_start3A_126, %dma_start3A_127] : memref<2x32x250x40xi32, #tpu.memory_space<hbm>> -> memref<1x1x250x40xi32, #tpu.memory_space<hbm>>
      %dma_start3A_129 = tpu.memref_squeeze %dma_start3A_128 : memref<1x1x250x40xi32, #tpu.memory_space<hbm>> -> memref<250x40xi32, #tpu.memory_space<hbm>>
      tpu.enqueue_dma source(%dma_start3A_129 : memref<250x40xi32, #tpu.memory_space<hbm>>) target(%arg6 : memref<250x40xi32, #tpu.memory_space<vmem>>) target_semaphore(%run_scoped3A_121 : memref<!tpu.dma_semaphore, #tpu.memory_space<semaphore_mem>>)
      %dma_wait3A = arith.constant 0 : i32
      %dma_wait3A_130 = arith.constant 0 : i32
      %dma_wait3A_131 = tpu.memref_slice %arg4[%run_scoped3A, %add3A, %dma_wait3A, %dma_wait3A_130] : memref<2x32x250x40xi32, #tpu.memory_space<hbm>> -> memref<1x1x250x40xi32, #tpu.memory_space<hbm>>
      %dma_wait3A_132 = tpu.memref_squeeze %dma_wait3A_131 : memref<1x1x250x40xi32, #tpu.memory_space<hbm>> -> memref<250x40xi32, #tpu.memory_space<hbm>>
      %dma_wait3A_133 = arith.constant 0 : i32
      %dma_wait3A_134 = arith.constant 0 : i32
      %dma_wait3A_135 = tpu.memref_slice %arg4[%run_scoped3A, %add3A, %dma_wait3A_133, %dma_wait3A_134] : memref<2x32x250x40xi32, #tpu.memory_space<hbm>> -> memref<1x1x250x40xi32, #tpu.memory_space<hbm>>
      %dma_wait3A_136 = tpu.memref_squeeze %dma_wait3A_135 : memref<1x1x250x40xi32, #tpu.memory_space<hbm>> -> memref<250x40xi32, #tpu.memory_space<hbm>>
      tpu.wait_dma2 semaphore(%run_scoped3A_121 : memref<!tpu.dma_semaphore, #tpu.memory_space<semaphore_mem>>) src(%dma_wait3A_136 : memref<250x40xi32, #tpu.memory_space<hbm>>) dst(%arg6 : memref<250x40xi32, #tpu.memory_space<vmem>>)
      tpu.yield
    }) : () -> ()
    %run_scoped3A_3 = arith.constant 1 : i32
    "tpu.region"() ({
      %run_scoped3A_121 = tpu.sem_alloc : memref<!tpu.dma_semaphore, #tpu.memory_space<semaphore_mem>>
      %dma_start3A_122 = arith.constant 0 : i32
      %dma_start3A_123 = arith.constant 0 : i32
      %dma_start3A_124 = tpu.memref_slice %arg4[%run_scoped3A_3, %add3A, %dma_start3A_122, %dma_start3A_123] : memref<2x32x250x40xi32, #tpu.memory_space<hbm>> -> memref<1x1x250x40xi32, #tpu.memory_space<hbm>>
      %dma_start3A_125 = tpu.memref_squeeze %dma_start3A_124 : memref<1x1x250x40xi32, #tpu.memory_space<hbm>> -> memref<250x40xi32, #tpu.memory_space<hbm>>
      %dma_start3A_126 = arith.constant 0 : i32
      %dma_start3A_127 = arith.constant 0 : i32
      %dma_start3A_128 = tpu.memref_slice %arg4[%run_scoped3A_3, %add3A, %dma_start3A_126, %dma_start3A_127] : memref<2x32x250x40xi32, #tpu.memory_space<hbm>> -> memref<1x1x250x40xi32, #tpu.memory_space<hbm>>
      %dma_start3A_129 = tpu.memref_squeeze %dma_start3A_128 : memref<1x1x250x40xi32, #tpu.memory_space<hbm>> -> memref<250x40xi32, #tpu.memory_space<hbm>>
      tpu.enqueue_dma source(%dma_start3A_129 : memref<250x40xi32, #tpu.memory_space<hbm>>) target(%arg7 : memref<250x40xi32, #tpu.memory_space<vmem>>) target_semaphore(%run_scoped3A_121 : memref<!tpu.dma_semaphore, #tpu.memory_space<semaphore_mem>>)
      %dma_wait3A = arith.constant 0 : i32
      %dma_wait3A_130 = arith.constant 0 : i32
      %dma_wait3A_131 = tpu.memref_slice %arg4[%run_scoped3A_3, %add3A, %dma_wait3A, %dma_wait3A_130] : memref<2x32x250x40xi32, #tpu.memory_space<hbm>> -> memref<1x1x250x40xi32, #tpu.memory_space<hbm>>
      %dma_wait3A_132 = tpu.memref_squeeze %dma_wait3A_131 : memref<1x1x250x40xi32, #tpu.memory_space<hbm>> -> memref<250x40xi32, #tpu.memory_space<hbm>>
      %dma_wait3A_133 = arith.constant 0 : i32
      %dma_wait3A_134 = arith.constant 0 : i32
      %dma_wait3A_135 = tpu.memref_slice %arg4[%run_scoped3A_3, %add3A, %dma_wait3A_133, %dma_wait3A_134] : memref<2x32x250x40xi32, #tpu.memory_space<hbm>> -> memref<1x1x250x40xi32, #tpu.memory_space<hbm>>
      %dma_wait3A_136 = tpu.memref_squeeze %dma_wait3A_135 : memref<1x1x250x40xi32, #tpu.memory_space<hbm>> -> memref<250x40xi32, #tpu.memory_space<hbm>>
      tpu.wait_dma2 semaphore(%run_scoped3A_121 : memref<!tpu.dma_semaphore, #tpu.memory_space<semaphore_mem>>) src(%dma_wait3A_136 : memref<250x40xi32, #tpu.memory_space<hbm>>) dst(%arg7 : memref<250x40xi32, #tpu.memory_space<vmem>>)
      tpu.yield
    }) : () -> ()
    %dma_start3A = arith.constant 0 : i32
    %dma_start3A_4 = arith.constant 0 : i32
    %dma_start3A_5 = arith.constant 0 : i32
    %dma_start3A_6 = arith.constant 0 : i32
    %dma_start3A_7 = arith.constant 0 : i32
    %dma_start3A_8 = tpu.memref_slice %arg8[%dma_start3A_4, %dma_start3A_6, %dma_start3A_7] : memref<5x40x128xf32, #tpu.memory_space<vmem>> -> memref<1x40x128xf32, #tpu.memory_space<vmem>>
    %dma_start3A_9 = tpu.memref_squeeze %dma_start3A_8 : memref<1x40x128xf32, #tpu.memory_space<vmem>> -> memref<40x128xf32, #tpu.memory_space<vmem>>
    %dma_start3A_10 = arith.constant 0 : i32
    %dma_start3A_11 = tpu.memref_slice %arg6[%dma_start3A, %dma_start3A_10] : memref<250x40xi32, #tpu.memory_space<vmem>> -> memref<1x40xi32, #tpu.memory_space<vmem>>
    %dma_start3A_12 = tpu.memref_squeeze %dma_start3A_11 : memref<1x40xi32, #tpu.memory_space<vmem>> -> memref<40xi32, #tpu.memory_space<vmem>>
    %dma_start3A_13 = arith.constant 0 : i32
    %dma_start3A_14 = arith.constant 0 : i32
    %dma_start3A_15 = tpu.memref_slice %arg2[%dma_start3A_13, %dma_start3A_14] : memref<10000x128xf32, #tpu.memory_space<hbm>> -> memref<10000x128xf32, #tpu.memory_space<hbm>>
    %dma_start3A_16 = tpu.memref_slice %arg10[%dma_start3A_5] : memref<5x!tpu.dma_semaphore, #tpu.memory_space<semaphore_mem>> -> memref<1x!tpu.dma_semaphore, #tpu.memory_space<semaphore_mem>>
    %dma_start3A_17 = tpu.memref_squeeze %dma_start3A_16 : memref<1x!tpu.dma_semaphore, #tpu.memory_space<semaphore_mem>> -> memref<!tpu.dma_semaphore, #tpu.memory_space<semaphore_mem>>
    tpu.enqueue_indirect_dma source(%dma_start3A_15 : memref<10000x128xf32, #tpu.memory_space<hbm>>) target(%dma_start3A_9 : memref<40x128xf32, #tpu.memory_space<vmem>>) offsets(%dma_start3A_12 : memref<40xi32, #tpu.memory_space<vmem>>) semaphore(%dma_start3A_17 : memref<!tpu.dma_semaphore, #tpu.memory_space<semaphore_mem>>)
    %dma_start3A_18 = arith.constant 1 : i32
    %dma_start3A_19 = arith.constant 1 : i32
    %dma_start3A_20 = arith.constant 1 : i32
    %dma_start3A_21 = arith.constant 0 : i32
    %dma_start3A_22 = arith.constant 0 : i32
    %dma_start3A_23 = tpu.memref_slice %arg8[%dma_start3A_19, %dma_start3A_21, %dma_start3A_22] : memref<5x40x128xf32, #tpu.memory_space<vmem>> -> memref<1x40x128xf32, #tpu.memory_space<vmem>>
    %dma_start3A_24 = tpu.memref_squeeze %dma_start3A_23 : memref<1x40x128xf32, #tpu.memory_space<vmem>> -> memref<40x128xf32, #tpu.memory_space<vmem>>
    %dma_start3A_25 = arith.constant 0 : i32
    %dma_start3A_26 = tpu.memref_slice %arg6[%dma_start3A_18, %dma_start3A_25] : memref<250x40xi32, #tpu.memory_space<vmem>> -> memref<1x40xi32, #tpu.memory_space<vmem>>
    %dma_start3A_27 = tpu.memref_squeeze %dma_start3A_26 : memref<1x40xi32, #tpu.memory_space<vmem>> -> memref<40xi32, #tpu.memory_space<vmem>>
    %dma_start3A_28 = arith.constant 0 : i32
    %dma_start3A_29 = arith.constant 0 : i32
    %dma_start3A_30 = tpu.memref_slice %arg2[%dma_start3A_28, %dma_start3A_29] : memref<10000x128xf32, #tpu.memory_space<hbm>> -> memref<10000x128xf32, #tpu.memory_space<hbm>>
    %dma_start3A_31 = tpu.memref_slice %arg10[%dma_start3A_20] : memref<5x!tpu.dma_semaphore, #tpu.memory_space<semaphore_mem>> -> memref<1x!tpu.dma_semaphore, #tpu.memory_space<semaphore_mem>>
    %dma_start3A_32 = tpu.memref_squeeze %dma_start3A_31 : memref<1x!tpu.dma_semaphore, #tpu.memory_space<semaphore_mem>> -> memref<!tpu.dma_semaphore, #tpu.memory_space<semaphore_mem>>
    tpu.enqueue_indirect_dma source(%dma_start3A_30 : memref<10000x128xf32, #tpu.memory_space<hbm>>) target(%dma_start3A_24 : memref<40x128xf32, #tpu.memory_space<vmem>>) offsets(%dma_start3A_27 : memref<40xi32, #tpu.memory_space<vmem>>) semaphore(%dma_start3A_32 : memref<!tpu.dma_semaphore, #tpu.memory_space<semaphore_mem>>)
    %dma_start3A_33 = arith.constant 2 : i32
    %dma_start3A_34 = arith.constant 2 : i32
    %dma_start3A_35 = arith.constant 2 : i32
    %dma_start3A_36 = arith.constant 0 : i32
    %dma_start3A_37 = arith.constant 0 : i32
    %dma_start3A_38 = tpu.memref_slice %arg8[%dma_start3A_34, %dma_start3A_36, %dma_start3A_37] : memref<5x40x128xf32, #tpu.memory_space<vmem>> -> memref<1x40x128xf32, #tpu.memory_space<vmem>>
    %dma_start3A_39 = tpu.memref_squeeze %dma_start3A_38 : memref<1x40x128xf32, #tpu.memory_space<vmem>> -> memref<40x128xf32, #tpu.memory_space<vmem>>
    %dma_start3A_40 = arith.constant 0 : i32
    %dma_start3A_41 = tpu.memref_slice %arg6[%dma_start3A_33, %dma_start3A_40] : memref<250x40xi32, #tpu.memory_space<vmem>> -> memref<1x40xi32, #tpu.memory_space<vmem>>
    %dma_start3A_42 = tpu.memref_squeeze %dma_start3A_41 : memref<1x40xi32, #tpu.memory_space<vmem>> -> memref<40xi32, #tpu.memory_space<vmem>>
    %dma_start3A_43 = arith.constant 0 : i32
    %dma_start3A_44 = arith.constant 0 : i32
    %dma_start3A_45 = tpu.memref_slice %arg2[%dma_start3A_43, %dma_start3A_44] : memref<10000x128xf32, #tpu.memory_space<hbm>> -> memref<10000x128xf32, #tpu.memory_space<hbm>>
    %dma_start3A_46 = tpu.memref_slice %arg10[%dma_start3A_35] : memref<5x!tpu.dma_semaphore, #tpu.memory_space<semaphore_mem>> -> memref<1x!tpu.dma_semaphore, #tpu.memory_space<semaphore_mem>>
    %dma_start3A_47 = tpu.memref_squeeze %dma_start3A_46 : memref<1x!tpu.dma_semaphore, #tpu.memory_space<semaphore_mem>> -> memref<!tpu.dma_semaphore, #tpu.memory_space<semaphore_mem>>
    tpu.enqueue_indirect_dma source(%dma_start3A_45 : memref<10000x128xf32, #tpu.memory_space<hbm>>) target(%dma_start3A_39 : memref<40x128xf32, #tpu.memory_space<vmem>>) offsets(%dma_start3A_42 : memref<40xi32, #tpu.memory_space<vmem>>) semaphore(%dma_start3A_47 : memref<!tpu.dma_semaphore, #tpu.memory_space<semaphore_mem>>)
    %dma_start3A_48 = arith.constant 3 : i32
    %dma_start3A_49 = arith.constant 3 : i32
    %dma_start3A_50 = arith.constant 3 : i32
    %dma_start3A_51 = arith.constant 0 : i32
    %dma_start3A_52 = arith.constant 0 : i32
    %dma_start3A_53 = tpu.memref_slice %arg8[%dma_start3A_49, %dma_start3A_51, %dma_start3A_52] : memref<5x40x128xf32, #tpu.memory_space<vmem>> -> memref<1x40x128xf32, #tpu.memory_space<vmem>>
    %dma_start3A_54 = tpu.memref_squeeze %dma_start3A_53 : memref<1x40x128xf32, #tpu.memory_space<vmem>> -> memref<40x128xf32, #tpu.memory_space<vmem>>
    %dma_start3A_55 = arith.constant 0 : i32
    %dma_start3A_56 = tpu.memref_slice %arg6[%dma_start3A_48, %dma_start3A_55] : memref<250x40xi32, #tpu.memory_space<vmem>> -> memref<1x40xi32, #tpu.memory_space<vmem>>
    %dma_start3A_57 = tpu.memref_squeeze %dma_start3A_56 : memref<1x40xi32, #tpu.memory_space<vmem>> -> memref<40xi32, #tpu.memory_space<vmem>>
    %dma_start3A_58 = arith.constant 0 : i32
    %dma_start3A_59 = arith.constant 0 : i32
    %dma_start3A_60 = tpu.memref_slice %arg2[%dma_start3A_58, %dma_start3A_59] : memref<10000x128xf32, #tpu.memory_space<hbm>> -> memref<10000x128xf32, #tpu.memory_space<hbm>>
    %dma_start3A_61 = tpu.memref_slice %arg10[%dma_start3A_50] : memref<5x!tpu.dma_semaphore, #tpu.memory_space<semaphore_mem>> -> memref<1x!tpu.dma_semaphore, #tpu.memory_space<semaphore_mem>>
    %dma_start3A_62 = tpu.memref_squeeze %dma_start3A_61 : memref<1x!tpu.dma_semaphore, #tpu.memory_space<semaphore_mem>> -> memref<!tpu.dma_semaphore, #tpu.memory_space<semaphore_mem>>
    tpu.enqueue_indirect_dma source(%dma_start3A_60 : memref<10000x128xf32, #tpu.memory_space<hbm>>) target(%dma_start3A_54 : memref<40x128xf32, #tpu.memory_space<vmem>>) offsets(%dma_start3A_57 : memref<40xi32, #tpu.memory_space<vmem>>) semaphore(%dma_start3A_62 : memref<!tpu.dma_semaphore, #tpu.memory_space<semaphore_mem>>)
    %dma_start3A_63 = arith.constant 4 : i32
    %dma_start3A_64 = arith.constant 4 : i32
    %dma_start3A_65 = arith.constant 4 : i32
    %dma_start3A_66 = arith.constant 0 : i32
    %dma_start3A_67 = arith.constant 0 : i32
    %dma_start3A_68 = tpu.memref_slice %arg8[%dma_start3A_64, %dma_start3A_66, %dma_start3A_67] : memref<5x40x128xf32, #tpu.memory_space<vmem>> -> memref<1x40x128xf32, #tpu.memory_space<vmem>>
    %dma_start3A_69 = tpu.memref_squeeze %dma_start3A_68 : memref<1x40x128xf32, #tpu.memory_space<vmem>> -> memref<40x128xf32, #tpu.memory_space<vmem>>
    %dma_start3A_70 = arith.constant 0 : i32
    %dma_start3A_71 = tpu.memref_slice %arg6[%dma_start3A_63, %dma_start3A_70] : memref<250x40xi32, #tpu.memory_space<vmem>> -> memref<1x40xi32, #tpu.memory_space<vmem>>
    %dma_start3A_72 = tpu.memref_squeeze %dma_start3A_71 : memref<1x40xi32, #tpu.memory_space<vmem>> -> memref<40xi32, #tpu.memory_space<vmem>>
    %dma_start3A_73 = arith.constant 0 : i32
    %dma_start3A_74 = arith.constant 0 : i32
    %dma_start3A_75 = tpu.memref_slice %arg2[%dma_start3A_73, %dma_start3A_74] : memref<10000x128xf32, #tpu.memory_space<hbm>> -> memref<10000x128xf32, #tpu.memory_space<hbm>>
    %dma_start3A_76 = tpu.memref_slice %arg10[%dma_start3A_65] : memref<5x!tpu.dma_semaphore, #tpu.memory_space<semaphore_mem>> -> memref<1x!tpu.dma_semaphore, #tpu.memory_space<semaphore_mem>>
    %dma_start3A_77 = tpu.memref_squeeze %dma_start3A_76 : memref<1x!tpu.dma_semaphore, #tpu.memory_space<semaphore_mem>> -> memref<!tpu.dma_semaphore, #tpu.memory_space<semaphore_mem>>
    tpu.enqueue_indirect_dma source(%dma_start3A_75 : memref<10000x128xf32, #tpu.memory_space<hbm>>) target(%dma_start3A_69 : memref<40x128xf32, #tpu.memory_space<vmem>>) offsets(%dma_start3A_72 : memref<40xi32, #tpu.memory_space<vmem>>) semaphore(%dma_start3A_77 : memref<!tpu.dma_semaphore, #tpu.memory_space<semaphore_mem>>)
    %eq3A = arith.constant 0 : i32
    %eq3A_78 = arith.cmpi eq, %arg0, %eq3A : i32
    %lt3A = arith.constant 15 : i32
    %lt3A_79 = arith.cmpi slt, %arg1, %lt3A : i32
    %and3A = arith.andi %eq3A_78, %lt3A_79 : i1
    %convert_element_type3A = arith.extui %and3A : i1 to i32
    %cond3A = arith.constant 0 : i32
    %cond3A_80 = arith.cmpi ne, %convert_element_type3A, %cond3A : i32
    scf.if %cond3A_80 {
      "tpu.region"() ({
        %run_scoped3A_121 = tpu.sem_alloc : memref<!tpu.dma_semaphore, #tpu.memory_space<semaphore_mem>>
        %dma_start3A_122 = arith.constant 0 : i32
        %dma_start3A_123 = tpu.memref_slice %arg9[%multiple_of3A, %dma_start3A_122] : memref<10000x128xf32, #tpu.memory_space<vmem_shared>> -> memref<632x128xf32, #tpu.memory_space<vmem_shared>>
        %dma_start3A_124 = arith.constant 0 : i32
        %dma_start3A_125 = tpu.memref_slice %arg2[%multiple_of3A, %dma_start3A_124] : memref<10000x128xf32, #tpu.memory_space<hbm>> -> memref<632x128xf32, #tpu.memory_space<hbm>>
        tpu.enqueue_dma source(%dma_start3A_125 : memref<632x128xf32, #tpu.memory_space<hbm>>) target(%dma_start3A_123 : memref<632x128xf32, #tpu.memory_space<vmem_shared>>) target_semaphore(%run_scoped3A_121 : memref<!tpu.dma_semaphore, #tpu.memory_space<semaphore_mem>>)
        %dma_wait3A = arith.constant 0 : i32
        %dma_wait3A_126 = tpu.memref_slice %arg9[%multiple_of3A, %dma_wait3A] : memref<10000x128xf32, #tpu.memory_space<vmem_shared>> -> memref<632x128xf32, #tpu.memory_space<vmem_shared>>
        %dma_wait3A_127 = arith.constant 0 : i32
        %dma_wait3A_128 = tpu.memref_slice %arg2[%multiple_of3A, %dma_wait3A_127] : memref<10000x128xf32, #tpu.memory_space<hbm>> -> memref<632x128xf32, #tpu.memory_space<hbm>>
        tpu.wait_dma2 semaphore(%run_scoped3A_121 : memref<!tpu.dma_semaphore, #tpu.memory_space<semaphore_mem>>) src(%dma_wait3A_128 : memref<632x128xf32, #tpu.memory_space<hbm>>) dst(%dma_wait3A_126 : memref<632x128xf32, #tpu.memory_space<vmem_shared>>)
        tpu.yield
      }) : () -> ()
    } else {
    }
    %eq3A_81 = arith.constant 0 : i32
    %eq3A_82 = arith.cmpi eq, %arg0, %eq3A_81 : i32
    %eq3A_83 = arith.constant 15 : i32
    %eq3A_84 = arith.cmpi eq, %arg1, %eq3A_83 : i32
    %and3A_85 = arith.andi %eq3A_82, %eq3A_84 : i1
    %convert_element_type3A_86 = arith.extui %and3A_85 : i1 to i32
    %cond3A_87 = arith.constant 0 : i32
    %cond3A_88 = arith.cmpi ne, %convert_element_type3A_86, %cond3A_87 : i32
    scf.if %cond3A_88 {
      "tpu.region"() ({
        %run_scoped3A_121 = tpu.sem_alloc : memref<!tpu.dma_semaphore, #tpu.memory_space<semaphore_mem>>
        %dma_start3A_122 = arith.constant 9480 : i32
        %dma_start3A_123 = arith.constant 0 : i32
        %dma_start3A_124 = tpu.memref_slice %arg9[%dma_start3A_122, %dma_start3A_123] : memref<10000x128xf32, #tpu.memory_space<vmem_shared>> -> memref<520x128xf32, #tpu.memory_space<vmem_shared>>
        %dma_start3A_125 = arith.constant 9480 : i32
        %dma_start3A_126 = arith.constant 0 : i32
        %dma_start3A_127 = tpu.memref_slice %arg2[%dma_start3A_125, %dma_start3A_126] : memref<10000x128xf32, #tpu.memory_space<hbm>> -> memref<520x128xf32, #tpu.memory_space<hbm>>
        tpu.enqueue_dma source(%dma_start3A_127 : memref<520x128xf32, #tpu.memory_space<hbm>>) target(%dma_start3A_124 : memref<520x128xf32, #tpu.memory_space<vmem_shared>>) target_semaphore(%run_scoped3A_121 : memref<!tpu.dma_semaphore, #tpu.memory_space<semaphore_mem>>)
        %dma_wait3A = arith.constant 9480 : i32
        %dma_wait3A_128 = arith.constant 0 : i32
        %dma_wait3A_129 = tpu.memref_slice %arg9[%dma_wait3A, %dma_wait3A_128] : memref<10000x128xf32, #tpu.memory_space<vmem_shared>> -> memref<520x128xf32, #tpu.memory_space<vmem_shared>>
        %dma_wait3A_130 = arith.constant 9480 : i32
        %dma_wait3A_131 = arith.constant 0 : i32
        %dma_wait3A_132 = tpu.memref_slice %arg2[%dma_wait3A_130, %dma_wait3A_131] : memref<10000x128xf32, #tpu.memory_space<hbm>> -> memref<520x128xf32, #tpu.memory_space<hbm>>
        tpu.wait_dma2 semaphore(%run_scoped3A_121 : memref<!tpu.dma_semaphore, #tpu.memory_space<semaphore_mem>>) src(%dma_wait3A_132 : memref<520x128xf32, #tpu.memory_space<hbm>>) dst(%dma_wait3A_129 : memref<520x128xf32, #tpu.memory_space<vmem_shared>>)
        tpu.yield
      }) : () -> ()
    } else {
    }
    %eq3A_89 = arith.constant 1 : i32
    %eq3A_90 = arith.cmpi eq, %arg0, %eq3A_89 : i32
    %lt3A_91 = arith.constant 15 : i32
    %lt3A_92 = arith.cmpi slt, %arg1, %lt3A_91 : i32
    %and3A_93 = arith.andi %eq3A_90, %lt3A_92 : i1
    %convert_element_type3A_94 = arith.extui %and3A_93 : i1 to i32
    %cond3A_95 = arith.constant 0 : i32
    %cond3A_96 = arith.cmpi ne, %convert_element_type3A_94, %cond3A_95 : i32
    scf.if %cond3A_96 {
      "tpu.region"() ({
        %run_scoped3A_121 = tpu.sem_alloc : memref<!tpu.dma_semaphore, #tpu.memory_space<semaphore_mem>>
        %dma_start3A_122 = arith.constant 0 : i32
        %dma_start3A_123 = tpu.memref_slice %arg9[%multiple_of3A, %dma_start3A_122] : memref<10000x128xf32, #tpu.memory_space<vmem_shared>> -> memref<632x128xf32, #tpu.memory_space<vmem_shared>>
        %dma_start3A_124 = arith.constant 0 : i32
        %dma_start3A_125 = tpu.memref_slice %arg3[%multiple_of3A, %dma_start3A_124] : memref<10000x128xf32, #tpu.memory_space<hbm>> -> memref<632x128xf32, #tpu.memory_space<hbm>>
        tpu.enqueue_dma source(%dma_start3A_125 : memref<632x128xf32, #tpu.memory_space<hbm>>) target(%dma_start3A_123 : memref<632x128xf32, #tpu.memory_space<vmem_shared>>) target_semaphore(%run_scoped3A_121 : memref<!tpu.dma_semaphore, #tpu.memory_space<semaphore_mem>>)
        %dma_wait3A = arith.constant 0 : i32
        %dma_wait3A_126 = tpu.memref_slice %arg9[%multiple_of3A, %dma_wait3A] : memref<10000x128xf32, #tpu.memory_space<vmem_shared>> -> memref<632x128xf32, #tpu.memory_space<vmem_shared>>
        %dma_wait3A_127 = arith.constant 0 : i32
        %dma_wait3A_128 = tpu.memref_slice %arg3[%multiple_of3A, %dma_wait3A_127] : memref<10000x128xf32, #tpu.memory_space<hbm>> -> memref<632x128xf32, #tpu.memory_space<hbm>>
        tpu.wait_dma2 semaphore(%run_scoped3A_121 : memref<!tpu.dma_semaphore, #tpu.memory_space<semaphore_mem>>) src(%dma_wait3A_128 : memref<632x128xf32, #tpu.memory_space<hbm>>) dst(%dma_wait3A_126 : memref<632x128xf32, #tpu.memory_space<vmem_shared>>)
        tpu.yield
      }) : () -> ()
    } else {
    }
    %eq3A_97 = arith.constant 1 : i32
    %eq3A_98 = arith.cmpi eq, %arg0, %eq3A_97 : i32
    %eq3A_99 = arith.constant 15 : i32
    %eq3A_100 = arith.cmpi eq, %arg1, %eq3A_99 : i32
    %and3A_101 = arith.andi %eq3A_98, %eq3A_100 : i1
    %convert_element_type3A_102 = arith.extui %and3A_101 : i1 to i32
    %cond3A_103 = arith.constant 0 : i32
    %cond3A_104 = arith.cmpi ne, %convert_element_type3A_102, %cond3A_103 : i32
    scf.if %cond3A_104 {
      "tpu.region"() ({
        %run_scoped3A_121 = tpu.sem_alloc : memref<!tpu.dma_semaphore, #tpu.memory_space<semaphore_mem>>
        %dma_start3A_122 = arith.constant 9480 : i32
        %dma_start3A_123 = arith.constant 0 : i32
        %dma_start3A_124 = tpu.memref_slice %arg9[%dma_start3A_122, %dma_start3A_123] : memref<10000x128xf32, #tpu.memory_space<vmem_shared>> -> memref<520x128xf32, #tpu.memory_space<vmem_shared>>
        %dma_start3A_125 = arith.constant 9480 : i32
        %dma_start3A_126 = arith.constant 0 : i32
        %dma_start3A_127 = tpu.memref_slice %arg3[%dma_start3A_125, %dma_start3A_126] : memref<10000x128xf32, #tpu.memory_space<hbm>> -> memref<520x128xf32, #tpu.memory_space<hbm>>
        tpu.enqueue_dma source(%dma_start3A_127 : memref<520x128xf32, #tpu.memory_space<hbm>>) target(%dma_start3A_124 : memref<520x128xf32, #tpu.memory_space<vmem_shared>>) target_semaphore(%run_scoped3A_121 : memref<!tpu.dma_semaphore, #tpu.memory_space<semaphore_mem>>)
        %dma_wait3A = arith.constant 9480 : i32
        %dma_wait3A_128 = arith.constant 0 : i32
        %dma_wait3A_129 = tpu.memref_slice %arg9[%dma_wait3A, %dma_wait3A_128] : memref<10000x128xf32, #tpu.memory_space<vmem_shared>> -> memref<520x128xf32, #tpu.memory_space<vmem_shared>>
        %dma_wait3A_130 = arith.constant 9480 : i32
        %dma_wait3A_131 = arith.constant 0 : i32
        %dma_wait3A_132 = tpu.memref_slice %arg3[%dma_wait3A_130, %dma_wait3A_131] : memref<10000x128xf32, #tpu.memory_space<hbm>> -> memref<520x128xf32, #tpu.memory_space<hbm>>
        tpu.wait_dma2 semaphore(%run_scoped3A_121 : memref<!tpu.dma_semaphore, #tpu.memory_space<semaphore_mem>>) src(%dma_wait3A_132 : memref<520x128xf32, #tpu.memory_space<hbm>>) dst(%dma_wait3A_129 : memref<520x128xf32, #tpu.memory_space<vmem_shared>>)
        tpu.yield
      }) : () -> ()
    } else {
    }
    %barrier3A = arith.constant 0 : index
    tpu.barrier barrier_id(%barrier3A)
    %scan3A = arith.constant 0 : i32
    %scan3A_105 = arith.constant 0 : i32
    %scan3A_106 = arith.constant 50 : i32
    %scan3A_107 = arith.addi %scan3A_105, %scan3A_106 : i32
    %scan3A_108 = arith.constant 1 : i32
    scf.for %scan3A_121 = %scan3A_105 to %scan3A_107 step %scan3A_108  : i32 {
      %mul3A_122 = arith.constant 5 : i32
      %mul3A_123 = arith.muli %scan3A_121, %mul3A_122 : i32
      %add3A_124 = arith.constant 0 : i32
      %add3A_125 = arith.addi %mul3A_123, %add3A_124 : i32
      %dma_wait3A = arith.constant 0 : i32
      %dma_wait3A_126 = arith.constant 0 : i32
      %dma_wait3A_127 = arith.constant 0 : i32
      %dma_wait3A_128 = arith.constant 0 : i32
      %dma_wait3A_129 = tpu.memref_slice %arg8[%dma_wait3A, %dma_wait3A_127, %dma_wait3A_128] : memref<5x40x128xf32, #tpu.memory_space<vmem>> -> memref<1x40x128xf32, #tpu.memory_space<vmem>>
      %dma_wait3A_130 = tpu.memref_squeeze %dma_wait3A_129 : memref<1x40x128xf32, #tpu.memory_space<vmem>> -> memref<40x128xf32, #tpu.memory_space<vmem>>
      %dma_wait3A_131 = arith.constant 0 : i32
      %dma_wait3A_132 = tpu.memref_slice %arg6[%add3A_125, %dma_wait3A_131] : memref<250x40xi32, #tpu.memory_space<vmem>> -> memref<1x40xi32, #tpu.memory_space<vmem>>
      %dma_wait3A_133 = tpu.memref_squeeze %dma_wait3A_132 : memref<1x40xi32, #tpu.memory_space<vmem>> -> memref<40xi32, #tpu.memory_space<vmem>>
      %dma_wait3A_134 = arith.constant 0 : i32
      %dma_wait3A_135 = arith.constant 0 : i32
      %dma_wait3A_136 = tpu.memref_slice %arg2[%dma_wait3A_134, %dma_wait3A_135] : memref<10000x128xf32, #tpu.memory_space<hbm>> -> memref<10000x128xf32, #tpu.memory_space<hbm>>
      %dma_wait3A_137 = tpu.memref_slice %arg10[%dma_wait3A_126] : memref<5x!tpu.dma_semaphore, #tpu.memory_space<semaphore_mem>> -> memref<1x!tpu.dma_semaphore, #tpu.memory_space<semaphore_mem>>
      %dma_wait3A_138 = tpu.memref_squeeze %dma_wait3A_137 : memref<1x!tpu.dma_semaphore, #tpu.memory_space<semaphore_mem>> -> memref<!tpu.dma_semaphore, #tpu.memory_space<semaphore_mem>>
      tpu.wait_indirect_dma semaphore(%dma_wait3A_138 : memref<!tpu.dma_semaphore, #tpu.memory_space<semaphore_mem>>) src(%dma_wait3A_136 : memref<10000x128xf32, #tpu.memory_space<hbm>>) dst(%dma_wait3A_130 : memref<40x128xf32, #tpu.memory_space<vmem>>)
      %run_scoped3A_139 = arith.constant 0 : i32
      "tpu.region"() ({
        %run_scoped3A_251 = tpu.sem_alloc : memref<!tpu.dma_semaphore, #tpu.memory_space<semaphore_mem>>
        %dma_start3A_252 = arith.constant 0 : i32
        %dma_start3A_253 = arith.constant 0 : i32
        %dma_start3A_254 = tpu.memref_slice %arg8[%run_scoped3A_139, %dma_start3A_252, %dma_start3A_253] : memref<5x40x128xf32, #tpu.memory_space<vmem>> -> memref<1x40x128xf32, #tpu.memory_space<vmem>>
        %dma_start3A_255 = tpu.memref_squeeze %dma_start3A_254 : memref<1x40x128xf32, #tpu.memory_space<vmem>> -> memref<40x128xf32, #tpu.memory_space<vmem>>
        %dma_start3A_256 = arith.constant 0 : i32
        %dma_start3A_257 = tpu.memref_slice %arg7[%add3A_125, %dma_start3A_256] : memref<250x40xi32, #tpu.memory_space<vmem>> -> memref<1x40xi32, #tpu.memory_space<vmem>>
        %dma_start3A_258 = tpu.memref_squeeze %dma_start3A_257 : memref<1x40xi32, #tpu.memory_space<vmem>> -> memref<40xi32, #tpu.memory_space<vmem>>
        %dma_start3A_259 = arith.constant 0 : i32
        %dma_start3A_260 = arith.constant 0 : i32
        %dma_start3A_261 = tpu.memref_slice %arg9[%dma_start3A_259, %dma_start3A_260] : memref<10000x128xf32, #tpu.memory_space<vmem_shared>> -> memref<10000x128xf32, #tpu.memory_space<vmem_shared>>
        tpu.enqueue_indirect_dma source(%dma_start3A_255 : memref<40x128xf32, #tpu.memory_space<vmem>>) target(%dma_start3A_261 : memref<10000x128xf32, #tpu.memory_space<vmem_shared>>) offsets(%dma_start3A_258 : memref<40xi32, #tpu.memory_space<vmem>>) semaphore(%run_scoped3A_251 : memref<!tpu.dma_semaphore, #tpu.memory_space<semaphore_mem>>) {add = true}
        %dma_wait3A_262 = arith.constant 0 : i32
        %dma_wait3A_263 = arith.constant 0 : i32
        %dma_wait3A_264 = tpu.memref_slice %arg8[%run_scoped3A_139, %dma_wait3A_262, %dma_wait3A_263] : memref<5x40x128xf32, #tpu.memory_space<vmem>> -> memref<1x40x128xf32, #tpu.memory_space<vmem>>
        %dma_wait3A_265 = tpu.memref_squeeze %dma_wait3A_264 : memref<1x40x128xf32, #tpu.memory_space<vmem>> -> memref<40x128xf32, #tpu.memory_space<vmem>>
        %dma_wait3A_266 = arith.constant 0 : i32
        %dma_wait3A_267 = tpu.memref_slice %arg7[%add3A_125, %dma_wait3A_266] : memref<250x40xi32, #tpu.memory_space<vmem>> -> memref<1x40xi32, #tpu.memory_space<vmem>>
        %dma_wait3A_268 = tpu.memref_squeeze %dma_wait3A_267 : memref<1x40xi32, #tpu.memory_space<vmem>> -> memref<40xi32, #tpu.memory_space<vmem>>
        %dma_wait3A_269 = arith.constant 0 : i32
        %dma_wait3A_270 = arith.constant 0 : i32
        %dma_wait3A_271 = tpu.memref_slice %arg9[%dma_wait3A_269, %dma_wait3A_270] : memref<10000x128xf32, #tpu.memory_space<vmem_shared>> -> memref<10000x128xf32, #tpu.memory_space<vmem_shared>>
        tpu.wait_indirect_dma semaphore(%run_scoped3A_251 : memref<!tpu.dma_semaphore, #tpu.memory_space<semaphore_mem>>) src(%dma_wait3A_265 : memref<40x128xf32, #tpu.memory_space<vmem>>) dst(%dma_wait3A_271 : memref<10000x128xf32, #tpu.memory_space<vmem_shared>>)
        tpu.yield
      }) : () -> ()
      %add3A_140 = arith.constant 5 : i32
      %add3A_141 = arith.addi %add3A_125, %add3A_140 : i32
      %lt3A_142 = arith.constant 250 : i32
      %lt3A_143 = arith.cmpi slt, %add3A_141, %lt3A_142 : i32
      %convert_element_type3A_144 = arith.extui %lt3A_143 : i1 to i32
      %cond3A_145 = arith.constant 0 : i32
      %cond3A_146 = arith.cmpi ne, %convert_element_type3A_144, %cond3A_145 : i32
      scf.if %cond3A_146 {
        %add3A_251 = arith.constant 5 : i32
        %add3A_252 = arith.addi %add3A_125, %add3A_251 : i32
        %dma_start3A_253 = arith.constant 0 : i32
        %dma_start3A_254 = arith.constant 0 : i32
        %dma_start3A_255 = arith.constant 0 : i32
        %dma_start3A_256 = arith.constant 0 : i32
        %dma_start3A_257 = tpu.memref_slice %arg8[%dma_start3A_253, %dma_start3A_255, %dma_start3A_256] : memref<5x40x128xf32, #tpu.memory_space<vmem>> -> memref<1x40x128xf32, #tpu.memory_space<vmem>>
        %dma_start3A_258 = tpu.memref_squeeze %dma_start3A_257 : memref<1x40x128xf32, #tpu.memory_space<vmem>> -> memref<40x128xf32, #tpu.memory_space<vmem>>
        %dma_start3A_259 = arith.constant 0 : i32
        %dma_start3A_260 = tpu.memref_slice %arg6[%add3A_252, %dma_start3A_259] : memref<250x40xi32, #tpu.memory_space<vmem>> -> memref<1x40xi32, #tpu.memory_space<vmem>>
        %dma_start3A_261 = tpu.memref_squeeze %dma_start3A_260 : memref<1x40xi32, #tpu.memory_space<vmem>> -> memref<40xi32, #tpu.memory_space<vmem>>
        %dma_start3A_262 = arith.constant 0 : i32
        %dma_start3A_263 = arith.constant 0 : i32
        %dma_start3A_264 = tpu.memref_slice %arg2[%dma_start3A_262, %dma_start3A_263] : memref<10000x128xf32, #tpu.memory_space<hbm>> -> memref<10000x128xf32, #tpu.memory_space<hbm>>
        %dma_start3A_265 = tpu.memref_slice %arg10[%dma_start3A_254] : memref<5x!tpu.dma_semaphore, #tpu.memory_space<semaphore_mem>> -> memref<1x!tpu.dma_semaphore, #tpu.memory_space<semaphore_mem>>
        %dma_start3A_266 = tpu.memref_squeeze %dma_start3A_265 : memref<1x!tpu.dma_semaphore, #tpu.memory_space<semaphore_mem>> -> memref<!tpu.dma_semaphore, #tpu.memory_space<semaphore_mem>>
        tpu.enqueue_indirect_dma source(%dma_start3A_264 : memref<10000x128xf32, #tpu.memory_space<hbm>>) target(%dma_start3A_258 : memref<40x128xf32, #tpu.memory_space<vmem>>) offsets(%dma_start3A_261 : memref<40xi32, #tpu.memory_space<vmem>>) semaphore(%dma_start3A_266 : memref<!tpu.dma_semaphore, #tpu.memory_space<semaphore_mem>>)
      } else {
      }
      %mul3A_147 = arith.constant 5 : i32
      %mul3A_148 = arith.muli %scan3A_121, %mul3A_147 : i32
      %add3A_149 = arith.constant 1 : i32
      %add3A_150 = arith.addi %mul3A_148, %add3A_149 : i32
      %dma_wait3A_151 = arith.constant 1 : i32
      %dma_wait3A_152 = arith.constant 1 : i32
      %dma_wait3A_153 = arith.constant 0 : i32
      %dma_wait3A_154 = arith.constant 0 : i32
      %dma_wait3A_155 = tpu.memref_slice %arg8[%dma_wait3A_151, %dma_wait3A_153, %dma_wait3A_154] : memref<5x40x128xf32, #tpu.memory_space<vmem>> -> memref<1x40x128xf32, #tpu.memory_space<vmem>>
      %dma_wait3A_156 = tpu.memref_squeeze %dma_wait3A_155 : memref<1x40x128xf32, #tpu.memory_space<vmem>> -> memref<40x128xf32, #tpu.memory_space<vmem>>
      %dma_wait3A_157 = arith.constant 0 : i32
      %dma_wait3A_158 = tpu.memref_slice %arg6[%add3A_150, %dma_wait3A_157] : memref<250x40xi32, #tpu.memory_space<vmem>> -> memref<1x40xi32, #tpu.memory_space<vmem>>
      %dma_wait3A_159 = tpu.memref_squeeze %dma_wait3A_158 : memref<1x40xi32, #tpu.memory_space<vmem>> -> memref<40xi32, #tpu.memory_space<vmem>>
      %dma_wait3A_160 = arith.constant 0 : i32
      %dma_wait3A_161 = arith.constant 0 : i32
      %dma_wait3A_162 = tpu.memref_slice %arg2[%dma_wait3A_160, %dma_wait3A_161] : memref<10000x128xf32, #tpu.memory_space<hbm>> -> memref<10000x128xf32, #tpu.memory_space<hbm>>
      %dma_wait3A_163 = tpu.memref_slice %arg10[%dma_wait3A_152] : memref<5x!tpu.dma_semaphore, #tpu.memory_space<semaphore_mem>> -> memref<1x!tpu.dma_semaphore, #tpu.memory_space<semaphore_mem>>
      %dma_wait3A_164 = tpu.memref_squeeze %dma_wait3A_163 : memref<1x!tpu.dma_semaphore, #tpu.memory_space<semaphore_mem>> -> memref<!tpu.dma_semaphore, #tpu.memory_space<semaphore_mem>>
      tpu.wait_indirect_dma semaphore(%dma_wait3A_164 : memref<!tpu.dma_semaphore, #tpu.memory_space<semaphore_mem>>) src(%dma_wait3A_162 : memref<10000x128xf32, #tpu.memory_space<hbm>>) dst(%dma_wait3A_156 : memref<40x128xf32, #tpu.memory_space<vmem>>)
      %run_scoped3A_165 = arith.constant 1 : i32
      "tpu.region"() ({
        %run_scoped3A_251 = tpu.sem_alloc : memref<!tpu.dma_semaphore, #tpu.memory_space<semaphore_mem>>
        %dma_start3A_252 = arith.constant 0 : i32
        %dma_start3A_253 = arith.constant 0 : i32
        %dma_start3A_254 = tpu.memref_slice %arg8[%run_scoped3A_165, %dma_start3A_252, %dma_start3A_253] : memref<5x40x128xf32, #tpu.memory_space<vmem>> -> memref<1x40x128xf32, #tpu.memory_space<vmem>>
        %dma_start3A_255 = tpu.memref_squeeze %dma_start3A_254 : memref<1x40x128xf32, #tpu.memory_space<vmem>> -> memref<40x128xf32, #tpu.memory_space<vmem>>
        %dma_start3A_256 = arith.constant 0 : i32
        %dma_start3A_257 = tpu.memref_slice %arg7[%add3A_150, %dma_start3A_256] : memref<250x40xi32, #tpu.memory_space<vmem>> -> memref<1x40xi32, #tpu.memory_space<vmem>>
        %dma_start3A_258 = tpu.memref_squeeze %dma_start3A_257 : memref<1x40xi32, #tpu.memory_space<vmem>> -> memref<40xi32, #tpu.memory_space<vmem>>
        %dma_start3A_259 = arith.constant 0 : i32
        %dma_start3A_260 = arith.constant 0 : i32
        %dma_start3A_261 = tpu.memref_slice %arg9[%dma_start3A_259, %dma_start3A_260] : memref<10000x128xf32, #tpu.memory_space<vmem_shared>> -> memref<10000x128xf32, #tpu.memory_space<vmem_shared>>
        tpu.enqueue_indirect_dma source(%dma_start3A_255 : memref<40x128xf32, #tpu.memory_space<vmem>>) target(%dma_start3A_261 : memref<10000x128xf32, #tpu.memory_space<vmem_shared>>) offsets(%dma_start3A_258 : memref<40xi32, #tpu.memory_space<vmem>>) semaphore(%run_scoped3A_251 : memref<!tpu.dma_semaphore, #tpu.memory_space<semaphore_mem>>) {add = true}
        %dma_wait3A_262 = arith.constant 0 : i32
        %dma_wait3A_263 = arith.constant 0 : i32
        %dma_wait3A_264 = tpu.memref_slice %arg8[%run_scoped3A_165, %dma_wait3A_262, %dma_wait3A_263] : memref<5x40x128xf32, #tpu.memory_space<vmem>> -> memref<1x40x128xf32, #tpu.memory_space<vmem>>
        %dma_wait3A_265 = tpu.memref_squeeze %dma_wait3A_264 : memref<1x40x128xf32, #tpu.memory_space<vmem>> -> memref<40x128xf32, #tpu.memory_space<vmem>>
        %dma_wait3A_266 = arith.constant 0 : i32
        %dma_wait3A_267 = tpu.memref_slice %arg7[%add3A_150, %dma_wait3A_266] : memref<250x40xi32, #tpu.memory_space<vmem>> -> memref<1x40xi32, #tpu.memory_space<vmem>>
        %dma_wait3A_268 = tpu.memref_squeeze %dma_wait3A_267 : memref<1x40xi32, #tpu.memory_space<vmem>> -> memref<40xi32, #tpu.memory_space<vmem>>
        %dma_wait3A_269 = arith.constant 0 : i32
        %dma_wait3A_270 = arith.constant 0 : i32
        %dma_wait3A_271 = tpu.memref_slice %arg9[%dma_wait3A_269, %dma_wait3A_270] : memref<10000x128xf32, #tpu.memory_space<vmem_shared>> -> memref<10000x128xf32, #tpu.memory_space<vmem_shared>>
        tpu.wait_indirect_dma semaphore(%run_scoped3A_251 : memref<!tpu.dma_semaphore, #tpu.memory_space<semaphore_mem>>) src(%dma_wait3A_265 : memref<40x128xf32, #tpu.memory_space<vmem>>) dst(%dma_wait3A_271 : memref<10000x128xf32, #tpu.memory_space<vmem_shared>>)
        tpu.yield
      }) : () -> ()
      %add3A_166 = arith.constant 5 : i32
      %add3A_167 = arith.addi %add3A_150, %add3A_166 : i32
      %lt3A_168 = arith.constant 250 : i32
      %lt3A_169 = arith.cmpi slt, %add3A_167, %lt3A_168 : i32
      %convert_element_type3A_170 = arith.extui %lt3A_169 : i1 to i32
      %cond3A_171 = arith.constant 0 : i32
      %cond3A_172 = arith.cmpi ne, %convert_element_type3A_170, %cond3A_171 : i32
      scf.if %cond3A_172 {
        %add3A_251 = arith.constant 5 : i32
        %add3A_252 = arith.addi %add3A_150, %add3A_251 : i32
        %dma_start3A_253 = arith.constant 1 : i32
        %dma_start3A_254 = arith.constant 1 : i32
        %dma_start3A_255 = arith.constant 0 : i32
        %dma_start3A_256 = arith.constant 0 : i32
        %dma_start3A_257 = tpu.memref_slice %arg8[%dma_start3A_253, %dma_start3A_255, %dma_start3A_256] : memref<5x40x128xf32, #tpu.memory_space<vmem>> -> memref<1x40x128xf32, #tpu.memory_space<vmem>>
        %dma_start3A_258 = tpu.memref_squeeze %dma_start3A_257 : memref<1x40x128xf32, #tpu.memory_space<vmem>> -> memref<40x128xf32, #tpu.memory_space<vmem>>
        %dma_start3A_259 = arith.constant 0 : i32
        %dma_start3A_260 = tpu.memref_slice %arg6[%add3A_252, %dma_start3A_259] : memref<250x40xi32, #tpu.memory_space<vmem>> -> memref<1x40xi32, #tpu.memory_space<vmem>>
        %dma_start3A_261 = tpu.memref_squeeze %dma_start3A_260 : memref<1x40xi32, #tpu.memory_space<vmem>> -> memref<40xi32, #tpu.memory_space<vmem>>
        %dma_start3A_262 = arith.constant 0 : i32
        %dma_start3A_263 = arith.constant 0 : i32
        %dma_start3A_264 = tpu.memref_slice %arg2[%dma_start3A_262, %dma_start3A_263] : memref<10000x128xf32, #tpu.memory_space<hbm>> -> memref<10000x128xf32, #tpu.memory_space<hbm>>
        %dma_start3A_265 = tpu.memref_slice %arg10[%dma_start3A_254] : memref<5x!tpu.dma_semaphore, #tpu.memory_space<semaphore_mem>> -> memref<1x!tpu.dma_semaphore, #tpu.memory_space<semaphore_mem>>
        %dma_start3A_266 = tpu.memref_squeeze %dma_start3A_265 : memref<1x!tpu.dma_semaphore, #tpu.memory_space<semaphore_mem>> -> memref<!tpu.dma_semaphore, #tpu.memory_space<semaphore_mem>>
        tpu.enqueue_indirect_dma source(%dma_start3A_264 : memref<10000x128xf32, #tpu.memory_space<hbm>>) target(%dma_start3A_258 : memref<40x128xf32, #tpu.memory_space<vmem>>) offsets(%dma_start3A_261 : memref<40xi32, #tpu.memory_space<vmem>>) semaphore(%dma_start3A_266 : memref<!tpu.dma_semaphore, #tpu.memory_space<semaphore_mem>>)
      } else {
      }
      %mul3A_173 = arith.constant 5 : i32
      %mul3A_174 = arith.muli %scan3A_121, %mul3A_173 : i32
      %add3A_175 = arith.constant 2 : i32
      %add3A_176 = arith.addi %mul3A_174, %add3A_175 : i32
      %dma_wait3A_177 = arith.constant 2 : i32
      %dma_wait3A_178 = arith.constant 2 : i32
      %dma_wait3A_179 = arith.constant 0 : i32
      %dma_wait3A_180 = arith.constant 0 : i32
      %dma_wait3A_181 = tpu.memref_slice %arg8[%dma_wait3A_177, %dma_wait3A_179, %dma_wait3A_180] : memref<5x40x128xf32, #tpu.memory_space<vmem>> -> memref<1x40x128xf32, #tpu.memory_space<vmem>>
      %dma_wait3A_182 = tpu.memref_squeeze %dma_wait3A_181 : memref<1x40x128xf32, #tpu.memory_space<vmem>> -> memref<40x128xf32, #tpu.memory_space<vmem>>
      %dma_wait3A_183 = arith.constant 0 : i32
      %dma_wait3A_184 = tpu.memref_slice %arg6[%add3A_176, %dma_wait3A_183] : memref<250x40xi32, #tpu.memory_space<vmem>> -> memref<1x40xi32, #tpu.memory_space<vmem>>
      %dma_wait3A_185 = tpu.memref_squeeze %dma_wait3A_184 : memref<1x40xi32, #tpu.memory_space<vmem>> -> memref<40xi32, #tpu.memory_space<vmem>>
      %dma_wait3A_186 = arith.constant 0 : i32
      %dma_wait3A_187 = arith.constant 0 : i32
      %dma_wait3A_188 = tpu.memref_slice %arg2[%dma_wait3A_186, %dma_wait3A_187] : memref<10000x128xf32, #tpu.memory_space<hbm>> -> memref<10000x128xf32, #tpu.memory_space<hbm>>
      %dma_wait3A_189 = tpu.memref_slice %arg10[%dma_wait3A_178] : memref<5x!tpu.dma_semaphore, #tpu.memory_space<semaphore_mem>> -> memref<1x!tpu.dma_semaphore, #tpu.memory_space<semaphore_mem>>
      %dma_wait3A_190 = tpu.memref_squeeze %dma_wait3A_189 : memref<1x!tpu.dma_semaphore, #tpu.memory_space<semaphore_mem>> -> memref<!tpu.dma_semaphore, #tpu.memory_space<semaphore_mem>>
      tpu.wait_indirect_dma semaphore(%dma_wait3A_190 : memref<!tpu.dma_semaphore, #tpu.memory_space<semaphore_mem>>) src(%dma_wait3A_188 : memref<10000x128xf32, #tpu.memory_space<hbm>>) dst(%dma_wait3A_182 : memref<40x128xf32, #tpu.memory_space<vmem>>)
      %run_scoped3A_191 = arith.constant 2 : i32
      "tpu.region"() ({
        %run_scoped3A_251 = tpu.sem_alloc : memref<!tpu.dma_semaphore, #tpu.memory_space<semaphore_mem>>
        %dma_start3A_252 = arith.constant 0 : i32
        %dma_start3A_253 = arith.constant 0 : i32
        %dma_start3A_254 = tpu.memref_slice %arg8[%run_scoped3A_191, %dma_start3A_252, %dma_start3A_253] : memref<5x40x128xf32, #tpu.memory_space<vmem>> -> memref<1x40x128xf32, #tpu.memory_space<vmem>>
        %dma_start3A_255 = tpu.memref_squeeze %dma_start3A_254 : memref<1x40x128xf32, #tpu.memory_space<vmem>> -> memref<40x128xf32, #tpu.memory_space<vmem>>
        %dma_start3A_256 = arith.constant 0 : i32
        %dma_start3A_257 = tpu.memref_slice %arg7[%add3A_176, %dma_start3A_256] : memref<250x40xi32, #tpu.memory_space<vmem>> -> memref<1x40xi32, #tpu.memory_space<vmem>>
        %dma_start3A_258 = tpu.memref_squeeze %dma_start3A_257 : memref<1x40xi32, #tpu.memory_space<vmem>> -> memref<40xi32, #tpu.memory_space<vmem>>
        %dma_start3A_259 = arith.constant 0 : i32
        %dma_start3A_260 = arith.constant 0 : i32
        %dma_start3A_261 = tpu.memref_slice %arg9[%dma_start3A_259, %dma_start3A_260] : memref<10000x128xf32, #tpu.memory_space<vmem_shared>> -> memref<10000x128xf32, #tpu.memory_space<vmem_shared>>
        tpu.enqueue_indirect_dma source(%dma_start3A_255 : memref<40x128xf32, #tpu.memory_space<vmem>>) target(%dma_start3A_261 : memref<10000x128xf32, #tpu.memory_space<vmem_shared>>) offsets(%dma_start3A_258 : memref<40xi32, #tpu.memory_space<vmem>>) semaphore(%run_scoped3A_251 : memref<!tpu.dma_semaphore, #tpu.memory_space<semaphore_mem>>) {add = true}
        %dma_wait3A_262 = arith.constant 0 : i32
        %dma_wait3A_263 = arith.constant 0 : i32
        %dma_wait3A_264 = tpu.memref_slice %arg8[%run_scoped3A_191, %dma_wait3A_262, %dma_wait3A_263] : memref<5x40x128xf32, #tpu.memory_space<vmem>> -> memref<1x40x128xf32, #tpu.memory_space<vmem>>
        %dma_wait3A_265 = tpu.memref_squeeze %dma_wait3A_264 : memref<1x40x128xf32, #tpu.memory_space<vmem>> -> memref<40x128xf32, #tpu.memory_space<vmem>>
        %dma_wait3A_266 = arith.constant 0 : i32
        %dma_wait3A_267 = tpu.memref_slice %arg7[%add3A_176, %dma_wait3A_266] : memref<250x40xi32, #tpu.memory_space<vmem>> -> memref<1x40xi32, #tpu.memory_space<vmem>>
        %dma_wait3A_268 = tpu.memref_squeeze %dma_wait3A_267 : memref<1x40xi32, #tpu.memory_space<vmem>> -> memref<40xi32, #tpu.memory_space<vmem>>
        %dma_wait3A_269 = arith.constant 0 : i32
        %dma_wait3A_270 = arith.constant 0 : i32
        %dma_wait3A_271 = tpu.memref_slice %arg9[%dma_wait3A_269, %dma_wait3A_270] : memref<10000x128xf32, #tpu.memory_space<vmem_shared>> -> memref<10000x128xf32, #tpu.memory_space<vmem_shared>>
        tpu.wait_indirect_dma semaphore(%run_scoped3A_251 : memref<!tpu.dma_semaphore, #tpu.memory_space<semaphore_mem>>) src(%dma_wait3A_265 : memref<40x128xf32, #tpu.memory_space<vmem>>) dst(%dma_wait3A_271 : memref<10000x128xf32, #tpu.memory_space<vmem_shared>>)
        tpu.yield
      }) : () -> ()
      %add3A_192 = arith.constant 5 : i32
      %add3A_193 = arith.addi %add3A_176, %add3A_192 : i32
      %lt3A_194 = arith.constant 250 : i32
      %lt3A_195 = arith.cmpi slt, %add3A_193, %lt3A_194 : i32
      %convert_element_type3A_196 = arith.extui %lt3A_195 : i1 to i32
      %cond3A_197 = arith.constant 0 : i32
      %cond3A_198 = arith.cmpi ne, %convert_element_type3A_196, %cond3A_197 : i32
      scf.if %cond3A_198 {
        %add3A_251 = arith.constant 5 : i32
        %add3A_252 = arith.addi %add3A_176, %add3A_251 : i32
        %dma_start3A_253 = arith.constant 2 : i32
        %dma_start3A_254 = arith.constant 2 : i32
        %dma_start3A_255 = arith.constant 0 : i32
        %dma_start3A_256 = arith.constant 0 : i32
        %dma_start3A_257 = tpu.memref_slice %arg8[%dma_start3A_253, %dma_start3A_255, %dma_start3A_256] : memref<5x40x128xf32, #tpu.memory_space<vmem>> -> memref<1x40x128xf32, #tpu.memory_space<vmem>>
        %dma_start3A_258 = tpu.memref_squeeze %dma_start3A_257 : memref<1x40x128xf32, #tpu.memory_space<vmem>> -> memref<40x128xf32, #tpu.memory_space<vmem>>
        %dma_start3A_259 = arith.constant 0 : i32
        %dma_start3A_260 = tpu.memref_slice %arg6[%add3A_252, %dma_start3A_259] : memref<250x40xi32, #tpu.memory_space<vmem>> -> memref<1x40xi32, #tpu.memory_space<vmem>>
        %dma_start3A_261 = tpu.memref_squeeze %dma_start3A_260 : memref<1x40xi32, #tpu.memory_space<vmem>> -> memref<40xi32, #tpu.memory_space<vmem>>
        %dma_start3A_262 = arith.constant 0 : i32
        %dma_start3A_263 = arith.constant 0 : i32
        %dma_start3A_264 = tpu.memref_slice %arg2[%dma_start3A_262, %dma_start3A_263] : memref<10000x128xf32, #tpu.memory_space<hbm>> -> memref<10000x128xf32, #tpu.memory_space<hbm>>
        %dma_start3A_265 = tpu.memref_slice %arg10[%dma_start3A_254] : memref<5x!tpu.dma_semaphore, #tpu.memory_space<semaphore_mem>> -> memref<1x!tpu.dma_semaphore, #tpu.memory_space<semaphore_mem>>
        %dma_start3A_266 = tpu.memref_squeeze %dma_start3A_265 : memref<1x!tpu.dma_semaphore, #tpu.memory_space<semaphore_mem>> -> memref<!tpu.dma_semaphore, #tpu.memory_space<semaphore_mem>>
        tpu.enqueue_indirect_dma source(%dma_start3A_264 : memref<10000x128xf32, #tpu.memory_space<hbm>>) target(%dma_start3A_258 : memref<40x128xf32, #tpu.memory_space<vmem>>) offsets(%dma_start3A_261 : memref<40xi32, #tpu.memory_space<vmem>>) semaphore(%dma_start3A_266 : memref<!tpu.dma_semaphore, #tpu.memory_space<semaphore_mem>>)
      } else {
      }
      %mul3A_199 = arith.constant 5 : i32
      %mul3A_200 = arith.muli %scan3A_121, %mul3A_199 : i32
      %add3A_201 = arith.constant 3 : i32
      %add3A_202 = arith.addi %mul3A_200, %add3A_201 : i32
      %dma_wait3A_203 = arith.constant 3 : i32
      %dma_wait3A_204 = arith.constant 3 : i32
      %dma_wait3A_205 = arith.constant 0 : i32
      %dma_wait3A_206 = arith.constant 0 : i32
      %dma_wait3A_207 = tpu.memref_slice %arg8[%dma_wait3A_203, %dma_wait3A_205, %dma_wait3A_206] : memref<5x40x128xf32, #tpu.memory_space<vmem>> -> memref<1x40x128xf32, #tpu.memory_space<vmem>>
      %dma_wait3A_208 = tpu.memref_squeeze %dma_wait3A_207 : memref<1x40x128xf32, #tpu.memory_space<vmem>> -> memref<40x128xf32, #tpu.memory_space<vmem>>
      %dma_wait3A_209 = arith.constant 0 : i32
      %dma_wait3A_210 = tpu.memref_slice %arg6[%add3A_202, %dma_wait3A_209] : memref<250x40xi32, #tpu.memory_space<vmem>> -> memref<1x40xi32, #tpu.memory_space<vmem>>
      %dma_wait3A_211 = tpu.memref_squeeze %dma_wait3A_210 : memref<1x40xi32, #tpu.memory_space<vmem>> -> memref<40xi32, #tpu.memory_space<vmem>>
      %dma_wait3A_212 = arith.constant 0 : i32
      %dma_wait3A_213 = arith.constant 0 : i32
      %dma_wait3A_214 = tpu.memref_slice %arg2[%dma_wait3A_212, %dma_wait3A_213] : memref<10000x128xf32, #tpu.memory_space<hbm>> -> memref<10000x128xf32, #tpu.memory_space<hbm>>
      %dma_wait3A_215 = tpu.memref_slice %arg10[%dma_wait3A_204] : memref<5x!tpu.dma_semaphore, #tpu.memory_space<semaphore_mem>> -> memref<1x!tpu.dma_semaphore, #tpu.memory_space<semaphore_mem>>
      %dma_wait3A_216 = tpu.memref_squeeze %dma_wait3A_215 : memref<1x!tpu.dma_semaphore, #tpu.memory_space<semaphore_mem>> -> memref<!tpu.dma_semaphore, #tpu.memory_space<semaphore_mem>>
      tpu.wait_indirect_dma semaphore(%dma_wait3A_216 : memref<!tpu.dma_semaphore, #tpu.memory_space<semaphore_mem>>) src(%dma_wait3A_214 : memref<10000x128xf32, #tpu.memory_space<hbm>>) dst(%dma_wait3A_208 : memref<40x128xf32, #tpu.memory_space<vmem>>)
      %run_scoped3A_217 = arith.constant 3 : i32
      "tpu.region"() ({
        %run_scoped3A_251 = tpu.sem_alloc : memref<!tpu.dma_semaphore, #tpu.memory_space<semaphore_mem>>
        %dma_start3A_252 = arith.constant 0 : i32
        %dma_start3A_253 = arith.constant 0 : i32
        %dma_start3A_254 = tpu.memref_slice %arg8[%run_scoped3A_217, %dma_start3A_252, %dma_start3A_253] : memref<5x40x128xf32, #tpu.memory_space<vmem>> -> memref<1x40x128xf32, #tpu.memory_space<vmem>>
        %dma_start3A_255 = tpu.memref_squeeze %dma_start3A_254 : memref<1x40x128xf32, #tpu.memory_space<vmem>> -> memref<40x128xf32, #tpu.memory_space<vmem>>
        %dma_start3A_256 = arith.constant 0 : i32
        %dma_start3A_257 = tpu.memref_slice %arg7[%add3A_202, %dma_start3A_256] : memref<250x40xi32, #tpu.memory_space<vmem>> -> memref<1x40xi32, #tpu.memory_space<vmem>>
        %dma_start3A_258 = tpu.memref_squeeze %dma_start3A_257 : memref<1x40xi32, #tpu.memory_space<vmem>> -> memref<40xi32, #tpu.memory_space<vmem>>
        %dma_start3A_259 = arith.constant 0 : i32
        %dma_start3A_260 = arith.constant 0 : i32
        %dma_start3A_261 = tpu.memref_slice %arg9[%dma_start3A_259, %dma_start3A_260] : memref<10000x128xf32, #tpu.memory_space<vmem_shared>> -> memref<10000x128xf32, #tpu.memory_space<vmem_shared>>
        tpu.enqueue_indirect_dma source(%dma_start3A_255 : memref<40x128xf32, #tpu.memory_space<vmem>>) target(%dma_start3A_261 : memref<10000x128xf32, #tpu.memory_space<vmem_shared>>) offsets(%dma_start3A_258 : memref<40xi32, #tpu.memory_space<vmem>>) semaphore(%run_scoped3A_251 : memref<!tpu.dma_semaphore, #tpu.memory_space<semaphore_mem>>) {add = true}
        %dma_wait3A_262 = arith.constant 0 : i32
        %dma_wait3A_263 = arith.constant 0 : i32
        %dma_wait3A_264 = tpu.memref_slice %arg8[%run_scoped3A_217, %dma_wait3A_262, %dma_wait3A_263] : memref<5x40x128xf32, #tpu.memory_space<vmem>> -> memref<1x40x128xf32, #tpu.memory_space<vmem>>
        %dma_wait3A_265 = tpu.memref_squeeze %dma_wait3A_264 : memref<1x40x128xf32, #tpu.memory_space<vmem>> -> memref<40x128xf32, #tpu.memory_space<vmem>>
        %dma_wait3A_266 = arith.constant 0 : i32
        %dma_wait3A_267 = tpu.memref_slice %arg7[%add3A_202, %dma_wait3A_266] : memref<250x40xi32, #tpu.memory_space<vmem>> -> memref<1x40xi32, #tpu.memory_space<vmem>>
        %dma_wait3A_268 = tpu.memref_squeeze %dma_wait3A_267 : memref<1x40xi32, #tpu.memory_space<vmem>> -> memref<40xi32, #tpu.memory_space<vmem>>
        %dma_wait3A_269 = arith.constant 0 : i32
        %dma_wait3A_270 = arith.constant 0 : i32
        %dma_wait3A_271 = tpu.memref_slice %arg9[%dma_wait3A_269, %dma_wait3A_270] : memref<10000x128xf32, #tpu.memory_space<vmem_shared>> -> memref<10000x128xf32, #tpu.memory_space<vmem_shared>>
        tpu.wait_indirect_dma semaphore(%run_scoped3A_251 : memref<!tpu.dma_semaphore, #tpu.memory_space<semaphore_mem>>) src(%dma_wait3A_265 : memref<40x128xf32, #tpu.memory_space<vmem>>) dst(%dma_wait3A_271 : memref<10000x128xf32, #tpu.memory_space<vmem_shared>>)
        tpu.yield
      }) : () -> ()
      %add3A_218 = arith.constant 5 : i32
      %add3A_219 = arith.addi %add3A_202, %add3A_218 : i32
      %lt3A_220 = arith.constant 250 : i32
      %lt3A_221 = arith.cmpi slt, %add3A_219, %lt3A_220 : i32
      %convert_element_type3A_222 = arith.extui %lt3A_221 : i1 to i32
      %cond3A_223 = arith.constant 0 : i32
      %cond3A_224 = arith.cmpi ne, %convert_element_type3A_222, %cond3A_223 : i32
      scf.if %cond3A_224 {
        %add3A_251 = arith.constant 5 : i32
        %add3A_252 = arith.addi %add3A_202, %add3A_251 : i32
        %dma_start3A_253 = arith.constant 3 : i32
        %dma_start3A_254 = arith.constant 3 : i32
        %dma_start3A_255 = arith.constant 0 : i32
        %dma_start3A_256 = arith.constant 0 : i32
        %dma_start3A_257 = tpu.memref_slice %arg8[%dma_start3A_253, %dma_start3A_255, %dma_start3A_256] : memref<5x40x128xf32, #tpu.memory_space<vmem>> -> memref<1x40x128xf32, #tpu.memory_space<vmem>>
        %dma_start3A_258 = tpu.memref_squeeze %dma_start3A_257 : memref<1x40x128xf32, #tpu.memory_space<vmem>> -> memref<40x128xf32, #tpu.memory_space<vmem>>
        %dma_start3A_259 = arith.constant 0 : i32
        %dma_start3A_260 = tpu.memref_slice %arg6[%add3A_252, %dma_start3A_259] : memref<250x40xi32, #tpu.memory_space<vmem>> -> memref<1x40xi32, #tpu.memory_space<vmem>>
        %dma_start3A_261 = tpu.memref_squeeze %dma_start3A_260 : memref<1x40xi32, #tpu.memory_space<vmem>> -> memref<40xi32, #tpu.memory_space<vmem>>
        %dma_start3A_262 = arith.constant 0 : i32
        %dma_start3A_263 = arith.constant 0 : i32
        %dma_start3A_264 = tpu.memref_slice %arg2[%dma_start3A_262, %dma_start3A_263] : memref<10000x128xf32, #tpu.memory_space<hbm>> -> memref<10000x128xf32, #tpu.memory_space<hbm>>
        %dma_start3A_265 = tpu.memref_slice %arg10[%dma_start3A_254] : memref<5x!tpu.dma_semaphore, #tpu.memory_space<semaphore_mem>> -> memref<1x!tpu.dma_semaphore, #tpu.memory_space<semaphore_mem>>
        %dma_start3A_266 = tpu.memref_squeeze %dma_start3A_265 : memref<1x!tpu.dma_semaphore, #tpu.memory_space<semaphore_mem>> -> memref<!tpu.dma_semaphore, #tpu.memory_space<semaphore_mem>>
        tpu.enqueue_indirect_dma source(%dma_start3A_264 : memref<10000x128xf32, #tpu.memory_space<hbm>>) target(%dma_start3A_258 : memref<40x128xf32, #tpu.memory_space<vmem>>) offsets(%dma_start3A_261 : memref<40xi32, #tpu.memory_space<vmem>>) semaphore(%dma_start3A_266 : memref<!tpu.dma_semaphore, #tpu.memory_space<semaphore_mem>>)
      } else {
      }
      %mul3A_225 = arith.constant 5 : i32
      %mul3A_226 = arith.muli %scan3A_121, %mul3A_225 : i32
      %add3A_227 = arith.constant 4 : i32
      %add3A_228 = arith.addi %mul3A_226, %add3A_227 : i32
      %dma_wait3A_229 = arith.constant 4 : i32
      %dma_wait3A_230 = arith.constant 4 : i32
      %dma_wait3A_231 = arith.constant 0 : i32
      %dma_wait3A_232 = arith.constant 0 : i32
      %dma_wait3A_233 = tpu.memref_slice %arg8[%dma_wait3A_229, %dma_wait3A_231, %dma_wait3A_232] : memref<5x40x128xf32, #tpu.memory_space<vmem>> -> memref<1x40x128xf32, #tpu.memory_space<vmem>>
      %dma_wait3A_234 = tpu.memref_squeeze %dma_wait3A_233 : memref<1x40x128xf32, #tpu.memory_space<vmem>> -> memref<40x128xf32, #tpu.memory_space<vmem>>
      %dma_wait3A_235 = arith.constant 0 : i32
      %dma_wait3A_236 = tpu.memref_slice %arg6[%add3A_228, %dma_wait3A_235] : memref<250x40xi32, #tpu.memory_space<vmem>> -> memref<1x40xi32, #tpu.memory_space<vmem>>
      %dma_wait3A_237 = tpu.memref_squeeze %dma_wait3A_236 : memref<1x40xi32, #tpu.memory_space<vmem>> -> memref<40xi32, #tpu.memory_space<vmem>>
      %dma_wait3A_238 = arith.constant 0 : i32
      %dma_wait3A_239 = arith.constant 0 : i32
      %dma_wait3A_240 = tpu.memref_slice %arg2[%dma_wait3A_238, %dma_wait3A_239] : memref<10000x128xf32, #tpu.memory_space<hbm>> -> memref<10000x128xf32, #tpu.memory_space<hbm>>
      %dma_wait3A_241 = tpu.memref_slice %arg10[%dma_wait3A_230] : memref<5x!tpu.dma_semaphore, #tpu.memory_space<semaphore_mem>> -> memref<1x!tpu.dma_semaphore, #tpu.memory_space<semaphore_mem>>
      %dma_wait3A_242 = tpu.memref_squeeze %dma_wait3A_241 : memref<1x!tpu.dma_semaphore, #tpu.memory_space<semaphore_mem>> -> memref<!tpu.dma_semaphore, #tpu.memory_space<semaphore_mem>>
      tpu.wait_indirect_dma semaphore(%dma_wait3A_242 : memref<!tpu.dma_semaphore, #tpu.memory_space<semaphore_mem>>) src(%dma_wait3A_240 : memref<10000x128xf32, #tpu.memory_space<hbm>>) dst(%dma_wait3A_234 : memref<40x128xf32, #tpu.memory_space<vmem>>)
      %run_scoped3A_243 = arith.constant 4 : i32
      "tpu.region"() ({
        %run_scoped3A_251 = tpu.sem_alloc : memref<!tpu.dma_semaphore, #tpu.memory_space<semaphore_mem>>
        %dma_start3A_252 = arith.constant 0 : i32
        %dma_start3A_253 = arith.constant 0 : i32
        %dma_start3A_254 = tpu.memref_slice %arg8[%run_scoped3A_243, %dma_start3A_252, %dma_start3A_253] : memref<5x40x128xf32, #tpu.memory_space<vmem>> -> memref<1x40x128xf32, #tpu.memory_space<vmem>>
        %dma_start3A_255 = tpu.memref_squeeze %dma_start3A_254 : memref<1x40x128xf32, #tpu.memory_space<vmem>> -> memref<40x128xf32, #tpu.memory_space<vmem>>
        %dma_start3A_256 = arith.constant 0 : i32
        %dma_start3A_257 = tpu.memref_slice %arg7[%add3A_228, %dma_start3A_256] : memref<250x40xi32, #tpu.memory_space<vmem>> -> memref<1x40xi32, #tpu.memory_space<vmem>>
        %dma_start3A_258 = tpu.memref_squeeze %dma_start3A_257 : memref<1x40xi32, #tpu.memory_space<vmem>> -> memref<40xi32, #tpu.memory_space<vmem>>
        %dma_start3A_259 = arith.constant 0 : i32
        %dma_start3A_260 = arith.constant 0 : i32
        %dma_start3A_261 = tpu.memref_slice %arg9[%dma_start3A_259, %dma_start3A_260] : memref<10000x128xf32, #tpu.memory_space<vmem_shared>> -> memref<10000x128xf32, #tpu.memory_space<vmem_shared>>
        tpu.enqueue_indirect_dma source(%dma_start3A_255 : memref<40x128xf32, #tpu.memory_space<vmem>>) target(%dma_start3A_261 : memref<10000x128xf32, #tpu.memory_space<vmem_shared>>) offsets(%dma_start3A_258 : memref<40xi32, #tpu.memory_space<vmem>>) semaphore(%run_scoped3A_251 : memref<!tpu.dma_semaphore, #tpu.memory_space<semaphore_mem>>) {add = true}
        %dma_wait3A_262 = arith.constant 0 : i32
        %dma_wait3A_263 = arith.constant 0 : i32
        %dma_wait3A_264 = tpu.memref_slice %arg8[%run_scoped3A_243, %dma_wait3A_262, %dma_wait3A_263] : memref<5x40x128xf32, #tpu.memory_space<vmem>> -> memref<1x40x128xf32, #tpu.memory_space<vmem>>
        %dma_wait3A_265 = tpu.memref_squeeze %dma_wait3A_264 : memref<1x40x128xf32, #tpu.memory_space<vmem>> -> memref<40x128xf32, #tpu.memory_space<vmem>>
        %dma_wait3A_266 = arith.constant 0 : i32
        %dma_wait3A_267 = tpu.memref_slice %arg7[%add3A_228, %dma_wait3A_266] : memref<250x40xi32, #tpu.memory_space<vmem>> -> memref<1x40xi32, #tpu.memory_space<vmem>>
        %dma_wait3A_268 = tpu.memref_squeeze %dma_wait3A_267 : memref<1x40xi32, #tpu.memory_space<vmem>> -> memref<40xi32, #tpu.memory_space<vmem>>
        %dma_wait3A_269 = arith.constant 0 : i32
        %dma_wait3A_270 = arith.constant 0 : i32
        %dma_wait3A_271 = tpu.memref_slice %arg9[%dma_wait3A_269, %dma_wait3A_270] : memref<10000x128xf32, #tpu.memory_space<vmem_shared>> -> memref<10000x128xf32, #tpu.memory_space<vmem_shared>>
        tpu.wait_indirect_dma semaphore(%run_scoped3A_251 : memref<!tpu.dma_semaphore, #tpu.memory_space<semaphore_mem>>) src(%dma_wait3A_265 : memref<40x128xf32, #tpu.memory_space<vmem>>) dst(%dma_wait3A_271 : memref<10000x128xf32, #tpu.memory_space<vmem_shared>>)
        tpu.yield
      }) : () -> ()
      %add3A_244 = arith.constant 5 : i32
      %add3A_245 = arith.addi %add3A_228, %add3A_244 : i32
      %lt3A_246 = arith.constant 250 : i32
      %lt3A_247 = arith.cmpi slt, %add3A_245, %lt3A_246 : i32
      %convert_element_type3A_248 = arith.extui %lt3A_247 : i1 to i32
      %cond3A_249 = arith.constant 0 : i32
      %cond3A_250 = arith.cmpi ne, %convert_element_type3A_248, %cond3A_249 : i32
      scf.if %cond3A_250 {
        %add3A_251 = arith.constant 5 : i32
        %add3A_252 = arith.addi %add3A_228, %add3A_251 : i32
        %dma_start3A_253 = arith.constant 4 : i32
        %dma_start3A_254 = arith.constant 4 : i32
        %dma_start3A_255 = arith.constant 0 : i32
        %dma_start3A_256 = arith.constant 0 : i32
        %dma_start3A_257 = tpu.memref_slice %arg8[%dma_start3A_253, %dma_start3A_255, %dma_start3A_256] : memref<5x40x128xf32, #tpu.memory_space<vmem>> -> memref<1x40x128xf32, #tpu.memory_space<vmem>>
        %dma_start3A_258 = tpu.memref_squeeze %dma_start3A_257 : memref<1x40x128xf32, #tpu.memory_space<vmem>> -> memref<40x128xf32, #tpu.memory_space<vmem>>
        %dma_start3A_259 = arith.constant 0 : i32
        %dma_start3A_260 = tpu.memref_slice %arg6[%add3A_252, %dma_start3A_259] : memref<250x40xi32, #tpu.memory_space<vmem>> -> memref<1x40xi32, #tpu.memory_space<vmem>>
        %dma_start3A_261 = tpu.memref_squeeze %dma_start3A_260 : memref<1x40xi32, #tpu.memory_space<vmem>> -> memref<40xi32, #tpu.memory_space<vmem>>
        %dma_start3A_262 = arith.constant 0 : i32
        %dma_start3A_263 = arith.constant 0 : i32
        %dma_start3A_264 = tpu.memref_slice %arg2[%dma_start3A_262, %dma_start3A_263] : memref<10000x128xf32, #tpu.memory_space<hbm>> -> memref<10000x128xf32, #tpu.memory_space<hbm>>
        %dma_start3A_265 = tpu.memref_slice %arg10[%dma_start3A_254] : memref<5x!tpu.dma_semaphore, #tpu.memory_space<semaphore_mem>> -> memref<1x!tpu.dma_semaphore, #tpu.memory_space<semaphore_mem>>
        %dma_start3A_266 = tpu.memref_squeeze %dma_start3A_265 : memref<1x!tpu.dma_semaphore, #tpu.memory_space<semaphore_mem>> -> memref<!tpu.dma_semaphore, #tpu.memory_space<semaphore_mem>>
        tpu.enqueue_indirect_dma source(%dma_start3A_264 : memref<10000x128xf32, #tpu.memory_space<hbm>>) target(%dma_start3A_258 : memref<40x128xf32, #tpu.memory_space<vmem>>) offsets(%dma_start3A_261 : memref<40xi32, #tpu.memory_space<vmem>>) semaphore(%dma_start3A_266 : memref<!tpu.dma_semaphore, #tpu.memory_space<semaphore_mem>>)
      } else {
      }
    }
    %scan3A_109 = arith.constant 50 : i32
    %barrier3A_110 = arith.constant 0 : index
    tpu.barrier barrier_id(%barrier3A_110)
    %lt3A_111 = arith.constant 15 : i32
    %lt3A_112 = arith.cmpi slt, %arg1, %lt3A_111 : i32
    %convert_element_type3A_113 = arith.extui %lt3A_112 : i1 to i32
    %cond3A_114 = arith.constant 0 : i32
    %cond3A_115 = arith.cmpi ne, %convert_element_type3A_113, %cond3A_114 : i32
    scf.if %cond3A_115 {
      "tpu.region"() ({
        %run_scoped3A_121 = tpu.sem_alloc : memref<!tpu.dma_semaphore, #tpu.memory_space<semaphore_mem>>
        %dma_start3A_122 = arith.constant 0 : i32
        %dma_start3A_123 = tpu.memref_slice %arg5[%arg0, %multiple_of3A, %dma_start3A_122] : memref<2x10000x128xf32, #tpu.memory_space<hbm>> -> memref<1x632x128xf32, #tpu.memory_space<hbm>>
        %dma_start3A_124 = tpu.memref_squeeze %dma_start3A_123 : memref<1x632x128xf32, #tpu.memory_space<hbm>> -> memref<632x128xf32, #tpu.memory_space<hbm>>
        %dma_start3A_125 = arith.constant 0 : i32
        %dma_start3A_126 = tpu.memref_slice %arg9[%multiple_of3A, %dma_start3A_125] : memref<10000x128xf32, #tpu.memory_space<vmem_shared>> -> memref<632x128xf32, #tpu.memory_space<vmem_shared>>
        tpu.enqueue_dma source(%dma_start3A_126 : memref<632x128xf32, #tpu.memory_space<vmem_shared>>) target(%dma_start3A_124 : memref<632x128xf32, #tpu.memory_space<hbm>>) target_semaphore(%run_scoped3A_121 : memref<!tpu.dma_semaphore, #tpu.memory_space<semaphore_mem>>)
        %dma_wait3A = arith.constant 0 : i32
        %dma_wait3A_127 = tpu.memref_slice %arg5[%arg0, %multiple_of3A, %dma_wait3A] : memref<2x10000x128xf32, #tpu.memory_space<hbm>> -> memref<1x632x128xf32, #tpu.memory_space<hbm>>
        %dma_wait3A_128 = tpu.memref_squeeze %dma_wait3A_127 : memref<1x632x128xf32, #tpu.memory_space<hbm>> -> memref<632x128xf32, #tpu.memory_space<hbm>>
        %dma_wait3A_129 = arith.constant 0 : i32
        %dma_wait3A_130 = tpu.memref_slice %arg9[%multiple_of3A, %dma_wait3A_129] : memref<10000x128xf32, #tpu.memory_space<vmem_shared>> -> memref<632x128xf32, #tpu.memory_space<vmem_shared>>
        tpu.wait_dma2 semaphore(%run_scoped3A_121 : memref<!tpu.dma_semaphore, #tpu.memory_space<semaphore_mem>>) src(%dma_wait3A_130 : memref<632x128xf32, #tpu.memory_space<vmem_shared>>) dst(%dma_wait3A_128 : memref<632x128xf32, #tpu.memory_space<hbm>>)
        tpu.yield
      }) : () -> ()
    } else {
    }
    %eq3A_116 = arith.constant 15 : i32
    %eq3A_117 = arith.cmpi eq, %arg1, %eq3A_116 : i32
    %convert_element_type3A_118 = arith.extui %eq3A_117 : i1 to i32
    %cond3A_119 = arith.constant 0 : i32
    %cond3A_120 = arith.cmpi ne, %convert_element_type3A_118, %cond3A_119 : i32
    scf.if %cond3A_120 {
      "tpu.region"() ({
        %run_scoped3A_121 = tpu.sem_alloc : memref<!tpu.dma_semaphore, #tpu.memory_space<semaphore_mem>>
        %dma_start3A_122 = arith.constant 9480 : i32
        %dma_start3A_123 = arith.constant 0 : i32
        %dma_start3A_124 = tpu.memref_slice %arg5[%arg0, %dma_start3A_122, %dma_start3A_123] : memref<2x10000x128xf32, #tpu.memory_space<hbm>> -> memref<1x520x128xf32, #tpu.memory_space<hbm>>
        %dma_start3A_125 = tpu.memref_squeeze %dma_start3A_124 : memref<1x520x128xf32, #tpu.memory_space<hbm>> -> memref<520x128xf32, #tpu.memory_space<hbm>>
        %dma_start3A_126 = arith.constant 9480 : i32
        %dma_start3A_127 = arith.constant 0 : i32
        %dma_start3A_128 = tpu.memref_slice %arg9[%dma_start3A_126, %dma_start3A_127] : memref<10000x128xf32, #tpu.memory_space<vmem_shared>> -> memref<520x128xf32, #tpu.memory_space<vmem_shared>>
        tpu.enqueue_dma source(%dma_start3A_128 : memref<520x128xf32, #tpu.memory_space<vmem_shared>>) target(%dma_start3A_125 : memref<520x128xf32, #tpu.memory_space<hbm>>) target_semaphore(%run_scoped3A_121 : memref<!tpu.dma_semaphore, #tpu.memory_space<semaphore_mem>>)
        %dma_wait3A = arith.constant 9480 : i32
        %dma_wait3A_129 = arith.constant 0 : i32
        %dma_wait3A_130 = tpu.memref_slice %arg5[%arg0, %dma_wait3A, %dma_wait3A_129] : memref<2x10000x128xf32, #tpu.memory_space<hbm>> -> memref<1x520x128xf32, #tpu.memory_space<hbm>>
        %dma_wait3A_131 = tpu.memref_squeeze %dma_wait3A_130 : memref<1x520x128xf32, #tpu.memory_space<hbm>> -> memref<520x128xf32, #tpu.memory_space<hbm>>
        %dma_wait3A_132 = arith.constant 9480 : i32
        %dma_wait3A_133 = arith.constant 0 : i32
        %dma_wait3A_134 = tpu.memref_slice %arg9[%dma_wait3A_132, %dma_wait3A_133] : memref<10000x128xf32, #tpu.memory_space<vmem_shared>> -> memref<520x128xf32, #tpu.memory_space<vmem_shared>>
        tpu.wait_dma2 semaphore(%run_scoped3A_121 : memref<!tpu.dma_semaphore, #tpu.memory_space<semaphore_mem>>) src(%dma_wait3A_134 : memref<520x128xf32, #tpu.memory_space<vmem_shared>>) dst(%dma_wait3A_131 : memref<520x128xf32, #tpu.memory_space<hbm>>)
        tpu.yield
      }) : () -> ()
    } else {
    }
    return
  }
}

#map = affine_map<(d0, d1) -> (0, 0)>
#map1 = affine_map<(d0, d1) -> (0, 0, 0, 0)>
#map2 = affine_map<(d0, d1) -> (0, 0, 0)>
module attributes {stable_mosaic.version = 14 : i64} {
  func.func @_edge_agg(%arg0: i32, %arg1: i32, %arg2: memref<10000x128xf32, #tpu.memory_space<hbm>>, %arg3: memref<10000x128xf32, #tpu.memory_space<hbm>>, %arg4: memref<2x32x250x40xi32, #tpu.memory_space<hbm>>, %arg5: memref<2x10000x128xf32, #tpu.memory_space<hbm>>, %arg6: memref<250x40xi32, #tpu.memory_space<vmem>>, %arg7: memref<250x40xi32, #tpu.memory_space<vmem>>, %arg8: memref<5x40x128xf32, #tpu.memory_space<vmem>>, %arg9: memref<10000x128xf32, #tpu.memory_space<vmem_shared>>, %arg10: memref<5x!tpu.dma_semaphore, #tpu.memory_space<semaphore_mem>>, %arg11: memref<5x!tpu.dma_semaphore, #tpu.memory_space<semaphore_mem>>) attributes {dimension_semantics = [#tpu.dimension_semantics<core_parallel>, #tpu.dimension_semantics<subcore_parallel>], iteration_bounds = array<i64: 2, 16>, scalar_prefetch = 0 : i64, scratch_operands = 6 : i64, tpu.core_type = #tpu.core_type<sc_vector_subcore>, window_params = [{transform_indices = #map}, {transform_indices = #map}, {transform_indices = #map1}, {transform_indices = #map2}]} {
    %mul3A = arith.constant 2 : i32
    %mul3A_0 = arith.muli %arg1, %mul3A : i32
    %add3A = arith.addi %mul3A_0, %arg0 : i32
    %mul3A_1 = arith.constant 632 : i32
    %mul3A_2 = arith.muli %arg1, %mul3A_1 : i32
    %multiple_of3A = tpu.assume_multiple %mul3A_2, 8 : i32
    %run_scoped3A = arith.constant 0 : i32
    "tpu.region"() ({
      %run_scoped3A_121 = tpu.sem_alloc : memref<!tpu.dma_semaphore, #tpu.memory_space<semaphore_mem>>
      %dma_start3A_122 = arith.constant 0 : i32
      %dma_start3A_123 = arith.constant 0 : i32
      %dma_start3A_124 = tpu.memref_slice %arg4[%run_scoped3A, %add3A, %dma_start3A_122, %dma_start3A_123] : memref<2x32x250x40xi32, #tpu.memory_space<hbm>> -> memref<1x1x250x40xi32, #tpu.memory_space<hbm>>
      %dma_start3A_125 = tpu.memref_squeeze %dma_start3A_124 : memref<1x1x250x40xi32, #tpu.memory_space<hbm>> -> memref<250x40xi32, #tpu.memory_space<hbm>>
      %dma_start3A_126 = arith.constant 0 : i32
      %dma_start3A_127 = arith.constant 0 : i32
      %dma_start3A_128 = tpu.memref_slice %arg4[%run_scoped3A, %add3A, %dma_start3A_126, %dma_start3A_127] : memref<2x32x250x40xi32, #tpu.memory_space<hbm>> -> memref<1x1x250x40xi32, #tpu.memory_space<hbm>>
      %dma_start3A_129 = tpu.memref_squeeze %dma_start3A_128 : memref<1x1x250x40xi32, #tpu.memory_space<hbm>> -> memref<250x40xi32, #tpu.memory_space<hbm>>
      tpu.enqueue_dma source(%dma_start3A_129 : memref<250x40xi32, #tpu.memory_space<hbm>>) target(%arg6 : memref<250x40xi32, #tpu.memory_space<vmem>>) target_semaphore(%run_scoped3A_121 : memref<!tpu.dma_semaphore, #tpu.memory_space<semaphore_mem>>)
      %dma_wait3A = arith.constant 0 : i32
      %dma_wait3A_130 = arith.constant 0 : i32
      %dma_wait3A_131 = tpu.memref_slice %arg4[%run_scoped3A, %add3A, %dma_wait3A, %dma_wait3A_130] : memref<2x32x250x40xi32, #tpu.memory_space<hbm>> -> memref<1x1x250x40xi32, #tpu.memory_space<hbm>>
      %dma_wait3A_132 = tpu.memref_squeeze %dma_wait3A_131 : memref<1x1x250x40xi32, #tpu.memory_space<hbm>> -> memref<250x40xi32, #tpu.memory_space<hbm>>
      %dma_wait3A_133 = arith.constant 0 : i32
      %dma_wait3A_134 = arith.constant 0 : i32
      %dma_wait3A_135 = tpu.memref_slice %arg4[%run_scoped3A, %add3A, %dma_wait3A_133, %dma_wait3A_134] : memref<2x32x250x40xi32, #tpu.memory_space<hbm>> -> memref<1x1x250x40xi32, #tpu.memory_space<hbm>>
      %dma_wait3A_136 = tpu.memref_squeeze %dma_wait3A_135 : memref<1x1x250x40xi32, #tpu.memory_space<hbm>> -> memref<250x40xi32, #tpu.memory_space<hbm>>
      tpu.wait_dma2 semaphore(%run_scoped3A_121 : memref<!tpu.dma_semaphore, #tpu.memory_space<semaphore_mem>>) src(%dma_wait3A_136 : memref<250x40xi32, #tpu.memory_space<hbm>>) dst(%arg6 : memref<250x40xi32, #tpu.memory_space<vmem>>)
      tpu.yield
    }) : () -> ()
    %run_scoped3A_3 = arith.constant 1 : i32
    "tpu.region"() ({
      %run_scoped3A_121 = tpu.sem_alloc : memref<!tpu.dma_semaphore, #tpu.memory_space<semaphore_mem>>
      %dma_start3A_122 = arith.constant 0 : i32
      %dma_start3A_123 = arith.constant 0 : i32
      %dma_start3A_124 = tpu.memref_slice %arg4[%run_scoped3A_3, %add3A, %dma_start3A_122, %dma_start3A_123] : memref<2x32x250x40xi32, #tpu.memory_space<hbm>> -> memref<1x1x250x40xi32, #tpu.memory_space<hbm>>
      %dma_start3A_125 = tpu.memref_squeeze %dma_start3A_124 : memref<1x1x250x40xi32, #tpu.memory_space<hbm>> -> memref<250x40xi32, #tpu.memory_space<hbm>>
      %dma_start3A_126 = arith.constant 0 : i32
      %dma_start3A_127 = arith.constant 0 : i32
      %dma_start3A_128 = tpu.memref_slice %arg4[%run_scoped3A_3, %add3A, %dma_start3A_126, %dma_start3A_127] : memref<2x32x250x40xi32, #tpu.memory_space<hbm>> -> memref<1x1x250x40xi32, #tpu.memory_space<hbm>>
      %dma_start3A_129 = tpu.memref_squeeze %dma_start3A_128 : memref<1x1x250x40xi32, #tpu.memory_space<hbm>> -> memref<250x40xi32, #tpu.memory_space<hbm>>
      tpu.enqueue_dma source(%dma_start3A_129 : memref<250x40xi32, #tpu.memory_space<hbm>>) target(%arg7 : memref<250x40xi32, #tpu.memory_space<vmem>>) target_semaphore(%run_scoped3A_121 : memref<!tpu.dma_semaphore, #tpu.memory_space<semaphore_mem>>)
      %dma_wait3A = arith.constant 0 : i32
      %dma_wait3A_130 = arith.constant 0 : i32
      %dma_wait3A_131 = tpu.memref_slice %arg4[%run_scoped3A_3, %add3A, %dma_wait3A, %dma_wait3A_130] : memref<2x32x250x40xi32, #tpu.memory_space<hbm>> -> memref<1x1x250x40xi32, #tpu.memory_space<hbm>>
      %dma_wait3A_132 = tpu.memref_squeeze %dma_wait3A_131 : memref<1x1x250x40xi32, #tpu.memory_space<hbm>> -> memref<250x40xi32, #tpu.memory_space<hbm>>
      %dma_wait3A_133 = arith.constant 0 : i32
      %dma_wait3A_134 = arith.constant 0 : i32
      %dma_wait3A_135 = tpu.memref_slice %arg4[%run_scoped3A_3, %add3A, %dma_wait3A_133, %dma_wait3A_134] : memref<2x32x250x40xi32, #tpu.memory_space<hbm>> -> memref<1x1x250x40xi32, #tpu.memory_space<hbm>>
      %dma_wait3A_136 = tpu.memref_squeeze %dma_wait3A_135 : memref<1x1x250x40xi32, #tpu.memory_space<hbm>> -> memref<250x40xi32, #tpu.memory_space<hbm>>
      tpu.wait_dma2 semaphore(%run_scoped3A_121 : memref<!tpu.dma_semaphore, #tpu.memory_space<semaphore_mem>>) src(%dma_wait3A_136 : memref<250x40xi32, #tpu.memory_space<hbm>>) dst(%arg7 : memref<250x40xi32, #tpu.memory_space<vmem>>)
      tpu.yield
    }) : () -> ()
    %dma_start3A = arith.constant 0 : i32
    %dma_start3A_4 = arith.constant 0 : i32
    %dma_start3A_5 = arith.constant 0 : i32
    %dma_start3A_6 = arith.constant 0 : i32
    %dma_start3A_7 = arith.constant 0 : i32
    %dma_start3A_8 = tpu.memref_slice %arg8[%dma_start3A_4, %dma_start3A_6, %dma_start3A_7] : memref<5x40x128xf32, #tpu.memory_space<vmem>> -> memref<1x40x128xf32, #tpu.memory_space<vmem>>
    %dma_start3A_9 = tpu.memref_squeeze %dma_start3A_8 : memref<1x40x128xf32, #tpu.memory_space<vmem>> -> memref<40x128xf32, #tpu.memory_space<vmem>>
    %dma_start3A_10 = arith.constant 0 : i32
    %dma_start3A_11 = tpu.memref_slice %arg6[%dma_start3A, %dma_start3A_10] : memref<250x40xi32, #tpu.memory_space<vmem>> -> memref<1x40xi32, #tpu.memory_space<vmem>>
    %dma_start3A_12 = tpu.memref_squeeze %dma_start3A_11 : memref<1x40xi32, #tpu.memory_space<vmem>> -> memref<40xi32, #tpu.memory_space<vmem>>
    %dma_start3A_13 = arith.constant 0 : i32
    %dma_start3A_14 = arith.constant 0 : i32
    %dma_start3A_15 = tpu.memref_slice %arg2[%dma_start3A_13, %dma_start3A_14] : memref<10000x128xf32, #tpu.memory_space<hbm>> -> memref<10000x128xf32, #tpu.memory_space<hbm>>
    %dma_start3A_16 = tpu.memref_slice %arg10[%dma_start3A_5] : memref<5x!tpu.dma_semaphore, #tpu.memory_space<semaphore_mem>> -> memref<1x!tpu.dma_semaphore, #tpu.memory_space<semaphore_mem>>
    %dma_start3A_17 = tpu.memref_squeeze %dma_start3A_16 : memref<1x!tpu.dma_semaphore, #tpu.memory_space<semaphore_mem>> -> memref<!tpu.dma_semaphore, #tpu.memory_space<semaphore_mem>>
    tpu.enqueue_indirect_dma source(%dma_start3A_15 : memref<10000x128xf32, #tpu.memory_space<hbm>>) target(%dma_start3A_9 : memref<40x128xf32, #tpu.memory_space<vmem>>) offsets(%dma_start3A_12 : memref<40xi32, #tpu.memory_space<vmem>>) semaphore(%dma_start3A_17 : memref<!tpu.dma_semaphore, #tpu.memory_space<semaphore_mem>>)
    %dma_start3A_18 = arith.constant 1 : i32
    %dma_start3A_19 = arith.constant 1 : i32
    %dma_start3A_20 = arith.constant 1 : i32
    %dma_start3A_21 = arith.constant 0 : i32
    %dma_start3A_22 = arith.constant 0 : i32
    %dma_start3A_23 = tpu.memref_slice %arg8[%dma_start3A_19, %dma_start3A_21, %dma_start3A_22] : memref<5x40x128xf32, #tpu.memory_space<vmem>> -> memref<1x40x128xf32, #tpu.memory_space<vmem>>
    %dma_start3A_24 = tpu.memref_squeeze %dma_start3A_23 : memref<1x40x128xf32, #tpu.memory_space<vmem>> -> memref<40x128xf32, #tpu.memory_space<vmem>>
    %dma_start3A_25 = arith.constant 0 : i32
    %dma_start3A_26 = tpu.memref_slice %arg6[%dma_start3A_18, %dma_start3A_25] : memref<250x40xi32, #tpu.memory_space<vmem>> -> memref<1x40xi32, #tpu.memory_space<vmem>>
    %dma_start3A_27 = tpu.memref_squeeze %dma_start3A_26 : memref<1x40xi32, #tpu.memory_space<vmem>> -> memref<40xi32, #tpu.memory_space<vmem>>
    %dma_start3A_28 = arith.constant 0 : i32
    %dma_start3A_29 = arith.constant 0 : i32
    %dma_start3A_30 = tpu.memref_slice %arg2[%dma_start3A_28, %dma_start3A_29] : memref<10000x128xf32, #tpu.memory_space<hbm>> -> memref<10000x128xf32, #tpu.memory_space<hbm>>
    %dma_start3A_31 = tpu.memref_slice %arg10[%dma_start3A_20] : memref<5x!tpu.dma_semaphore, #tpu.memory_space<semaphore_mem>> -> memref<1x!tpu.dma_semaphore, #tpu.memory_space<semaphore_mem>>
    %dma_start3A_32 = tpu.memref_squeeze %dma_start3A_31 : memref<1x!tpu.dma_semaphore, #tpu.memory_space<semaphore_mem>> -> memref<!tpu.dma_semaphore, #tpu.memory_space<semaphore_mem>>
    tpu.enqueue_indirect_dma source(%dma_start3A_30 : memref<10000x128xf32, #tpu.memory_space<hbm>>) target(%dma_start3A_24 : memref<40x128xf32, #tpu.memory_space<vmem>>) offsets(%dma_start3A_27 : memref<40xi32, #tpu.memory_space<vmem>>) semaphore(%dma_start3A_32 : memref<!tpu.dma_semaphore, #tpu.memory_space<semaphore_mem>>)
    %dma_start3A_33 = arith.constant 2 : i32
    %dma_start3A_34 = arith.constant 2 : i32
    %dma_start3A_35 = arith.constant 2 : i32
    %dma_start3A_36 = arith.constant 0 : i32
    %dma_start3A_37 = arith.constant 0 : i32
    %dma_start3A_38 = tpu.memref_slice %arg8[%dma_start3A_34, %dma_start3A_36, %dma_start3A_37] : memref<5x40x128xf32, #tpu.memory_space<vmem>> -> memref<1x40x128xf32, #tpu.memory_space<vmem>>
    %dma_start3A_39 = tpu.memref_squeeze %dma_start3A_38 : memref<1x40x128xf32, #tpu.memory_space<vmem>> -> memref<40x128xf32, #tpu.memory_space<vmem>>
    %dma_start3A_40 = arith.constant 0 : i32
    %dma_start3A_41 = tpu.memref_slice %arg6[%dma_start3A_33, %dma_start3A_40] : memref<250x40xi32, #tpu.memory_space<vmem>> -> memref<1x40xi32, #tpu.memory_space<vmem>>
    %dma_start3A_42 = tpu.memref_squeeze %dma_start3A_41 : memref<1x40xi32, #tpu.memory_space<vmem>> -> memref<40xi32, #tpu.memory_space<vmem>>
    %dma_start3A_43 = arith.constant 0 : i32
    %dma_start3A_44 = arith.constant 0 : i32
    %dma_start3A_45 = tpu.memref_slice %arg2[%dma_start3A_43, %dma_start3A_44] : memref<10000x128xf32, #tpu.memory_space<hbm>> -> memref<10000x128xf32, #tpu.memory_space<hbm>>
    %dma_start3A_46 = tpu.memref_slice %arg10[%dma_start3A_35] : memref<5x!tpu.dma_semaphore, #tpu.memory_space<semaphore_mem>> -> memref<1x!tpu.dma_semaphore, #tpu.memory_space<semaphore_mem>>
    %dma_start3A_47 = tpu.memref_squeeze %dma_start3A_46 : memref<1x!tpu.dma_semaphore, #tpu.memory_space<semaphore_mem>> -> memref<!tpu.dma_semaphore, #tpu.memory_space<semaphore_mem>>
    tpu.enqueue_indirect_dma source(%dma_start3A_45 : memref<10000x128xf32, #tpu.memory_space<hbm>>) target(%dma_start3A_39 : memref<40x128xf32, #tpu.memory_space<vmem>>) offsets(%dma_start3A_42 : memref<40xi32, #tpu.memory_space<vmem>>) semaphore(%dma_start3A_47 : memref<!tpu.dma_semaphore, #tpu.memory_space<semaphore_mem>>)
    %dma_start3A_48 = arith.constant 3 : i32
    %dma_start3A_49 = arith.constant 3 : i32
    %dma_start3A_50 = arith.constant 3 : i32
    %dma_start3A_51 = arith.constant 0 : i32
    %dma_start3A_52 = arith.constant 0 : i32
    %dma_start3A_53 = tpu.memref_slice %arg8[%dma_start3A_49, %dma_start3A_51, %dma_start3A_52] : memref<5x40x128xf32, #tpu.memory_space<vmem>> -> memref<1x40x128xf32, #tpu.memory_space<vmem>>
    %dma_start3A_54 = tpu.memref_squeeze %dma_start3A_53 : memref<1x40x128xf32, #tpu.memory_space<vmem>> -> memref<40x128xf32, #tpu.memory_space<vmem>>
    %dma_start3A_55 = arith.constant 0 : i32
    %dma_start3A_56 = tpu.memref_slice %arg6[%dma_start3A_48, %dma_start3A_55] : memref<250x40xi32, #tpu.memory_space<vmem>> -> memref<1x40xi32, #tpu.memory_space<vmem>>
    %dma_start3A_57 = tpu.memref_squeeze %dma_start3A_56 : memref<1x40xi32, #tpu.memory_space<vmem>> -> memref<40xi32, #tpu.memory_space<vmem>>
    %dma_start3A_58 = arith.constant 0 : i32
    %dma_start3A_59 = arith.constant 0 : i32
    %dma_start3A_60 = tpu.memref_slice %arg2[%dma_start3A_58, %dma_start3A_59] : memref<10000x128xf32, #tpu.memory_space<hbm>> -> memref<10000x128xf32, #tpu.memory_space<hbm>>
    %dma_start3A_61 = tpu.memref_slice %arg10[%dma_start3A_50] : memref<5x!tpu.dma_semaphore, #tpu.memory_space<semaphore_mem>> -> memref<1x!tpu.dma_semaphore, #tpu.memory_space<semaphore_mem>>
    %dma_start3A_62 = tpu.memref_squeeze %dma_start3A_61 : memref<1x!tpu.dma_semaphore, #tpu.memory_space<semaphore_mem>> -> memref<!tpu.dma_semaphore, #tpu.memory_space<semaphore_mem>>
    tpu.enqueue_indirect_dma source(%dma_start3A_60 : memref<10000x128xf32, #tpu.memory_space<hbm>>) target(%dma_start3A_54 : memref<40x128xf32, #tpu.memory_space<vmem>>) offsets(%dma_start3A_57 : memref<40xi32, #tpu.memory_space<vmem>>) semaphore(%dma_start3A_62 : memref<!tpu.dma_semaphore, #tpu.memory_space<semaphore_mem>>)
    %dma_start3A_63 = arith.constant 4 : i32
    %dma_start3A_64 = arith.constant 4 : i32
    %dma_start3A_65 = arith.constant 4 : i32
    %dma_start3A_66 = arith.constant 0 : i32
    %dma_start3A_67 = arith.constant 0 : i32
    %dma_start3A_68 = tpu.memref_slice %arg8[%dma_start3A_64, %dma_start3A_66, %dma_start3A_67] : memref<5x40x128xf32, #tpu.memory_space<vmem>> -> memref<1x40x128xf32, #tpu.memory_space<vmem>>
    %dma_start3A_69 = tpu.memref_squeeze %dma_start3A_68 : memref<1x40x128xf32, #tpu.memory_space<vmem>> -> memref<40x128xf32, #tpu.memory_space<vmem>>
    %dma_start3A_70 = arith.constant 0 : i32
    %dma_start3A_71 = tpu.memref_slice %arg6[%dma_start3A_63, %dma_start3A_70] : memref<250x40xi32, #tpu.memory_space<vmem>> -> memref<1x40xi32, #tpu.memory_space<vmem>>
    %dma_start3A_72 = tpu.memref_squeeze %dma_start3A_71 : memref<1x40xi32, #tpu.memory_space<vmem>> -> memref<40xi32, #tpu.memory_space<vmem>>
    %dma_start3A_73 = arith.constant 0 : i32
    %dma_start3A_74 = arith.constant 0 : i32
    %dma_start3A_75 = tpu.memref_slice %arg2[%dma_start3A_73, %dma_start3A_74] : memref<10000x128xf32, #tpu.memory_space<hbm>> -> memref<10000x128xf32, #tpu.memory_space<hbm>>
    %dma_start3A_76 = tpu.memref_slice %arg10[%dma_start3A_65] : memref<5x!tpu.dma_semaphore, #tpu.memory_space<semaphore_mem>> -> memref<1x!tpu.dma_semaphore, #tpu.memory_space<semaphore_mem>>
    %dma_start3A_77 = tpu.memref_squeeze %dma_start3A_76 : memref<1x!tpu.dma_semaphore, #tpu.memory_space<semaphore_mem>> -> memref<!tpu.dma_semaphore, #tpu.memory_space<semaphore_mem>>
    tpu.enqueue_indirect_dma source(%dma_start3A_75 : memref<10000x128xf32, #tpu.memory_space<hbm>>) target(%dma_start3A_69 : memref<40x128xf32, #tpu.memory_space<vmem>>) offsets(%dma_start3A_72 : memref<40xi32, #tpu.memory_space<vmem>>) semaphore(%dma_start3A_77 : memref<!tpu.dma_semaphore, #tpu.memory_space<semaphore_mem>>)
    %eq3A = arith.constant 0 : i32
    %eq3A_78 = arith.cmpi eq, %arg0, %eq3A : i32
    %lt3A = arith.constant 15 : i32
    %lt3A_79 = arith.cmpi slt, %arg1, %lt3A : i32
    %and3A = arith.andi %eq3A_78, %lt3A_79 : i1
    %convert_element_type3A = arith.extui %and3A : i1 to i32
    %cond3A = arith.constant 0 : i32
    %cond3A_80 = arith.cmpi ne, %convert_element_type3A, %cond3A : i32
    scf.if %cond3A_80 {
      "tpu.region"() ({
        %run_scoped3A_121 = tpu.sem_alloc : memref<!tpu.dma_semaphore, #tpu.memory_space<semaphore_mem>>
        %dma_start3A_122 = arith.constant 0 : i32
        %dma_start3A_123 = tpu.memref_slice %arg9[%multiple_of3A, %dma_start3A_122] : memref<10000x128xf32, #tpu.memory_space<vmem_shared>> -> memref<632x128xf32, #tpu.memory_space<vmem_shared>>
        %dma_start3A_124 = arith.constant 0 : i32
        %dma_start3A_125 = tpu.memref_slice %arg2[%multiple_of3A, %dma_start3A_124] : memref<10000x128xf32, #tpu.memory_space<hbm>> -> memref<632x128xf32, #tpu.memory_space<hbm>>
        tpu.enqueue_dma source(%dma_start3A_125 : memref<632x128xf32, #tpu.memory_space<hbm>>) target(%dma_start3A_123 : memref<632x128xf32, #tpu.memory_space<vmem_shared>>) target_semaphore(%run_scoped3A_121 : memref<!tpu.dma_semaphore, #tpu.memory_space<semaphore_mem>>)
        %dma_wait3A = arith.constant 0 : i32
        %dma_wait3A_126 = tpu.memref_slice %arg9[%multiple_of3A, %dma_wait3A] : memref<10000x128xf32, #tpu.memory_space<vmem_shared>> -> memref<632x128xf32, #tpu.memory_space<vmem_shared>>
        %dma_wait3A_127 = arith.constant 0 : i32
        %dma_wait3A_128 = tpu.memref_slice %arg2[%multiple_of3A, %dma_wait3A_127] : memref<10000x128xf32, #tpu.memory_space<hbm>> -> memref<632x128xf32, #tpu.memory_space<hbm>>
        tpu.wait_dma2 semaphore(%run_scoped3A_121 : memref<!tpu.dma_semaphore, #tpu.memory_space<semaphore_mem>>) src(%dma_wait3A_128 : memref<632x128xf32, #tpu.memory_space<hbm>>) dst(%dma_wait3A_126 : memref<632x128xf32, #tpu.memory_space<vmem_shared>>)
        tpu.yield
      }) : () -> ()
    } else {
    }
    %eq3A_81 = arith.constant 0 : i32
    %eq3A_82 = arith.cmpi eq, %arg0, %eq3A_81 : i32
    %eq3A_83 = arith.constant 15 : i32
    %eq3A_84 = arith.cmpi eq, %arg1, %eq3A_83 : i32
    %and3A_85 = arith.andi %eq3A_82, %eq3A_84 : i1
    %convert_element_type3A_86 = arith.extui %and3A_85 : i1 to i32
    %cond3A_87 = arith.constant 0 : i32
    %cond3A_88 = arith.cmpi ne, %convert_element_type3A_86, %cond3A_87 : i32
    scf.if %cond3A_88 {
      "tpu.region"() ({
        %run_scoped3A_121 = tpu.sem_alloc : memref<!tpu.dma_semaphore, #tpu.memory_space<semaphore_mem>>
        %dma_start3A_122 = arith.constant 9480 : i32
        %dma_start3A_123 = arith.constant 0 : i32
        %dma_start3A_124 = tpu.memref_slice %arg9[%dma_start3A_122, %dma_start3A_123] : memref<10000x128xf32, #tpu.memory_space<vmem_shared>> -> memref<520x128xf32, #tpu.memory_space<vmem_shared>>
        %dma_start3A_125 = arith.constant 9480 : i32
        %dma_start3A_126 = arith.constant 0 : i32
        %dma_start3A_127 = tpu.memref_slice %arg2[%dma_start3A_125, %dma_start3A_126] : memref<10000x128xf32, #tpu.memory_space<hbm>> -> memref<520x128xf32, #tpu.memory_space<hbm>>
        tpu.enqueue_dma source(%dma_start3A_127 : memref<520x128xf32, #tpu.memory_space<hbm>>) target(%dma_start3A_124 : memref<520x128xf32, #tpu.memory_space<vmem_shared>>) target_semaphore(%run_scoped3A_121 : memref<!tpu.dma_semaphore, #tpu.memory_space<semaphore_mem>>)
        %dma_wait3A = arith.constant 9480 : i32
        %dma_wait3A_128 = arith.constant 0 : i32
        %dma_wait3A_129 = tpu.memref_slice %arg9[%dma_wait3A, %dma_wait3A_128] : memref<10000x128xf32, #tpu.memory_space<vmem_shared>> -> memref<520x128xf32, #tpu.memory_space<vmem_shared>>
        %dma_wait3A_130 = arith.constant 9480 : i32
        %dma_wait3A_131 = arith.constant 0 : i32
        %dma_wait3A_132 = tpu.memref_slice %arg2[%dma_wait3A_130, %dma_wait3A_131] : memref<10000x128xf32, #tpu.memory_space<hbm>> -> memref<520x128xf32, #tpu.memory_space<hbm>>
        tpu.wait_dma2 semaphore(%run_scoped3A_121 : memref<!tpu.dma_semaphore, #tpu.memory_space<semaphore_mem>>) src(%dma_wait3A_132 : memref<520x128xf32, #tpu.memory_space<hbm>>) dst(%dma_wait3A_129 : memref<520x128xf32, #tpu.memory_space<vmem_shared>>)
        tpu.yield
      }) : () -> ()
    } else {
    }
    %eq3A_89 = arith.constant 1 : i32
    %eq3A_90 = arith.cmpi eq, %arg0, %eq3A_89 : i32
    %lt3A_91 = arith.constant 15 : i32
    %lt3A_92 = arith.cmpi slt, %arg1, %lt3A_91 : i32
    %and3A_93 = arith.andi %eq3A_90, %lt3A_92 : i1
    %convert_element_type3A_94 = arith.extui %and3A_93 : i1 to i32
    %cond3A_95 = arith.constant 0 : i32
    %cond3A_96 = arith.cmpi ne, %convert_element_type3A_94, %cond3A_95 : i32
    scf.if %cond3A_96 {
      "tpu.region"() ({
        %run_scoped3A_121 = tpu.sem_alloc : memref<!tpu.dma_semaphore, #tpu.memory_space<semaphore_mem>>
        %dma_start3A_122 = arith.constant 0 : i32
        %dma_start3A_123 = tpu.memref_slice %arg9[%multiple_of3A, %dma_start3A_122] : memref<10000x128xf32, #tpu.memory_space<vmem_shared>> -> memref<632x128xf32, #tpu.memory_space<vmem_shared>>
        %dma_start3A_124 = arith.constant 0 : i32
        %dma_start3A_125 = tpu.memref_slice %arg3[%multiple_of3A, %dma_start3A_124] : memref<10000x128xf32, #tpu.memory_space<hbm>> -> memref<632x128xf32, #tpu.memory_space<hbm>>
        tpu.enqueue_dma source(%dma_start3A_125 : memref<632x128xf32, #tpu.memory_space<hbm>>) target(%dma_start3A_123 : memref<632x128xf32, #tpu.memory_space<vmem_shared>>) target_semaphore(%run_scoped3A_121 : memref<!tpu.dma_semaphore, #tpu.memory_space<semaphore_mem>>)
        %dma_wait3A = arith.constant 0 : i32
        %dma_wait3A_126 = tpu.memref_slice %arg9[%multiple_of3A, %dma_wait3A] : memref<10000x128xf32, #tpu.memory_space<vmem_shared>> -> memref<632x128xf32, #tpu.memory_space<vmem_shared>>
        %dma_wait3A_127 = arith.constant 0 : i32
        %dma_wait3A_128 = tpu.memref_slice %arg3[%multiple_of3A, %dma_wait3A_127] : memref<10000x128xf32, #tpu.memory_space<hbm>> -> memref<632x128xf32, #tpu.memory_space<hbm>>
        tpu.wait_dma2 semaphore(%run_scoped3A_121 : memref<!tpu.dma_semaphore, #tpu.memory_space<semaphore_mem>>) src(%dma_wait3A_128 : memref<632x128xf32, #tpu.memory_space<hbm>>) dst(%dma_wait3A_126 : memref<632x128xf32, #tpu.memory_space<vmem_shared>>)
        tpu.yield
      }) : () -> ()
    } else {
    }
    %eq3A_97 = arith.constant 1 : i32
    %eq3A_98 = arith.cmpi eq, %arg0, %eq3A_97 : i32
    %eq3A_99 = arith.constant 15 : i32
    %eq3A_100 = arith.cmpi eq, %arg1, %eq3A_99 : i32
    %and3A_101 = arith.andi %eq3A_98, %eq3A_100 : i1
    %convert_element_type3A_102 = arith.extui %and3A_101 : i1 to i32
    %cond3A_103 = arith.constant 0 : i32
    %cond3A_104 = arith.cmpi ne, %convert_element_type3A_102, %cond3A_103 : i32
    scf.if %cond3A_104 {
      "tpu.region"() ({
        %run_scoped3A_121 = tpu.sem_alloc : memref<!tpu.dma_semaphore, #tpu.memory_space<semaphore_mem>>
        %dma_start3A_122 = arith.constant 9480 : i32
        %dma_start3A_123 = arith.constant 0 : i32
        %dma_start3A_124 = tpu.memref_slice %arg9[%dma_start3A_122, %dma_start3A_123] : memref<10000x128xf32, #tpu.memory_space<vmem_shared>> -> memref<520x128xf32, #tpu.memory_space<vmem_shared>>
        %dma_start3A_125 = arith.constant 9480 : i32
        %dma_start3A_126 = arith.constant 0 : i32
        %dma_start3A_127 = tpu.memref_slice %arg3[%dma_start3A_125, %dma_start3A_126] : memref<10000x128xf32, #tpu.memory_space<hbm>> -> memref<520x128xf32, #tpu.memory_space<hbm>>
        tpu.enqueue_dma source(%dma_start3A_127 : memref<520x128xf32, #tpu.memory_space<hbm>>) target(%dma_start3A_124 : memref<520x128xf32, #tpu.memory_space<vmem_shared>>) target_semaphore(%run_scoped3A_121 : memref<!tpu.dma_semaphore, #tpu.memory_space<semaphore_mem>>)
        %dma_wait3A = arith.constant 9480 : i32
        %dma_wait3A_128 = arith.constant 0 : i32
        %dma_wait3A_129 = tpu.memref_slice %arg9[%dma_wait3A, %dma_wait3A_128] : memref<10000x128xf32, #tpu.memory_space<vmem_shared>> -> memref<520x128xf32, #tpu.memory_space<vmem_shared>>
        %dma_wait3A_130 = arith.constant 9480 : i32
        %dma_wait3A_131 = arith.constant 0 : i32
        %dma_wait3A_132 = tpu.memref_slice %arg3[%dma_wait3A_130, %dma_wait3A_131] : memref<10000x128xf32, #tpu.memory_space<hbm>> -> memref<520x128xf32, #tpu.memory_space<hbm>>
        tpu.wait_dma2 semaphore(%run_scoped3A_121 : memref<!tpu.dma_semaphore, #tpu.memory_space<semaphore_mem>>) src(%dma_wait3A_132 : memref<520x128xf32, #tpu.memory_space<hbm>>) dst(%dma_wait3A_129 : memref<520x128xf32, #tpu.memory_space<vmem_shared>>)
        tpu.yield
      }) : () -> ()
    } else {
    }
    %barrier3A = arith.constant 0 : index
    tpu.barrier barrier_id(%barrier3A)
    %scan3A = arith.constant 0 : i32
    %scan3A_105 = arith.constant 0 : i32
    %scan3A_106 = arith.constant 50 : i32
    %scan3A_107 = arith.addi %scan3A_105, %scan3A_106 : i32
    %scan3A_108 = arith.constant 1 : i32
    scf.for %scan3A_121 = %scan3A_105 to %scan3A_107 step %scan3A_108  : i32 {
      %mul3A_122 = arith.constant 5 : i32
      %mul3A_123 = arith.muli %scan3A_121, %mul3A_122 : i32
      %add3A_124 = arith.constant 0 : i32
      %add3A_125 = arith.addi %mul3A_123, %add3A_124 : i32
      %dma_wait3A = arith.constant 0 : i32
      %dma_wait3A_126 = arith.constant 0 : i32
      %dma_wait3A_127 = arith.constant 0 : i32
      %dma_wait3A_128 = arith.constant 0 : i32
      %dma_wait3A_129 = tpu.memref_slice %arg8[%dma_wait3A, %dma_wait3A_127, %dma_wait3A_128] : memref<5x40x128xf32, #tpu.memory_space<vmem>> -> memref<1x40x128xf32, #tpu.memory_space<vmem>>
      %dma_wait3A_130 = tpu.memref_squeeze %dma_wait3A_129 : memref<1x40x128xf32, #tpu.memory_space<vmem>> -> memref<40x128xf32, #tpu.memory_space<vmem>>
      %dma_wait3A_131 = arith.constant 0 : i32
      %dma_wait3A_132 = tpu.memref_slice %arg6[%add3A_125, %dma_wait3A_131] : memref<250x40xi32, #tpu.memory_space<vmem>> -> memref<1x40xi32, #tpu.memory_space<vmem>>
      %dma_wait3A_133 = tpu.memref_squeeze %dma_wait3A_132 : memref<1x40xi32, #tpu.memory_space<vmem>> -> memref<40xi32, #tpu.memory_space<vmem>>
      %dma_wait3A_134 = arith.constant 0 : i32
      %dma_wait3A_135 = arith.constant 0 : i32
      %dma_wait3A_136 = tpu.memref_slice %arg2[%dma_wait3A_134, %dma_wait3A_135] : memref<10000x128xf32, #tpu.memory_space<hbm>> -> memref<10000x128xf32, #tpu.memory_space<hbm>>
      %dma_wait3A_137 = tpu.memref_slice %arg10[%dma_wait3A_126] : memref<5x!tpu.dma_semaphore, #tpu.memory_space<semaphore_mem>> -> memref<1x!tpu.dma_semaphore, #tpu.memory_space<semaphore_mem>>
      %dma_wait3A_138 = tpu.memref_squeeze %dma_wait3A_137 : memref<1x!tpu.dma_semaphore, #tpu.memory_space<semaphore_mem>> -> memref<!tpu.dma_semaphore, #tpu.memory_space<semaphore_mem>>
      tpu.wait_indirect_dma semaphore(%dma_wait3A_138 : memref<!tpu.dma_semaphore, #tpu.memory_space<semaphore_mem>>) src(%dma_wait3A_136 : memref<10000x128xf32, #tpu.memory_space<hbm>>) dst(%dma_wait3A_130 : memref<40x128xf32, #tpu.memory_space<vmem>>)
      %run_scoped3A_139 = arith.constant 0 : i32
      "tpu.region"() ({
        %run_scoped3A_251 = tpu.sem_alloc : memref<!tpu.dma_semaphore, #tpu.memory_space<semaphore_mem>>
        %dma_start3A_252 = arith.constant 0 : i32
        %dma_start3A_253 = arith.constant 0 : i32
        %dma_start3A_254 = tpu.memref_slice %arg8[%run_scoped3A_139, %dma_start3A_252, %dma_start3A_253] : memref<5x40x128xf32, #tpu.memory_space<vmem>> -> memref<1x40x128xf32, #tpu.memory_space<vmem>>
        %dma_start3A_255 = tpu.memref_squeeze %dma_start3A_254 : memref<1x40x128xf32, #tpu.memory_space<vmem>> -> memref<40x128xf32, #tpu.memory_space<vmem>>
        %dma_start3A_256 = arith.constant 0 : i32
        %dma_start3A_257 = tpu.memref_slice %arg7[%add3A_125, %dma_start3A_256] : memref<250x40xi32, #tpu.memory_space<vmem>> -> memref<1x40xi32, #tpu.memory_space<vmem>>
        %dma_start3A_258 = tpu.memref_squeeze %dma_start3A_257 : memref<1x40xi32, #tpu.memory_space<vmem>> -> memref<40xi32, #tpu.memory_space<vmem>>
        %dma_start3A_259 = arith.constant 0 : i32
        %dma_start3A_260 = arith.constant 0 : i32
        %dma_start3A_261 = tpu.memref_slice %arg9[%dma_start3A_259, %dma_start3A_260] : memref<10000x128xf32, #tpu.memory_space<vmem_shared>> -> memref<10000x128xf32, #tpu.memory_space<vmem_shared>>
        tpu.enqueue_indirect_dma source(%dma_start3A_255 : memref<40x128xf32, #tpu.memory_space<vmem>>) target(%dma_start3A_261 : memref<10000x128xf32, #tpu.memory_space<vmem_shared>>) offsets(%dma_start3A_258 : memref<40xi32, #tpu.memory_space<vmem>>) semaphore(%run_scoped3A_251 : memref<!tpu.dma_semaphore, #tpu.memory_space<semaphore_mem>>) {add = true}
        %dma_wait3A_262 = arith.constant 0 : i32
        %dma_wait3A_263 = arith.constant 0 : i32
        %dma_wait3A_264 = tpu.memref_slice %arg8[%run_scoped3A_139, %dma_wait3A_262, %dma_wait3A_263] : memref<5x40x128xf32, #tpu.memory_space<vmem>> -> memref<1x40x128xf32, #tpu.memory_space<vmem>>
        %dma_wait3A_265 = tpu.memref_squeeze %dma_wait3A_264 : memref<1x40x128xf32, #tpu.memory_space<vmem>> -> memref<40x128xf32, #tpu.memory_space<vmem>>
        %dma_wait3A_266 = arith.constant 0 : i32
        %dma_wait3A_267 = tpu.memref_slice %arg7[%add3A_125, %dma_wait3A_266] : memref<250x40xi32, #tpu.memory_space<vmem>> -> memref<1x40xi32, #tpu.memory_space<vmem>>
        %dma_wait3A_268 = tpu.memref_squeeze %dma_wait3A_267 : memref<1x40xi32, #tpu.memory_space<vmem>> -> memref<40xi32, #tpu.memory_space<vmem>>
        %dma_wait3A_269 = arith.constant 0 : i32
        %dma_wait3A_270 = arith.constant 0 : i32
        %dma_wait3A_271 = tpu.memref_slice %arg9[%dma_wait3A_269, %dma_wait3A_270] : memref<10000x128xf32, #tpu.memory_space<vmem_shared>> -> memref<10000x128xf32, #tpu.memory_space<vmem_shared>>
        tpu.wait_indirect_dma semaphore(%run_scoped3A_251 : memref<!tpu.dma_semaphore, #tpu.memory_space<semaphore_mem>>) src(%dma_wait3A_265 : memref<40x128xf32, #tpu.memory_space<vmem>>) dst(%dma_wait3A_271 : memref<10000x128xf32, #tpu.memory_space<vmem_shared>>)
        tpu.yield
      }) : () -> ()
      %add3A_140 = arith.constant 5 : i32
      %add3A_141 = arith.addi %add3A_125, %add3A_140 : i32
      %lt3A_142 = arith.constant 250 : i32
      %lt3A_143 = arith.cmpi slt, %add3A_141, %lt3A_142 : i32
      %convert_element_type3A_144 = arith.extui %lt3A_143 : i1 to i32
      %cond3A_145 = arith.constant 0 : i32
      %cond3A_146 = arith.cmpi ne, %convert_element_type3A_144, %cond3A_145 : i32
      scf.if %cond3A_146 {
        %add3A_251 = arith.constant 5 : i32
        %add3A_252 = arith.addi %add3A_125, %add3A_251 : i32
        %dma_start3A_253 = arith.constant 0 : i32
        %dma_start3A_254 = arith.constant 0 : i32
        %dma_start3A_255 = arith.constant 0 : i32
        %dma_start3A_256 = arith.constant 0 : i32
        %dma_start3A_257 = tpu.memref_slice %arg8[%dma_start3A_253, %dma_start3A_255, %dma_start3A_256] : memref<5x40x128xf32, #tpu.memory_space<vmem>> -> memref<1x40x128xf32, #tpu.memory_space<vmem>>
        %dma_start3A_258 = tpu.memref_squeeze %dma_start3A_257 : memref<1x40x128xf32, #tpu.memory_space<vmem>> -> memref<40x128xf32, #tpu.memory_space<vmem>>
        %dma_start3A_259 = arith.constant 0 : i32
        %dma_start3A_260 = tpu.memref_slice %arg6[%add3A_252, %dma_start3A_259] : memref<250x40xi32, #tpu.memory_space<vmem>> -> memref<1x40xi32, #tpu.memory_space<vmem>>
        %dma_start3A_261 = tpu.memref_squeeze %dma_start3A_260 : memref<1x40xi32, #tpu.memory_space<vmem>> -> memref<40xi32, #tpu.memory_space<vmem>>
        %dma_start3A_262 = arith.constant 0 : i32
        %dma_start3A_263 = arith.constant 0 : i32
        %dma_start3A_264 = tpu.memref_slice %arg2[%dma_start3A_262, %dma_start3A_263] : memref<10000x128xf32, #tpu.memory_space<hbm>> -> memref<10000x128xf32, #tpu.memory_space<hbm>>
        %dma_start3A_265 = tpu.memref_slice %arg10[%dma_start3A_254] : memref<5x!tpu.dma_semaphore, #tpu.memory_space<semaphore_mem>> -> memref<1x!tpu.dma_semaphore, #tpu.memory_space<semaphore_mem>>
        %dma_start3A_266 = tpu.memref_squeeze %dma_start3A_265 : memref<1x!tpu.dma_semaphore, #tpu.memory_space<semaphore_mem>> -> memref<!tpu.dma_semaphore, #tpu.memory_space<semaphore_mem>>
        tpu.enqueue_indirect_dma source(%dma_start3A_264 : memref<10000x128xf32, #tpu.memory_space<hbm>>) target(%dma_start3A_258 : memref<40x128xf32, #tpu.memory_space<vmem>>) offsets(%dma_start3A_261 : memref<40xi32, #tpu.memory_space<vmem>>) semaphore(%dma_start3A_266 : memref<!tpu.dma_semaphore, #tpu.memory_space<semaphore_mem>>)
      } else {
      }
      %mul3A_147 = arith.constant 5 : i32
      %mul3A_148 = arith.muli %scan3A_121, %mul3A_147 : i32
      %add3A_149 = arith.constant 1 : i32
      %add3A_150 = arith.addi %mul3A_148, %add3A_149 : i32
      %dma_wait3A_151 = arith.constant 1 : i32
      %dma_wait3A_152 = arith.constant 1 : i32
      %dma_wait3A_153 = arith.constant 0 : i32
      %dma_wait3A_154 = arith.constant 0 : i32
      %dma_wait3A_155 = tpu.memref_slice %arg8[%dma_wait3A_151, %dma_wait3A_153, %dma_wait3A_154] : memref<5x40x128xf32, #tpu.memory_space<vmem>> -> memref<1x40x128xf32, #tpu.memory_space<vmem>>
      %dma_wait3A_156 = tpu.memref_squeeze %dma_wait3A_155 : memref<1x40x128xf32, #tpu.memory_space<vmem>> -> memref<40x128xf32, #tpu.memory_space<vmem>>
      %dma_wait3A_157 = arith.constant 0 : i32
      %dma_wait3A_158 = tpu.memref_slice %arg6[%add3A_150, %dma_wait3A_157] : memref<250x40xi32, #tpu.memory_space<vmem>> -> memref<1x40xi32, #tpu.memory_space<vmem>>
      %dma_wait3A_159 = tpu.memref_squeeze %dma_wait3A_158 : memref<1x40xi32, #tpu.memory_space<vmem>> -> memref<40xi32, #tpu.memory_space<vmem>>
      %dma_wait3A_160 = arith.constant 0 : i32
      %dma_wait3A_161 = arith.constant 0 : i32
      %dma_wait3A_162 = tpu.memref_slice %arg2[%dma_wait3A_160, %dma_wait3A_161] : memref<10000x128xf32, #tpu.memory_space<hbm>> -> memref<10000x128xf32, #tpu.memory_space<hbm>>
      %dma_wait3A_163 = tpu.memref_slice %arg10[%dma_wait3A_152] : memref<5x!tpu.dma_semaphore, #tpu.memory_space<semaphore_mem>> -> memref<1x!tpu.dma_semaphore, #tpu.memory_space<semaphore_mem>>
      %dma_wait3A_164 = tpu.memref_squeeze %dma_wait3A_163 : memref<1x!tpu.dma_semaphore, #tpu.memory_space<semaphore_mem>> -> memref<!tpu.dma_semaphore, #tpu.memory_space<semaphore_mem>>
      tpu.wait_indirect_dma semaphore(%dma_wait3A_164 : memref<!tpu.dma_semaphore, #tpu.memory_space<semaphore_mem>>) src(%dma_wait3A_162 : memref<10000x128xf32, #tpu.memory_space<hbm>>) dst(%dma_wait3A_156 : memref<40x128xf32, #tpu.memory_space<vmem>>)
      %run_scoped3A_165 = arith.constant 1 : i32
      "tpu.region"() ({
        %run_scoped3A_251 = tpu.sem_alloc : memref<!tpu.dma_semaphore, #tpu.memory_space<semaphore_mem>>
        %dma_start3A_252 = arith.constant 0 : i32
        %dma_start3A_253 = arith.constant 0 : i32
        %dma_start3A_254 = tpu.memref_slice %arg8[%run_scoped3A_165, %dma_start3A_252, %dma_start3A_253] : memref<5x40x128xf32, #tpu.memory_space<vmem>> -> memref<1x40x128xf32, #tpu.memory_space<vmem>>
        %dma_start3A_255 = tpu.memref_squeeze %dma_start3A_254 : memref<1x40x128xf32, #tpu.memory_space<vmem>> -> memref<40x128xf32, #tpu.memory_space<vmem>>
        %dma_start3A_256 = arith.constant 0 : i32
        %dma_start3A_257 = tpu.memref_slice %arg7[%add3A_150, %dma_start3A_256] : memref<250x40xi32, #tpu.memory_space<vmem>> -> memref<1x40xi32, #tpu.memory_space<vmem>>
        %dma_start3A_258 = tpu.memref_squeeze %dma_start3A_257 : memref<1x40xi32, #tpu.memory_space<vmem>> -> memref<40xi32, #tpu.memory_space<vmem>>
        %dma_start3A_259 = arith.constant 0 : i32
        %dma_start3A_260 = arith.constant 0 : i32
        %dma_start3A_261 = tpu.memref_slice %arg9[%dma_start3A_259, %dma_start3A_260] : memref<10000x128xf32, #tpu.memory_space<vmem_shared>> -> memref<10000x128xf32, #tpu.memory_space<vmem_shared>>
        tpu.enqueue_indirect_dma source(%dma_start3A_255 : memref<40x128xf32, #tpu.memory_space<vmem>>) target(%dma_start3A_261 : memref<10000x128xf32, #tpu.memory_space<vmem_shared>>) offsets(%dma_start3A_258 : memref<40xi32, #tpu.memory_space<vmem>>) semaphore(%run_scoped3A_251 : memref<!tpu.dma_semaphore, #tpu.memory_space<semaphore_mem>>) {add = true}
        %dma_wait3A_262 = arith.constant 0 : i32
        %dma_wait3A_263 = arith.constant 0 : i32
        %dma_wait3A_264 = tpu.memref_slice %arg8[%run_scoped3A_165, %dma_wait3A_262, %dma_wait3A_263] : memref<5x40x128xf32, #tpu.memory_space<vmem>> -> memref<1x40x128xf32, #tpu.memory_space<vmem>>
        %dma_wait3A_265 = tpu.memref_squeeze %dma_wait3A_264 : memref<1x40x128xf32, #tpu.memory_space<vmem>> -> memref<40x128xf32, #tpu.memory_space<vmem>>
        %dma_wait3A_266 = arith.constant 0 : i32
        %dma_wait3A_267 = tpu.memref_slice %arg7[%add3A_150, %dma_wait3A_266] : memref<250x40xi32, #tpu.memory_space<vmem>> -> memref<1x40xi32, #tpu.memory_space<vmem>>
        %dma_wait3A_268 = tpu.memref_squeeze %dma_wait3A_267 : memref<1x40xi32, #tpu.memory_space<vmem>> -> memref<40xi32, #tpu.memory_space<vmem>>
        %dma_wait3A_269 = arith.constant 0 : i32
        %dma_wait3A_270 = arith.constant 0 : i32
        %dma_wait3A_271 = tpu.memref_slice %arg9[%dma_wait3A_269, %dma_wait3A_270] : memref<10000x128xf32, #tpu.memory_space<vmem_shared>> -> memref<10000x128xf32, #tpu.memory_space<vmem_shared>>
        tpu.wait_indirect_dma semaphore(%run_scoped3A_251 : memref<!tpu.dma_semaphore, #tpu.memory_space<semaphore_mem>>) src(%dma_wait3A_265 : memref<40x128xf32, #tpu.memory_space<vmem>>) dst(%dma_wait3A_271 : memref<10000x128xf32, #tpu.memory_space<vmem_shared>>)
        tpu.yield
      }) : () -> ()
      %add3A_166 = arith.constant 5 : i32
      %add3A_167 = arith.addi %add3A_150, %add3A_166 : i32
      %lt3A_168 = arith.constant 250 : i32
      %lt3A_169 = arith.cmpi slt, %add3A_167, %lt3A_168 : i32
      %convert_element_type3A_170 = arith.extui %lt3A_169 : i1 to i32
      %cond3A_171 = arith.constant 0 : i32
      %cond3A_172 = arith.cmpi ne, %convert_element_type3A_170, %cond3A_171 : i32
      scf.if %cond3A_172 {
        %add3A_251 = arith.constant 5 : i32
        %add3A_252 = arith.addi %add3A_150, %add3A_251 : i32
        %dma_start3A_253 = arith.constant 1 : i32
        %dma_start3A_254 = arith.constant 1 : i32
        %dma_start3A_255 = arith.constant 0 : i32
        %dma_start3A_256 = arith.constant 0 : i32
        %dma_start3A_257 = tpu.memref_slice %arg8[%dma_start3A_253, %dma_start3A_255, %dma_start3A_256] : memref<5x40x128xf32, #tpu.memory_space<vmem>> -> memref<1x40x128xf32, #tpu.memory_space<vmem>>
        %dma_start3A_258 = tpu.memref_squeeze %dma_start3A_257 : memref<1x40x128xf32, #tpu.memory_space<vmem>> -> memref<40x128xf32, #tpu.memory_space<vmem>>
        %dma_start3A_259 = arith.constant 0 : i32
        %dma_start3A_260 = tpu.memref_slice %arg6[%add3A_252, %dma_start3A_259] : memref<250x40xi32, #tpu.memory_space<vmem>> -> memref<1x40xi32, #tpu.memory_space<vmem>>
        %dma_start3A_261 = tpu.memref_squeeze %dma_start3A_260 : memref<1x40xi32, #tpu.memory_space<vmem>> -> memref<40xi32, #tpu.memory_space<vmem>>
        %dma_start3A_262 = arith.constant 0 : i32
        %dma_start3A_263 = arith.constant 0 : i32
        %dma_start3A_264 = tpu.memref_slice %arg2[%dma_start3A_262, %dma_start3A_263] : memref<10000x128xf32, #tpu.memory_space<hbm>> -> memref<10000x128xf32, #tpu.memory_space<hbm>>
        %dma_start3A_265 = tpu.memref_slice %arg10[%dma_start3A_254] : memref<5x!tpu.dma_semaphore, #tpu.memory_space<semaphore_mem>> -> memref<1x!tpu.dma_semaphore, #tpu.memory_space<semaphore_mem>>
        %dma_start3A_266 = tpu.memref_squeeze %dma_start3A_265 : memref<1x!tpu.dma_semaphore, #tpu.memory_space<semaphore_mem>> -> memref<!tpu.dma_semaphore, #tpu.memory_space<semaphore_mem>>
        tpu.enqueue_indirect_dma source(%dma_start3A_264 : memref<10000x128xf32, #tpu.memory_space<hbm>>) target(%dma_start3A_258 : memref<40x128xf32, #tpu.memory_space<vmem>>) offsets(%dma_start3A_261 : memref<40xi32, #tpu.memory_space<vmem>>) semaphore(%dma_start3A_266 : memref<!tpu.dma_semaphore, #tpu.memory_space<semaphore_mem>>)
      } else {
      }
      %mul3A_173 = arith.constant 5 : i32
      %mul3A_174 = arith.muli %scan3A_121, %mul3A_173 : i32
      %add3A_175 = arith.constant 2 : i32
      %add3A_176 = arith.addi %mul3A_174, %add3A_175 : i32
      %dma_wait3A_177 = arith.constant 2 : i32
      %dma_wait3A_178 = arith.constant 2 : i32
      %dma_wait3A_179 = arith.constant 0 : i32
      %dma_wait3A_180 = arith.constant 0 : i32
      %dma_wait3A_181 = tpu.memref_slice %arg8[%dma_wait3A_177, %dma_wait3A_179, %dma_wait3A_180] : memref<5x40x128xf32, #tpu.memory_space<vmem>> -> memref<1x40x128xf32, #tpu.memory_space<vmem>>
      %dma_wait3A_182 = tpu.memref_squeeze %dma_wait3A_181 : memref<1x40x128xf32, #tpu.memory_space<vmem>> -> memref<40x128xf32, #tpu.memory_space<vmem>>
      %dma_wait3A_183 = arith.constant 0 : i32
      %dma_wait3A_184 = tpu.memref_slice %arg6[%add3A_176, %dma_wait3A_183] : memref<250x40xi32, #tpu.memory_space<vmem>> -> memref<1x40xi32, #tpu.memory_space<vmem>>
      %dma_wait3A_185 = tpu.memref_squeeze %dma_wait3A_184 : memref<1x40xi32, #tpu.memory_space<vmem>> -> memref<40xi32, #tpu.memory_space<vmem>>
      %dma_wait3A_186 = arith.constant 0 : i32
      %dma_wait3A_187 = arith.constant 0 : i32
      %dma_wait3A_188 = tpu.memref_slice %arg2[%dma_wait3A_186, %dma_wait3A_187] : memref<10000x128xf32, #tpu.memory_space<hbm>> -> memref<10000x128xf32, #tpu.memory_space<hbm>>
      %dma_wait3A_189 = tpu.memref_slice %arg10[%dma_wait3A_178] : memref<5x!tpu.dma_semaphore, #tpu.memory_space<semaphore_mem>> -> memref<1x!tpu.dma_semaphore, #tpu.memory_space<semaphore_mem>>
      %dma_wait3A_190 = tpu.memref_squeeze %dma_wait3A_189 : memref<1x!tpu.dma_semaphore, #tpu.memory_space<semaphore_mem>> -> memref<!tpu.dma_semaphore, #tpu.memory_space<semaphore_mem>>
      tpu.wait_indirect_dma semaphore(%dma_wait3A_190 : memref<!tpu.dma_semaphore, #tpu.memory_space<semaphore_mem>>) src(%dma_wait3A_188 : memref<10000x128xf32, #tpu.memory_space<hbm>>) dst(%dma_wait3A_182 : memref<40x128xf32, #tpu.memory_space<vmem>>)
      %run_scoped3A_191 = arith.constant 2 : i32
      "tpu.region"() ({
        %run_scoped3A_251 = tpu.sem_alloc : memref<!tpu.dma_semaphore, #tpu.memory_space<semaphore_mem>>
        %dma_start3A_252 = arith.constant 0 : i32
        %dma_start3A_253 = arith.constant 0 : i32
        %dma_start3A_254 = tpu.memref_slice %arg8[%run_scoped3A_191, %dma_start3A_252, %dma_start3A_253] : memref<5x40x128xf32, #tpu.memory_space<vmem>> -> memref<1x40x128xf32, #tpu.memory_space<vmem>>
        %dma_start3A_255 = tpu.memref_squeeze %dma_start3A_254 : memref<1x40x128xf32, #tpu.memory_space<vmem>> -> memref<40x128xf32, #tpu.memory_space<vmem>>
        %dma_start3A_256 = arith.constant 0 : i32
        %dma_start3A_257 = tpu.memref_slice %arg7[%add3A_176, %dma_start3A_256] : memref<250x40xi32, #tpu.memory_space<vmem>> -> memref<1x40xi32, #tpu.memory_space<vmem>>
        %dma_start3A_258 = tpu.memref_squeeze %dma_start3A_257 : memref<1x40xi32, #tpu.memory_space<vmem>> -> memref<40xi32, #tpu.memory_space<vmem>>
        %dma_start3A_259 = arith.constant 0 : i32
        %dma_start3A_260 = arith.constant 0 : i32
        %dma_start3A_261 = tpu.memref_slice %arg9[%dma_start3A_259, %dma_start3A_260] : memref<10000x128xf32, #tpu.memory_space<vmem_shared>> -> memref<10000x128xf32, #tpu.memory_space<vmem_shared>>
        tpu.enqueue_indirect_dma source(%dma_start3A_255 : memref<40x128xf32, #tpu.memory_space<vmem>>) target(%dma_start3A_261 : memref<10000x128xf32, #tpu.memory_space<vmem_shared>>) offsets(%dma_start3A_258 : memref<40xi32, #tpu.memory_space<vmem>>) semaphore(%run_scoped3A_251 : memref<!tpu.dma_semaphore, #tpu.memory_space<semaphore_mem>>) {add = true}
        %dma_wait3A_262 = arith.constant 0 : i32
        %dma_wait3A_263 = arith.constant 0 : i32
        %dma_wait3A_264 = tpu.memref_slice %arg8[%run_scoped3A_191, %dma_wait3A_262, %dma_wait3A_263] : memref<5x40x128xf32, #tpu.memory_space<vmem>> -> memref<1x40x128xf32, #tpu.memory_space<vmem>>
        %dma_wait3A_265 = tpu.memref_squeeze %dma_wait3A_264 : memref<1x40x128xf32, #tpu.memory_space<vmem>> -> memref<40x128xf32, #tpu.memory_space<vmem>>
        %dma_wait3A_266 = arith.constant 0 : i32
        %dma_wait3A_267 = tpu.memref_slice %arg7[%add3A_176, %dma_wait3A_266] : memref<250x40xi32, #tpu.memory_space<vmem>> -> memref<1x40xi32, #tpu.memory_space<vmem>>
        %dma_wait3A_268 = tpu.memref_squeeze %dma_wait3A_267 : memref<1x40xi32, #tpu.memory_space<vmem>> -> memref<40xi32, #tpu.memory_space<vmem>>
        %dma_wait3A_269 = arith.constant 0 : i32
        %dma_wait3A_270 = arith.constant 0 : i32
        %dma_wait3A_271 = tpu.memref_slice %arg9[%dma_wait3A_269, %dma_wait3A_270] : memref<10000x128xf32, #tpu.memory_space<vmem_shared>> -> memref<10000x128xf32, #tpu.memory_space<vmem_shared>>
        tpu.wait_indirect_dma semaphore(%run_scoped3A_251 : memref<!tpu.dma_semaphore, #tpu.memory_space<semaphore_mem>>) src(%dma_wait3A_265 : memref<40x128xf32, #tpu.memory_space<vmem>>) dst(%dma_wait3A_271 : memref<10000x128xf32, #tpu.memory_space<vmem_shared>>)
        tpu.yield
      }) : () -> ()
      %add3A_192 = arith.constant 5 : i32
      %add3A_193 = arith.addi %add3A_176, %add3A_192 : i32
      %lt3A_194 = arith.constant 250 : i32
      %lt3A_195 = arith.cmpi slt, %add3A_193, %lt3A_194 : i32
      %convert_element_type3A_196 = arith.extui %lt3A_195 : i1 to i32
      %cond3A_197 = arith.constant 0 : i32
      %cond3A_198 = arith.cmpi ne, %convert_element_type3A_196, %cond3A_197 : i32
      scf.if %cond3A_198 {
        %add3A_251 = arith.constant 5 : i32
        %add3A_252 = arith.addi %add3A_176, %add3A_251 : i32
        %dma_start3A_253 = arith.constant 2 : i32
        %dma_start3A_254 = arith.constant 2 : i32
        %dma_start3A_255 = arith.constant 0 : i32
        %dma_start3A_256 = arith.constant 0 : i32
        %dma_start3A_257 = tpu.memref_slice %arg8[%dma_start3A_253, %dma_start3A_255, %dma_start3A_256] : memref<5x40x128xf32, #tpu.memory_space<vmem>> -> memref<1x40x128xf32, #tpu.memory_space<vmem>>
        %dma_start3A_258 = tpu.memref_squeeze %dma_start3A_257 : memref<1x40x128xf32, #tpu.memory_space<vmem>> -> memref<40x128xf32, #tpu.memory_space<vmem>>
        %dma_start3A_259 = arith.constant 0 : i32
        %dma_start3A_260 = tpu.memref_slice %arg6[%add3A_252, %dma_start3A_259] : memref<250x40xi32, #tpu.memory_space<vmem>> -> memref<1x40xi32, #tpu.memory_space<vmem>>
        %dma_start3A_261 = tpu.memref_squeeze %dma_start3A_260 : memref<1x40xi32, #tpu.memory_space<vmem>> -> memref<40xi32, #tpu.memory_space<vmem>>
        %dma_start3A_262 = arith.constant 0 : i32
        %dma_start3A_263 = arith.constant 0 : i32
        %dma_start3A_264 = tpu.memref_slice %arg2[%dma_start3A_262, %dma_start3A_263] : memref<10000x128xf32, #tpu.memory_space<hbm>> -> memref<10000x128xf32, #tpu.memory_space<hbm>>
        %dma_start3A_265 = tpu.memref_slice %arg10[%dma_start3A_254] : memref<5x!tpu.dma_semaphore, #tpu.memory_space<semaphore_mem>> -> memref<1x!tpu.dma_semaphore, #tpu.memory_space<semaphore_mem>>
        %dma_start3A_266 = tpu.memref_squeeze %dma_start3A_265 : memref<1x!tpu.dma_semaphore, #tpu.memory_space<semaphore_mem>> -> memref<!tpu.dma_semaphore, #tpu.memory_space<semaphore_mem>>
        tpu.enqueue_indirect_dma source(%dma_start3A_264 : memref<10000x128xf32, #tpu.memory_space<hbm>>) target(%dma_start3A_258 : memref<40x128xf32, #tpu.memory_space<vmem>>) offsets(%dma_start3A_261 : memref<40xi32, #tpu.memory_space<vmem>>) semaphore(%dma_start3A_266 : memref<!tpu.dma_semaphore, #tpu.memory_space<semaphore_mem>>)
      } else {
      }
      %mul3A_199 = arith.constant 5 : i32
      %mul3A_200 = arith.muli %scan3A_121, %mul3A_199 : i32
      %add3A_201 = arith.constant 3 : i32
      %add3A_202 = arith.addi %mul3A_200, %add3A_201 : i32
      %dma_wait3A_203 = arith.constant 3 : i32
      %dma_wait3A_204 = arith.constant 3 : i32
      %dma_wait3A_205 = arith.constant 0 : i32
      %dma_wait3A_206 = arith.constant 0 : i32
      %dma_wait3A_207 = tpu.memref_slice %arg8[%dma_wait3A_203, %dma_wait3A_205, %dma_wait3A_206] : memref<5x40x128xf32, #tpu.memory_space<vmem>> -> memref<1x40x128xf32, #tpu.memory_space<vmem>>
      %dma_wait3A_208 = tpu.memref_squeeze %dma_wait3A_207 : memref<1x40x128xf32, #tpu.memory_space<vmem>> -> memref<40x128xf32, #tpu.memory_space<vmem>>
      %dma_wait3A_209 = arith.constant 0 : i32
      %dma_wait3A_210 = tpu.memref_slice %arg6[%add3A_202, %dma_wait3A_209] : memref<250x40xi32, #tpu.memory_space<vmem>> -> memref<1x40xi32, #tpu.memory_space<vmem>>
      %dma_wait3A_211 = tpu.memref_squeeze %dma_wait3A_210 : memref<1x40xi32, #tpu.memory_space<vmem>> -> memref<40xi32, #tpu.memory_space<vmem>>
      %dma_wait3A_212 = arith.constant 0 : i32
      %dma_wait3A_213 = arith.constant 0 : i32
      %dma_wait3A_214 = tpu.memref_slice %arg2[%dma_wait3A_212, %dma_wait3A_213] : memref<10000x128xf32, #tpu.memory_space<hbm>> -> memref<10000x128xf32, #tpu.memory_space<hbm>>
      %dma_wait3A_215 = tpu.memref_slice %arg10[%dma_wait3A_204] : memref<5x!tpu.dma_semaphore, #tpu.memory_space<semaphore_mem>> -> memref<1x!tpu.dma_semaphore, #tpu.memory_space<semaphore_mem>>
      %dma_wait3A_216 = tpu.memref_squeeze %dma_wait3A_215 : memref<1x!tpu.dma_semaphore, #tpu.memory_space<semaphore_mem>> -> memref<!tpu.dma_semaphore, #tpu.memory_space<semaphore_mem>>
      tpu.wait_indirect_dma semaphore(%dma_wait3A_216 : memref<!tpu.dma_semaphore, #tpu.memory_space<semaphore_mem>>) src(%dma_wait3A_214 : memref<10000x128xf32, #tpu.memory_space<hbm>>) dst(%dma_wait3A_208 : memref<40x128xf32, #tpu.memory_space<vmem>>)
      %run_scoped3A_217 = arith.constant 3 : i32
      "tpu.region"() ({
        %run_scoped3A_251 = tpu.sem_alloc : memref<!tpu.dma_semaphore, #tpu.memory_space<semaphore_mem>>
        %dma_start3A_252 = arith.constant 0 : i32
        %dma_start3A_253 = arith.constant 0 : i32
        %dma_start3A_254 = tpu.memref_slice %arg8[%run_scoped3A_217, %dma_start3A_252, %dma_start3A_253] : memref<5x40x128xf32, #tpu.memory_space<vmem>> -> memref<1x40x128xf32, #tpu.memory_space<vmem>>
        %dma_start3A_255 = tpu.memref_squeeze %dma_start3A_254 : memref<1x40x128xf32, #tpu.memory_space<vmem>> -> memref<40x128xf32, #tpu.memory_space<vmem>>
        %dma_start3A_256 = arith.constant 0 : i32
        %dma_start3A_257 = tpu.memref_slice %arg7[%add3A_202, %dma_start3A_256] : memref<250x40xi32, #tpu.memory_space<vmem>> -> memref<1x40xi32, #tpu.memory_space<vmem>>
        %dma_start3A_258 = tpu.memref_squeeze %dma_start3A_257 : memref<1x40xi32, #tpu.memory_space<vmem>> -> memref<40xi32, #tpu.memory_space<vmem>>
        %dma_start3A_259 = arith.constant 0 : i32
        %dma_start3A_260 = arith.constant 0 : i32
        %dma_start3A_261 = tpu.memref_slice %arg9[%dma_start3A_259, %dma_start3A_260] : memref<10000x128xf32, #tpu.memory_space<vmem_shared>> -> memref<10000x128xf32, #tpu.memory_space<vmem_shared>>
        tpu.enqueue_indirect_dma source(%dma_start3A_255 : memref<40x128xf32, #tpu.memory_space<vmem>>) target(%dma_start3A_261 : memref<10000x128xf32, #tpu.memory_space<vmem_shared>>) offsets(%dma_start3A_258 : memref<40xi32, #tpu.memory_space<vmem>>) semaphore(%run_scoped3A_251 : memref<!tpu.dma_semaphore, #tpu.memory_space<semaphore_mem>>) {add = true}
        %dma_wait3A_262 = arith.constant 0 : i32
        %dma_wait3A_263 = arith.constant 0 : i32
        %dma_wait3A_264 = tpu.memref_slice %arg8[%run_scoped3A_217, %dma_wait3A_262, %dma_wait3A_263] : memref<5x40x128xf32, #tpu.memory_space<vmem>> -> memref<1x40x128xf32, #tpu.memory_space<vmem>>
        %dma_wait3A_265 = tpu.memref_squeeze %dma_wait3A_264 : memref<1x40x128xf32, #tpu.memory_space<vmem>> -> memref<40x128xf32, #tpu.memory_space<vmem>>
        %dma_wait3A_266 = arith.constant 0 : i32
        %dma_wait3A_267 = tpu.memref_slice %arg7[%add3A_202, %dma_wait3A_266] : memref<250x40xi32, #tpu.memory_space<vmem>> -> memref<1x40xi32, #tpu.memory_space<vmem>>
        %dma_wait3A_268 = tpu.memref_squeeze %dma_wait3A_267 : memref<1x40xi32, #tpu.memory_space<vmem>> -> memref<40xi32, #tpu.memory_space<vmem>>
        %dma_wait3A_269 = arith.constant 0 : i32
        %dma_wait3A_270 = arith.constant 0 : i32
        %dma_wait3A_271 = tpu.memref_slice %arg9[%dma_wait3A_269, %dma_wait3A_270] : memref<10000x128xf32, #tpu.memory_space<vmem_shared>> -> memref<10000x128xf32, #tpu.memory_space<vmem_shared>>
        tpu.wait_indirect_dma semaphore(%run_scoped3A_251 : memref<!tpu.dma_semaphore, #tpu.memory_space<semaphore_mem>>) src(%dma_wait3A_265 : memref<40x128xf32, #tpu.memory_space<vmem>>) dst(%dma_wait3A_271 : memref<10000x128xf32, #tpu.memory_space<vmem_shared>>)
        tpu.yield
      }) : () -> ()
      %add3A_218 = arith.constant 5 : i32
      %add3A_219 = arith.addi %add3A_202, %add3A_218 : i32
      %lt3A_220 = arith.constant 250 : i32
      %lt3A_221 = arith.cmpi slt, %add3A_219, %lt3A_220 : i32
      %convert_element_type3A_222 = arith.extui %lt3A_221 : i1 to i32
      %cond3A_223 = arith.constant 0 : i32
      %cond3A_224 = arith.cmpi ne, %convert_element_type3A_222, %cond3A_223 : i32
      scf.if %cond3A_224 {
        %add3A_251 = arith.constant 5 : i32
        %add3A_252 = arith.addi %add3A_202, %add3A_251 : i32
        %dma_start3A_253 = arith.constant 3 : i32
        %dma_start3A_254 = arith.constant 3 : i32
        %dma_start3A_255 = arith.constant 0 : i32
        %dma_start3A_256 = arith.constant 0 : i32
        %dma_start3A_257 = tpu.memref_slice %arg8[%dma_start3A_253, %dma_start3A_255, %dma_start3A_256] : memref<5x40x128xf32, #tpu.memory_space<vmem>> -> memref<1x40x128xf32, #tpu.memory_space<vmem>>
        %dma_start3A_258 = tpu.memref_squeeze %dma_start3A_257 : memref<1x40x128xf32, #tpu.memory_space<vmem>> -> memref<40x128xf32, #tpu.memory_space<vmem>>
        %dma_start3A_259 = arith.constant 0 : i32
        %dma_start3A_260 = tpu.memref_slice %arg6[%add3A_252, %dma_start3A_259] : memref<250x40xi32, #tpu.memory_space<vmem>> -> memref<1x40xi32, #tpu.memory_space<vmem>>
        %dma_start3A_261 = tpu.memref_squeeze %dma_start3A_260 : memref<1x40xi32, #tpu.memory_space<vmem>> -> memref<40xi32, #tpu.memory_space<vmem>>
        %dma_start3A_262 = arith.constant 0 : i32
        %dma_start3A_263 = arith.constant 0 : i32
        %dma_start3A_264 = tpu.memref_slice %arg2[%dma_start3A_262, %dma_start3A_263] : memref<10000x128xf32, #tpu.memory_space<hbm>> -> memref<10000x128xf32, #tpu.memory_space<hbm>>
        %dma_start3A_265 = tpu.memref_slice %arg10[%dma_start3A_254] : memref<5x!tpu.dma_semaphore, #tpu.memory_space<semaphore_mem>> -> memref<1x!tpu.dma_semaphore, #tpu.memory_space<semaphore_mem>>
        %dma_start3A_266 = tpu.memref_squeeze %dma_start3A_265 : memref<1x!tpu.dma_semaphore, #tpu.memory_space<semaphore_mem>> -> memref<!tpu.dma_semaphore, #tpu.memory_space<semaphore_mem>>
        tpu.enqueue_indirect_dma source(%dma_start3A_264 : memref<10000x128xf32, #tpu.memory_space<hbm>>) target(%dma_start3A_258 : memref<40x128xf32, #tpu.memory_space<vmem>>) offsets(%dma_start3A_261 : memref<40xi32, #tpu.memory_space<vmem>>) semaphore(%dma_start3A_266 : memref<!tpu.dma_semaphore, #tpu.memory_space<semaphore_mem>>)
      } else {
      }
      %mul3A_225 = arith.constant 5 : i32
      %mul3A_226 = arith.muli %scan3A_121, %mul3A_225 : i32
      %add3A_227 = arith.constant 4 : i32
      %add3A_228 = arith.addi %mul3A_226, %add3A_227 : i32
      %dma_wait3A_229 = arith.constant 4 : i32
      %dma_wait3A_230 = arith.constant 4 : i32
      %dma_wait3A_231 = arith.constant 0 : i32
      %dma_wait3A_232 = arith.constant 0 : i32
      %dma_wait3A_233 = tpu.memref_slice %arg8[%dma_wait3A_229, %dma_wait3A_231, %dma_wait3A_232] : memref<5x40x128xf32, #tpu.memory_space<vmem>> -> memref<1x40x128xf32, #tpu.memory_space<vmem>>
      %dma_wait3A_234 = tpu.memref_squeeze %dma_wait3A_233 : memref<1x40x128xf32, #tpu.memory_space<vmem>> -> memref<40x128xf32, #tpu.memory_space<vmem>>
      %dma_wait3A_235 = arith.constant 0 : i32
      %dma_wait3A_236 = tpu.memref_slice %arg6[%add3A_228, %dma_wait3A_235] : memref<250x40xi32, #tpu.memory_space<vmem>> -> memref<1x40xi32, #tpu.memory_space<vmem>>
      %dma_wait3A_237 = tpu.memref_squeeze %dma_wait3A_236 : memref<1x40xi32, #tpu.memory_space<vmem>> -> memref<40xi32, #tpu.memory_space<vmem>>
      %dma_wait3A_238 = arith.constant 0 : i32
      %dma_wait3A_239 = arith.constant 0 : i32
      %dma_wait3A_240 = tpu.memref_slice %arg2[%dma_wait3A_238, %dma_wait3A_239] : memref<10000x128xf32, #tpu.memory_space<hbm>> -> memref<10000x128xf32, #tpu.memory_space<hbm>>
      %dma_wait3A_241 = tpu.memref_slice %arg10[%dma_wait3A_230] : memref<5x!tpu.dma_semaphore, #tpu.memory_space<semaphore_mem>> -> memref<1x!tpu.dma_semaphore, #tpu.memory_space<semaphore_mem>>
      %dma_wait3A_242 = tpu.memref_squeeze %dma_wait3A_241 : memref<1x!tpu.dma_semaphore, #tpu.memory_space<semaphore_mem>> -> memref<!tpu.dma_semaphore, #tpu.memory_space<semaphore_mem>>
      tpu.wait_indirect_dma semaphore(%dma_wait3A_242 : memref<!tpu.dma_semaphore, #tpu.memory_space<semaphore_mem>>) src(%dma_wait3A_240 : memref<10000x128xf32, #tpu.memory_space<hbm>>) dst(%dma_wait3A_234 : memref<40x128xf32, #tpu.memory_space<vmem>>)
      %run_scoped3A_243 = arith.constant 4 : i32
      "tpu.region"() ({
        %run_scoped3A_251 = tpu.sem_alloc : memref<!tpu.dma_semaphore, #tpu.memory_space<semaphore_mem>>
        %dma_start3A_252 = arith.constant 0 : i32
        %dma_start3A_253 = arith.constant 0 : i32
        %dma_start3A_254 = tpu.memref_slice %arg8[%run_scoped3A_243, %dma_start3A_252, %dma_start3A_253] : memref<5x40x128xf32, #tpu.memory_space<vmem>> -> memref<1x40x128xf32, #tpu.memory_space<vmem>>
        %dma_start3A_255 = tpu.memref_squeeze %dma_start3A_254 : memref<1x40x128xf32, #tpu.memory_space<vmem>> -> memref<40x128xf32, #tpu.memory_space<vmem>>
        %dma_start3A_256 = arith.constant 0 : i32
        %dma_start3A_257 = tpu.memref_slice %arg7[%add3A_228, %dma_start3A_256] : memref<250x40xi32, #tpu.memory_space<vmem>> -> memref<1x40xi32, #tpu.memory_space<vmem>>
        %dma_start3A_258 = tpu.memref_squeeze %dma_start3A_257 : memref<1x40xi32, #tpu.memory_space<vmem>> -> memref<40xi32, #tpu.memory_space<vmem>>
        %dma_start3A_259 = arith.constant 0 : i32
        %dma_start3A_260 = arith.constant 0 : i32
        %dma_start3A_261 = tpu.memref_slice %arg9[%dma_start3A_259, %dma_start3A_260] : memref<10000x128xf32, #tpu.memory_space<vmem_shared>> -> memref<10000x128xf32, #tpu.memory_space<vmem_shared>>
        tpu.enqueue_indirect_dma source(%dma_start3A_255 : memref<40x128xf32, #tpu.memory_space<vmem>>) target(%dma_start3A_261 : memref<10000x128xf32, #tpu.memory_space<vmem_shared>>) offsets(%dma_start3A_258 : memref<40xi32, #tpu.memory_space<vmem>>) semaphore(%run_scoped3A_251 : memref<!tpu.dma_semaphore, #tpu.memory_space<semaphore_mem>>) {add = true}
        %dma_wait3A_262 = arith.constant 0 : i32
        %dma_wait3A_263 = arith.constant 0 : i32
        %dma_wait3A_264 = tpu.memref_slice %arg8[%run_scoped3A_243, %dma_wait3A_262, %dma_wait3A_263] : memref<5x40x128xf32, #tpu.memory_space<vmem>> -> memref<1x40x128xf32, #tpu.memory_space<vmem>>
        %dma_wait3A_265 = tpu.memref_squeeze %dma_wait3A_264 : memref<1x40x128xf32, #tpu.memory_space<vmem>> -> memref<40x128xf32, #tpu.memory_space<vmem>>
        %dma_wait3A_266 = arith.constant 0 : i32
        %dma_wait3A_267 = tpu.memref_slice %arg7[%add3A_228, %dma_wait3A_266] : memref<250x40xi32, #tpu.memory_space<vmem>> -> memref<1x40xi32, #tpu.memory_space<vmem>>
        %dma_wait3A_268 = tpu.memref_squeeze %dma_wait3A_267 : memref<1x40xi32, #tpu.memory_space<vmem>> -> memref<40xi32, #tpu.memory_space<vmem>>
        %dma_wait3A_269 = arith.constant 0 : i32
        %dma_wait3A_270 = arith.constant 0 : i32
        %dma_wait3A_271 = tpu.memref_slice %arg9[%dma_wait3A_269, %dma_wait3A_270] : memref<10000x128xf32, #tpu.memory_space<vmem_shared>> -> memref<10000x128xf32, #tpu.memory_space<vmem_shared>>
        tpu.wait_indirect_dma semaphore(%run_scoped3A_251 : memref<!tpu.dma_semaphore, #tpu.memory_space<semaphore_mem>>) src(%dma_wait3A_265 : memref<40x128xf32, #tpu.memory_space<vmem>>) dst(%dma_wait3A_271 : memref<10000x128xf32, #tpu.memory_space<vmem_shared>>)
        tpu.yield
      }) : () -> ()
      %add3A_244 = arith.constant 5 : i32
      %add3A_245 = arith.addi %add3A_228, %add3A_244 : i32
      %lt3A_246 = arith.constant 250 : i32
      %lt3A_247 = arith.cmpi slt, %add3A_245, %lt3A_246 : i32
      %convert_element_type3A_248 = arith.extui %lt3A_247 : i1 to i32
      %cond3A_249 = arith.constant 0 : i32
      %cond3A_250 = arith.cmpi ne, %convert_element_type3A_248, %cond3A_249 : i32
      scf.if %cond3A_250 {
        %add3A_251 = arith.constant 5 : i32
        %add3A_252 = arith.addi %add3A_228, %add3A_251 : i32
        %dma_start3A_253 = arith.constant 4 : i32
        %dma_start3A_254 = arith.constant 4 : i32
        %dma_start3A_255 = arith.constant 0 : i32
        %dma_start3A_256 = arith.constant 0 : i32
        %dma_start3A_257 = tpu.memref_slice %arg8[%dma_start3A_253, %dma_start3A_255, %dma_start3A_256] : memref<5x40x128xf32, #tpu.memory_space<vmem>> -> memref<1x40x128xf32, #tpu.memory_space<vmem>>
        %dma_start3A_258 = tpu.memref_squeeze %dma_start3A_257 : memref<1x40x128xf32, #tpu.memory_space<vmem>> -> memref<40x128xf32, #tpu.memory_space<vmem>>
        %dma_start3A_259 = arith.constant 0 : i32
        %dma_start3A_260 = tpu.memref_slice %arg6[%add3A_252, %dma_start3A_259] : memref<250x40xi32, #tpu.memory_space<vmem>> -> memref<1x40xi32, #tpu.memory_space<vmem>>
        %dma_start3A_261 = tpu.memref_squeeze %dma_start3A_260 : memref<1x40xi32, #tpu.memory_space<vmem>> -> memref<40xi32, #tpu.memory_space<vmem>>
        %dma_start3A_262 = arith.constant 0 : i32
        %dma_start3A_263 = arith.constant 0 : i32
        %dma_start3A_264 = tpu.memref_slice %arg2[%dma_start3A_262, %dma_start3A_263] : memref<10000x128xf32, #tpu.memory_space<hbm>> -> memref<10000x128xf32, #tpu.memory_space<hbm>>
        %dma_start3A_265 = tpu.memref_slice %arg10[%dma_start3A_254] : memref<5x!tpu.dma_semaphore, #tpu.memory_space<semaphore_mem>> -> memref<1x!tpu.dma_semaphore, #tpu.memory_space<semaphore_mem>>
        %dma_start3A_266 = tpu.memref_squeeze %dma_start3A_265 : memref<1x!tpu.dma_semaphore, #tpu.memory_space<semaphore_mem>> -> memref<!tpu.dma_semaphore, #tpu.memory_space<semaphore_mem>>
        tpu.enqueue_indirect_dma source(%dma_start3A_264 : memref<10000x128xf32, #tpu.memory_space<hbm>>) target(%dma_start3A_258 : memref<40x128xf32, #tpu.memory_space<vmem>>) offsets(%dma_start3A_261 : memref<40xi32, #tpu.memory_space<vmem>>) semaphore(%dma_start3A_266 : memref<!tpu.dma_semaphore, #tpu.memory_space<semaphore_mem>>)
      } else {
      }
    }
    %scan3A_109 = arith.constant 50 : i32
    %barrier3A_110 = arith.constant 0 : index
    tpu.barrier barrier_id(%barrier3A_110)
    %lt3A_111 = arith.constant 15 : i32
    %lt3A_112 = arith.cmpi slt, %arg1, %lt3A_111 : i32
    %convert_element_type3A_113 = arith.extui %lt3A_112 : i1 to i32
    %cond3A_114 = arith.constant 0 : i32
    %cond3A_115 = arith.cmpi ne, %convert_element_type3A_113, %cond3A_114 : i32
    scf.if %cond3A_115 {
      "tpu.region"() ({
        %run_scoped3A_121 = tpu.sem_alloc : memref<!tpu.dma_semaphore, #tpu.memory_space<semaphore_mem>>
        %dma_start3A_122 = arith.constant 0 : i32
        %dma_start3A_123 = tpu.memref_slice %arg5[%arg0, %multiple_of3A, %dma_start3A_122] : memref<2x10000x128xf32, #tpu.memory_space<hbm>> -> memref<1x632x128xf32, #tpu.memory_space<hbm>>
        %dma_start3A_124 = tpu.memref_squeeze %dma_start3A_123 : memref<1x632x128xf32, #tpu.memory_space<hbm>> -> memref<632x128xf32, #tpu.memory_space<hbm>>
        %dma_start3A_125 = arith.constant 0 : i32
        %dma_start3A_126 = tpu.memref_slice %arg9[%multiple_of3A, %dma_start3A_125] : memref<10000x128xf32, #tpu.memory_space<vmem_shared>> -> memref<632x128xf32, #tpu.memory_space<vmem_shared>>
        tpu.enqueue_dma source(%dma_start3A_126 : memref<632x128xf32, #tpu.memory_space<vmem_shared>>) target(%dma_start3A_124 : memref<632x128xf32, #tpu.memory_space<hbm>>) target_semaphore(%run_scoped3A_121 : memref<!tpu.dma_semaphore, #tpu.memory_space<semaphore_mem>>)
        %dma_wait3A = arith.constant 0 : i32
        %dma_wait3A_127 = tpu.memref_slice %arg5[%arg0, %multiple_of3A, %dma_wait3A] : memref<2x10000x128xf32, #tpu.memory_space<hbm>> -> memref<1x632x128xf32, #tpu.memory_space<hbm>>
        %dma_wait3A_128 = tpu.memref_squeeze %dma_wait3A_127 : memref<1x632x128xf32, #tpu.memory_space<hbm>> -> memref<632x128xf32, #tpu.memory_space<hbm>>
        %dma_wait3A_129 = arith.constant 0 : i32
        %dma_wait3A_130 = tpu.memref_slice %arg9[%multiple_of3A, %dma_wait3A_129] : memref<10000x128xf32, #tpu.memory_space<vmem_shared>> -> memref<632x128xf32, #tpu.memory_space<vmem_shared>>
        tpu.wait_dma2 semaphore(%run_scoped3A_121 : memref<!tpu.dma_semaphore, #tpu.memory_space<semaphore_mem>>) src(%dma_wait3A_130 : memref<632x128xf32, #tpu.memory_space<vmem_shared>>) dst(%dma_wait3A_128 : memref<632x128xf32, #tpu.memory_space<hbm>>)
        tpu.yield
      }) : () -> ()
    } else {
    }
    %eq3A_116 = arith.constant 15 : i32
    %eq3A_117 = arith.cmpi eq, %arg1, %eq3A_116 : i32
    %convert_element_type3A_118 = arith.extui %eq3A_117 : i1 to i32
    %cond3A_119 = arith.constant 0 : i32
    %cond3A_120 = arith.cmpi ne, %convert_element_type3A_118, %cond3A_119 : i32
    scf.if %cond3A_120 {
      "tpu.region"() ({
        %run_scoped3A_121 = tpu.sem_alloc : memref<!tpu.dma_semaphore, #tpu.memory_space<semaphore_mem>>
        %dma_start3A_122 = arith.constant 9480 : i32
        %dma_start3A_123 = arith.constant 0 : i32
        %dma_start3A_124 = tpu.memref_slice %arg5[%arg0, %dma_start3A_122, %dma_start3A_123] : memref<2x10000x128xf32, #tpu.memory_space<hbm>> -> memref<1x520x128xf32, #tpu.memory_space<hbm>>
        %dma_start3A_125 = tpu.memref_squeeze %dma_start3A_124 : memref<1x520x128xf32, #tpu.memory_space<hbm>> -> memref<520x128xf32, #tpu.memory_space<hbm>>
        %dma_start3A_126 = arith.constant 9480 : i32
        %dma_start3A_127 = arith.constant 0 : i32
        %dma_start3A_128 = tpu.memref_slice %arg9[%dma_start3A_126, %dma_start3A_127] : memref<10000x128xf32, #tpu.memory_space<vmem_shared>> -> memref<520x128xf32, #tpu.memory_space<vmem_shared>>
        tpu.enqueue_dma source(%dma_start3A_128 : memref<520x128xf32, #tpu.memory_space<vmem_shared>>) target(%dma_start3A_125 : memref<520x128xf32, #tpu.memory_space<hbm>>) target_semaphore(%run_scoped3A_121 : memref<!tpu.dma_semaphore, #tpu.memory_space<semaphore_mem>>)
        %dma_wait3A = arith.constant 9480 : i32
        %dma_wait3A_129 = arith.constant 0 : i32
        %dma_wait3A_130 = tpu.memref_slice %arg5[%arg0, %dma_wait3A, %dma_wait3A_129] : memref<2x10000x128xf32, #tpu.memory_space<hbm>> -> memref<1x520x128xf32, #tpu.memory_space<hbm>>
        %dma_wait3A_131 = tpu.memref_squeeze %dma_wait3A_130 : memref<1x520x128xf32, #tpu.memory_space<hbm>> -> memref<520x128xf32, #tpu.memory_space<hbm>>
        %dma_wait3A_132 = arith.constant 9480 : i32
        %dma_wait3A_133 = arith.constant 0 : i32
        %dma_wait3A_134 = tpu.memref_slice %arg9[%dma_wait3A_132, %dma_wait3A_133] : memref<10000x128xf32, #tpu.memory_space<vmem_shared>> -> memref<520x128xf32, #tpu.memory_space<vmem_shared>>
        tpu.wait_dma2 semaphore(%run_scoped3A_121 : memref<!tpu.dma_semaphore, #tpu.memory_space<semaphore_mem>>) src(%dma_wait3A_134 : memref<520x128xf32, #tpu.memory_space<vmem_shared>>) dst(%dma_wait3A_131 : memref<520x128xf32, #tpu.memory_space<hbm>>)
        tpu.yield
      }) : () -> ()
    } else {
    }
    return
  }
}

module attributes {stable_mosaic.version = 14 : i64} {
  func.func @_mlp0_body(%arg0: memref<2x10000x128xf32, #tpu.memory_space<vmem>>, %arg1: memref<128x128xf32, #tpu.memory_space<vmem>>, %arg2: memref<1x128xf32, #tpu.memory_space<vmem>>, %arg3: memref<1x128xf32, #tpu.memory_space<vmem>>, %arg4: memref<1x128xf32, #tpu.memory_space<vmem>>, %arg5: memref<128x128xf32, #tpu.memory_space<vmem>>, %arg6: memref<1x128xf32, #tpu.memory_space<vmem>>, %arg7: memref<1x128xf32, #tpu.memory_space<vmem>>, %arg8: memref<1x128xf32, #tpu.memory_space<vmem>>, %arg9: memref<10000x128xf32, #tpu.memory_space<vmem>>) attributes {dimension_semantics = [], scalar_prefetch = 0 : i64, scratch_operands = 0 : i64, tpu.core_type = #tpu.core_type<tc>} {
    %get3A = arith.constant 0 : index
    %get3A_0 = arith.constant 0 : index
    %get3A_1 = arith.constant 0 : index
    %get3A_2 = vector.load %arg0[%get3A, %get3A_0, %get3A_1] : memref<2x10000x128xf32, #tpu.memory_space<vmem>>, vector<1x10000x128xf32>
    %get3A_3 = vector.shape_cast %get3A_2 : vector<1x10000x128xf32> to vector<10000x128xf32>
    %get3A_4 = arith.constant 1 : index
    %get3A_5 = arith.constant 0 : index
    %get3A_6 = arith.constant 0 : index
    %get3A_7 = vector.load %arg0[%get3A_4, %get3A_5, %get3A_6] : memref<2x10000x128xf32, #tpu.memory_space<vmem>>, vector<1x10000x128xf32>
    %get3A_8 = vector.shape_cast %get3A_7 : vector<1x10000x128xf32> to vector<10000x128xf32>
    %add3A = arith.addf %get3A_3, %get3A_8 : vector<10000x128xf32>
    %get3A_9 = arith.constant 0 : index
    %get3A_10 = arith.constant 0 : index
    %get3A_11 = vector.load %arg1[%get3A_9, %get3A_10] : memref<128x128xf32, #tpu.memory_space<vmem>>, vector<128x128xf32>
    %dot_general3A = arith.constant dense<0.000000e+00> : vector<10000x128xf32>
    %dot_general3A_12 = tpu.matmul %add3A, %get3A_11, %dot_general3A {dimension_numbers = #tpu.dot_dimension_numbers<[1], [0], [0], [1], [0, 0, 1, 1], [], []>, transpose_lhs_hint = false} : vector<10000x128xf32>, vector<128x128xf32>, vector<10000x128xf32> -> vector<10000x128xf32>
    %get3A_13 = arith.constant 0 : index
    %get3A_14 = arith.constant 0 : index
    %get3A_15 = vector.load %arg2[%get3A_13, %get3A_14] : memref<1x128xf32, #tpu.memory_space<vmem>>, vector<1x128xf32>
    %add3A_16 = vector.broadcast %get3A_15 : vector<1x128xf32> to vector<10000x128xf32>
    %add3A_17 = arith.addf %dot_general3A_12, %add3A_16 : vector<10000x128xf32>
    %get3A_18 = arith.constant 0 : index
    %get3A_19 = arith.constant 0 : index
    %get3A_20 = vector.load %arg3[%get3A_18, %get3A_19] : memref<1x128xf32, #tpu.memory_space<vmem>>, vector<1x128xf32>
    %get3A_21 = arith.constant 0 : index
    %get3A_22 = arith.constant 0 : index
    %get3A_23 = vector.load %arg4[%get3A_21, %get3A_22] : memref<1x128xf32, #tpu.memory_space<vmem>>, vector<1x128xf32>
    %reduce_sum3A = arith.constant dense<0.000000e+00> : vector<128xf32>
    %reduce_sum3A_24 = vector.multi_reduction <add>, %add3A_17, %reduce_sum3A [0] : vector<10000x128xf32> to vector<128xf32>
    %broadcast_in_dim3A = vector.shape_cast %reduce_sum3A_24 : vector<128xf32> to vector<1x128xf32>
    %div3A = arith.constant 1.000000e+04 : f32
    %div3A_25 = vector.broadcast %div3A : f32 to vector<1x128xf32>
    %div3A_26 = arith.divf %broadcast_in_dim3A, %div3A_25 : vector<1x128xf32>
    %sub3A = vector.broadcast %div3A_26 : vector<1x128xf32> to vector<10000x128xf32>
    %sub3A_27 = arith.subf %add3A_17, %sub3A : vector<10000x128xf32>
    %mul3A = arith.mulf %sub3A_27, %sub3A_27 : vector<10000x128xf32>
    %reduce_sum3A_28 = arith.constant dense<0.000000e+00> : vector<128xf32>
    %reduce_sum3A_29 = vector.multi_reduction <add>, %mul3A, %reduce_sum3A_28 [0] : vector<10000x128xf32> to vector<128xf32>
    %broadcast_in_dim3A_30 = vector.shape_cast %reduce_sum3A_29 : vector<128xf32> to vector<1x128xf32>
    %div3A_31 = arith.constant 1.000000e+04 : f32
    %div3A_32 = vector.broadcast %div3A_31 : f32 to vector<1x128xf32>
    %div3A_33 = arith.divf %broadcast_in_dim3A_30, %div3A_32 : vector<1x128xf32>
    %add3A_34 = arith.constant 9.99999974E-6 : f32
    %add3A_35 = vector.broadcast %add3A_34 : f32 to vector<1x128xf32>
    %add3A_36 = arith.addf %div3A_33, %add3A_35 : vector<1x128xf32>
    %rsqrt3A = math.rsqrt %add3A_36 : vector<1x128xf32>
    %mul3A_37 = arith.mulf %get3A_20, %rsqrt3A : vector<1x128xf32>
    %mul3A_38 = vector.broadcast %mul3A_37 : vector<1x128xf32> to vector<10000x128xf32>
    %mul3A_39 = arith.mulf %sub3A_27, %mul3A_38 : vector<10000x128xf32>
    %add3A_40 = vector.broadcast %get3A_23 : vector<1x128xf32> to vector<10000x128xf32>
    %add3A_41 = arith.addf %mul3A_39, %add3A_40 : vector<10000x128xf32>
    %max3A = arith.constant 0.000000e+00 : f32
    %max3A_42 = vector.broadcast %max3A : f32 to vector<10000x128xf32>
    %max3A_43 = arith.maximumf %add3A_41, %max3A_42 : vector<10000x128xf32>
    %get3A_44 = arith.constant 0 : index
    %get3A_45 = arith.constant 0 : index
    %get3A_46 = vector.load %arg5[%get3A_44, %get3A_45] : memref<128x128xf32, #tpu.memory_space<vmem>>, vector<128x128xf32>
    %dot_general3A_47 = arith.constant dense<0.000000e+00> : vector<10000x128xf32>
    %dot_general3A_48 = tpu.matmul %max3A_43, %get3A_46, %dot_general3A_47 {dimension_numbers = #tpu.dot_dimension_numbers<[1], [0], [0], [1], [0, 0, 1, 1], [], []>, transpose_lhs_hint = false} : vector<10000x128xf32>, vector<128x128xf32>, vector<10000x128xf32> -> vector<10000x128xf32>
    %get3A_49 = arith.constant 0 : index
    %get3A_50 = arith.constant 0 : index
    %get3A_51 = vector.load %arg6[%get3A_49, %get3A_50] : memref<1x128xf32, #tpu.memory_space<vmem>>, vector<1x128xf32>
    %add3A_52 = vector.broadcast %get3A_51 : vector<1x128xf32> to vector<10000x128xf32>
    %add3A_53 = arith.addf %dot_general3A_48, %add3A_52 : vector<10000x128xf32>
    %get3A_54 = arith.constant 0 : index
    %get3A_55 = arith.constant 0 : index
    %get3A_56 = vector.load %arg7[%get3A_54, %get3A_55] : memref<1x128xf32, #tpu.memory_space<vmem>>, vector<1x128xf32>
    %get3A_57 = arith.constant 0 : index
    %get3A_58 = arith.constant 0 : index
    %get3A_59 = vector.load %arg8[%get3A_57, %get3A_58] : memref<1x128xf32, #tpu.memory_space<vmem>>, vector<1x128xf32>
    %reduce_sum3A_60 = arith.constant dense<0.000000e+00> : vector<128xf32>
    %reduce_sum3A_61 = vector.multi_reduction <add>, %add3A_53, %reduce_sum3A_60 [0] : vector<10000x128xf32> to vector<128xf32>
    %broadcast_in_dim3A_62 = vector.shape_cast %reduce_sum3A_61 : vector<128xf32> to vector<1x128xf32>
    %div3A_63 = arith.constant 1.000000e+04 : f32
    %div3A_64 = vector.broadcast %div3A_63 : f32 to vector<1x128xf32>
    %div3A_65 = arith.divf %broadcast_in_dim3A_62, %div3A_64 : vector<1x128xf32>
    %sub3A_66 = vector.broadcast %div3A_65 : vector<1x128xf32> to vector<10000x128xf32>
    %sub3A_67 = arith.subf %add3A_53, %sub3A_66 : vector<10000x128xf32>
    %mul3A_68 = arith.mulf %sub3A_67, %sub3A_67 : vector<10000x128xf32>
    %reduce_sum3A_69 = arith.constant dense<0.000000e+00> : vector<128xf32>
    %reduce_sum3A_70 = vector.multi_reduction <add>, %mul3A_68, %reduce_sum3A_69 [0] : vector<10000x128xf32> to vector<128xf32>
    %broadcast_in_dim3A_71 = vector.shape_cast %reduce_sum3A_70 : vector<128xf32> to vector<1x128xf32>
    %div3A_72 = arith.constant 1.000000e+04 : f32
    %div3A_73 = vector.broadcast %div3A_72 : f32 to vector<1x128xf32>
    %div3A_74 = arith.divf %broadcast_in_dim3A_71, %div3A_73 : vector<1x128xf32>
    %add3A_75 = arith.constant 9.99999974E-6 : f32
    %add3A_76 = vector.broadcast %add3A_75 : f32 to vector<1x128xf32>
    %add3A_77 = arith.addf %div3A_74, %add3A_76 : vector<1x128xf32>
    %rsqrt3A_78 = math.rsqrt %add3A_77 : vector<1x128xf32>
    %mul3A_79 = arith.mulf %get3A_56, %rsqrt3A_78 : vector<1x128xf32>
    %mul3A_80 = vector.broadcast %mul3A_79 : vector<1x128xf32> to vector<10000x128xf32>
    %mul3A_81 = arith.mulf %sub3A_67, %mul3A_80 : vector<10000x128xf32>
    %add3A_82 = vector.broadcast %get3A_59 : vector<1x128xf32> to vector<10000x128xf32>
    %add3A_83 = arith.addf %mul3A_81, %add3A_82 : vector<10000x128xf32>
    %max3A_84 = arith.constant 0.000000e+00 : f32
    %max3A_85 = vector.broadcast %max3A_84 : f32 to vector<10000x128xf32>
    %max3A_86 = arith.maximumf %add3A_83, %max3A_85 : vector<10000x128xf32>
    %swap3A = arith.constant 0 : index
    %swap3A_87 = arith.constant 0 : index
    %swap3A_88 = vector.load %arg9[%swap3A, %swap3A_87] : memref<10000x128xf32, #tpu.memory_space<vmem>>, vector<10000x128xf32>
    tpu.vector_store %arg9[%swap3A, %swap3A_87], %max3A_86 {strides = array<i32>} : memref<10000x128xf32, #tpu.memory_space<vmem>>, vector<10000x128xf32>,
    return
  }
}

module attributes {stable_mosaic.version = 14 : i64} {
  func.func @_mlp1_body(%arg0: memref<2x10000x128xf32, #tpu.memory_space<vmem>>, %arg1: memref<128x128xf32, #tpu.memory_space<vmem>>, %arg2: memref<1x128xf32, #tpu.memory_space<vmem>>, %arg3: memref<1x128xf32, #tpu.memory_space<vmem>>, %arg4: memref<1x128xf32, #tpu.memory_space<vmem>>, %arg5: memref<128x128xf32, #tpu.memory_space<vmem>>, %arg6: memref<1x128xf32, #tpu.memory_space<vmem>>, %arg7: memref<10000x128xf32, #tpu.memory_space<vmem>>) attributes {dimension_semantics = [], scalar_prefetch = 0 : i64, scratch_operands = 0 : i64, tpu.core_type = #tpu.core_type<tc>} {
    %get3A = arith.constant 0 : index
    %get3A_0 = arith.constant 0 : index
    %get3A_1 = arith.constant 0 : index
    %get3A_2 = vector.load %arg0[%get3A, %get3A_0, %get3A_1] : memref<2x10000x128xf32, #tpu.memory_space<vmem>>, vector<1x10000x128xf32>
    %get3A_3 = vector.shape_cast %get3A_2 : vector<1x10000x128xf32> to vector<10000x128xf32>
    %get3A_4 = arith.constant 1 : index
    %get3A_5 = arith.constant 0 : index
    %get3A_6 = arith.constant 0 : index
    %get3A_7 = vector.load %arg0[%get3A_4, %get3A_5, %get3A_6] : memref<2x10000x128xf32, #tpu.memory_space<vmem>>, vector<1x10000x128xf32>
    %get3A_8 = vector.shape_cast %get3A_7 : vector<1x10000x128xf32> to vector<10000x128xf32>
    %add3A = arith.addf %get3A_3, %get3A_8 : vector<10000x128xf32>
    %get3A_9 = arith.constant 0 : index
    %get3A_10 = arith.constant 0 : index
    %get3A_11 = vector.load %arg1[%get3A_9, %get3A_10] : memref<128x128xf32, #tpu.memory_space<vmem>>, vector<128x128xf32>
    %dot_general3A = arith.constant dense<0.000000e+00> : vector<10000x128xf32>
    %dot_general3A_12 = tpu.matmul %add3A, %get3A_11, %dot_general3A {dimension_numbers = #tpu.dot_dimension_numbers<[1], [0], [0], [1], [0, 0, 1, 1], [], []>, transpose_lhs_hint = false} : vector<10000x128xf32>, vector<128x128xf32>, vector<10000x128xf32> -> vector<10000x128xf32>
    %get3A_13 = arith.constant 0 : index
    %get3A_14 = arith.constant 0 : index
    %get3A_15 = vector.load %arg2[%get3A_13, %get3A_14] : memref<1x128xf32, #tpu.memory_space<vmem>>, vector<1x128xf32>
    %add3A_16 = vector.broadcast %get3A_15 : vector<1x128xf32> to vector<10000x128xf32>
    %add3A_17 = arith.addf %dot_general3A_12, %add3A_16 : vector<10000x128xf32>
    %get3A_18 = arith.constant 0 : index
    %get3A_19 = arith.constant 0 : index
    %get3A_20 = vector.load %arg3[%get3A_18, %get3A_19] : memref<1x128xf32, #tpu.memory_space<vmem>>, vector<1x128xf32>
    %get3A_21 = arith.constant 0 : index
    %get3A_22 = arith.constant 0 : index
    %get3A_23 = vector.load %arg4[%get3A_21, %get3A_22] : memref<1x128xf32, #tpu.memory_space<vmem>>, vector<1x128xf32>
    %reduce_sum3A = arith.constant dense<0.000000e+00> : vector<128xf32>
    %reduce_sum3A_24 = vector.multi_reduction <add>, %add3A_17, %reduce_sum3A [0] : vector<10000x128xf32> to vector<128xf32>
    %broadcast_in_dim3A = vector.shape_cast %reduce_sum3A_24 : vector<128xf32> to vector<1x128xf32>
    %div3A = arith.constant 1.000000e+04 : f32
    %div3A_25 = vector.broadcast %div3A : f32 to vector<1x128xf32>
    %div3A_26 = arith.divf %broadcast_in_dim3A, %div3A_25 : vector<1x128xf32>
    %sub3A = vector.broadcast %div3A_26 : vector<1x128xf32> to vector<10000x128xf32>
    %sub3A_27 = arith.subf %add3A_17, %sub3A : vector<10000x128xf32>
    %mul3A = arith.mulf %sub3A_27, %sub3A_27 : vector<10000x128xf32>
    %reduce_sum3A_28 = arith.constant dense<0.000000e+00> : vector<128xf32>
    %reduce_sum3A_29 = vector.multi_reduction <add>, %mul3A, %reduce_sum3A_28 [0] : vector<10000x128xf32> to vector<128xf32>
    %broadcast_in_dim3A_30 = vector.shape_cast %reduce_sum3A_29 : vector<128xf32> to vector<1x128xf32>
    %div3A_31 = arith.constant 1.000000e+04 : f32
    %div3A_32 = vector.broadcast %div3A_31 : f32 to vector<1x128xf32>
    %div3A_33 = arith.divf %broadcast_in_dim3A_30, %div3A_32 : vector<1x128xf32>
    %add3A_34 = arith.constant 9.99999974E-6 : f32
    %add3A_35 = vector.broadcast %add3A_34 : f32 to vector<1x128xf32>
    %add3A_36 = arith.addf %div3A_33, %add3A_35 : vector<1x128xf32>
    %rsqrt3A = math.rsqrt %add3A_36 : vector<1x128xf32>
    %mul3A_37 = arith.mulf %get3A_20, %rsqrt3A : vector<1x128xf32>
    %mul3A_38 = vector.broadcast %mul3A_37 : vector<1x128xf32> to vector<10000x128xf32>
    %mul3A_39 = arith.mulf %sub3A_27, %mul3A_38 : vector<10000x128xf32>
    %add3A_40 = vector.broadcast %get3A_23 : vector<1x128xf32> to vector<10000x128xf32>
    %add3A_41 = arith.addf %mul3A_39, %add3A_40 : vector<10000x128xf32>
    %max3A = arith.constant 0.000000e+00 : f32
    %max3A_42 = vector.broadcast %max3A : f32 to vector<10000x128xf32>
    %max3A_43 = arith.maximumf %add3A_41, %max3A_42 : vector<10000x128xf32>
    %get3A_44 = arith.constant 0 : index
    %get3A_45 = arith.constant 0 : index
    %get3A_46 = vector.load %arg5[%get3A_44, %get3A_45] : memref<128x128xf32, #tpu.memory_space<vmem>>, vector<128x128xf32>
    %dot_general3A_47 = arith.constant dense<0.000000e+00> : vector<10000x128xf32>
    %dot_general3A_48 = tpu.matmul %max3A_43, %get3A_46, %dot_general3A_47 {dimension_numbers = #tpu.dot_dimension_numbers<[1], [0], [0], [1], [0, 0, 1, 1], [], []>, transpose_lhs_hint = false} : vector<10000x128xf32>, vector<128x128xf32>, vector<10000x128xf32> -> vector<10000x128xf32>
    %get3A_49 = arith.constant 0 : index
    %get3A_50 = arith.constant 0 : index
    %get3A_51 = vector.load %arg6[%get3A_49, %get3A_50] : memref<1x128xf32, #tpu.memory_space<vmem>>, vector<1x128xf32>
    %add3A_52 = vector.broadcast %get3A_51 : vector<1x128xf32> to vector<10000x128xf32>
    %add3A_53 = arith.addf %dot_general3A_48, %add3A_52 : vector<10000x128xf32>
    %swap3A = arith.constant 0 : index
    %swap3A_54 = arith.constant 0 : index
    %swap3A_55 = vector.load %arg7[%swap3A, %swap3A_54] : memref<10000x128xf32, #tpu.memory_space<vmem>>, vector<10000x128xf32>
    tpu.vector_store %arg7[%swap3A, %swap3A_54], %add3A_53 {strides = array<i32>} : memref<10000x128xf32, #tpu.memory_space<vmem>>, vector<10000x128xf32>,
    return
  }
}

</mosaic_0001>

<sc_bundles>
// kernel: kernel.6.cloned.1.call-start
scs
__scs_entry_jumppad:
0x0: {  	(pc) =	sbr.rel $0x88, $3  }
0x1: {  	(tag) =	ssettag $0x0;
	lr =	simm.s32 $0x1  }
0x2: {  	[smem:$0x3F91] =	sst lr;
	_ =	strace $0xD0000000  }
0x3: {  	_ = 	snop  }
0x4: {  	_ = 	snop  }
0x5: {  	_ = 	snop  }
0x6: {  	_ = 	snop  }
0x7: {  	_ = 	snop  }
__scs_overlays_trampoline_lowered:
0x8: {  	[smem:$0x3FA0] =	sst s0  }
0x9: {  	[smem:$0x3FA1] =	sst s1  }
0xa: {  	[smem:$0x3FA2] =	sst s2  }
0xb: {  	[smem:$0x3FA3] =	sst s3  }
0xc: {  	[smem:$0x3FA4] =	sst s4  }
0xd: {  	[smem:$0x3FA5] =	sst s5  }
0xe: {  	[smem:$0x3FA6] =	sst s6  }
0xf: {  	[smem:$0x3FA7] =	sst s7  }
0x10: {  	[smem:$0x3FA8] =	sst s8  }
0x11: {  	[smem:$0x3FA9] =	sst s9;
	s0 =	simm.s32 @!p0 $0x0  }
0x12: {  	s1 =	sld [smem:$0x3F8F];
	s0 =	simm.s32 @p0 $0x1  }
0x13: {  	[smem:$0x3FAA] =	sst s0;
	s0 =	simm.s32 @!p1 $0x0  }
0x14: {  	s2 =	sld [smem:$0x3F8E];
	s0 =	simm.s32 @p1 $0x1  }
0x15: {  	[smem:$0x3FAB] =	sst s0;
	s0 =	simm.s32 @!p2 $0x0  }
0x16: {  	s3 =	sld [smem:$0x3FDB];
	s0 =	simm.s32 @p2 $0x1  }
0x17: {  	s4 =	simm.s32 $0x1BF5;
	[smem:$0x3FAD] =	sst s0  }
0x18: {  	s0 =	sld [smem:$0x3F90];
	_ =	swait.ge [sflag:s4], $0x0  }
0x19: {  	s7 =	sld [smem:$0x3F91]  }
0x1a: {  	s8 =	sadd.s32 $0xFFFFE003, lr  }
0x1b: {  	s9 =	sadd.s32 $0xFFFFFEF7, lr;
	s5 =	simm.s32 $0xFFFFFFFF;
	p2 =	slt.u32 s8, $0xFFFFF086  }
0x1c: {  	p1 =	slt.u32 s9, $0xF7A;
	s5 =	simm.s32 @!p2 $0x0  }
0x1d: {  	s5 =	simm.s32 @p1 $0x1;
	p0 =	seq.s32 s7, s2  }
0x1e: {  	s7 =	smul.u32 @!p0 $0xF7A, s2;
	p2 =	seq.s32 @!p0 s5, $0x0  }
0x1f: {  	s9 =	smul.u32 $0xF7A, s1;
	s8 =	simm.s32 @!p0 $0x1BF5;
	p2 =	por !p2, p0  }
0x20: {  	[sflag:s8] =	ssyncset.s32 @!p0 $0xFFFFF086;
	s6 =	sadd.s32 @!p0 s3, s7;
	s7 =	simm.s32 @!p0 $0x108  }
0x21: {  	s3 =	sadd.s32 s3, s9;
	s6 =	sadd.s32 @!p0 $0x88, s6;
	s7 =	simm.s32 @p2 $0x1082  }
0x22: {  	[simem:s7], [sflag:s8] =	dma.local @!p0 [hbm:s6], $0xF7A  }
0x23: {  	s9 =	sor.u32 $0xD0000000, s2;
	s6 =	simm.s32 $0x108;
	_ =	swait.ge @!p0 [sflag:s8], $0x0  }
0x24: {  	s3 =	sadd.s32 $0x88, s3;
	s6 =	simm.s32 @!p1 $0x1082;
	[sflag:s4] =	ssyncset.s32 $0xFFFFF086  }
0x25: {  	[simem:s6], [sflag:s4] =	dma.local [hbm:s3], $0xF7A  }
0x26: {  	[smem:$0x3F91] =	sst s1;
	(tag) =	ssettag s2;
	_ =	strace s9  }
0x27: {  	s1 =	sld [smem:$0x3FA1]  }
0x28: {  	s2 =	sld [smem:$0x3FA2]  }
0x29: {  	s4 =	sld [smem:$0x3FA4]  }
0x2a: {  	p0 =	seq.s32 s5, $0x0;
	s5 =	sld [smem:$0x3FA5]  }
0x2b: {  	s6 =	sld [smem:$0x3FA6]  }
0x2c: {  	s7 =	sld [smem:$0x3FA7]  }
0x2d: {  	s3 =	simm.s32 $0x108;
	s8 =	sld [smem:$0x3FA8]  }
0x2e: {  	s3 =	simm.s32 @!p0 $0x1082;
	s9 =	sld [smem:$0x3FA9]  }
0x2f: {  	lr =	sadd.s32 s0, s3;
	s0 =	sld [smem:$0x3FA0]  }
0x30: {  	s3 =	sld [smem:$0x3FA3]  }
0x31: {  	[smem:$0x3FAC] =	sst s10  }
0x32: {  	s10 =	sld [smem:$0x3FAA];
	_ =	sdelay $0x3  }
0x33: {  	p0 =	seq.s32 s10, $0x1;
	s10 =	sld [smem:$0x3FAC];
	_ =	sdelay $0x3  }
0x34: {  	[smem:$0x3FAC] =	sst s10  }
0x35: {  	s10 =	sld [smem:$0x3FAB];
	_ =	sdelay $0x3  }
0x36: {  	p1 =	seq.s32 s10, $0x1;
	s10 =	sld [smem:$0x3FAC];
	_ =	sdelay $0x3  }
0x37: {  	[smem:$0x3FAC] =	sst s10  }
0x38: {  	s10 =	sld [smem:$0x3FAD]  }
0x39: {  	_ = 	snop;
	(pc) =	sbr.ind lr, $3  }
0x3a: {  	_ = 	snop  }
0x3b: {  	_ = 	snop  }
0x3c: {  	p2 =	seq.s32 s10, $0x1;
	s10 =	sld [smem:$0x3FAC]  }
0x3d: {  	_ =	shalt  }
0x3e: {  	_ =	shalt  }
0x3f: {  	_ =	shalt  }
0x40: {  	_ =	shalt  }
0x41: {  	_ =	shalt  }
0x42: {  	_ =	shalt  }
0x43: {  	_ =	shalt  }
0x44: {  	_ =	shalt  }
0x45: {  	_ =	shalt  }
0x46: {  	_ =	shalt  }
0x47: {  	_ =	shalt  }
0x48: {  	_ =	shalt  }
0x49: {  	_ =	shalt  }
0x4a: {  	_ =	shalt  }
0x4b: {  	_ =	shalt  }
0x4c: {  	_ =	shalt  }
0x4d: {  	_ =	shalt  }
0x4e: {  	_ =	shalt  }
0x4f: {  	_ =	shalt  }
0x50: {  	_ =	shalt  }
0x51: {  	_ =	shalt  }
0x52: {  	_ =	shalt  }
0x53: {  	_ =	shalt  }
0x54: {  	_ =	shalt  }
0x55: {  	_ =	shalt  }
0x56: {  	_ =	shalt  }
0x57: {  	_ =	shalt  }
0x58: {  	_ =	shalt  }
0x59: {  	_ =	shalt  }
0x5a: {  	_ =	shalt  }
0x5b: {  	_ =	shalt  }
0x5c: {  	_ =	shalt  }
0x5d: {  	_ =	shalt  }
0x5e: {  	_ =	shalt  }
0x5f: {  	_ =	shalt  }
0x60: {  	_ =	shalt  }
0x61: {  	_ =	shalt  }
0x62: {  	_ =	shalt  }
0x63: {  	_ =	shalt  }
0x64: {  	_ =	shalt  }
0x65: {  	_ =	shalt  }
0x66: {  	_ =	shalt  }
0x67: {  	_ =	shalt  }
0x68: {  	_ =	shalt  }
0x69: {  	_ =	shalt  }
0x6a: {  	_ =	shalt  }
0x6b: {  	_ =	shalt  }
0x6c: {  	_ =	shalt  }
0x6d: {  	_ =	shalt  }
0x6e: {  	_ =	shalt  }
0x6f: {  	_ =	shalt  }
0x70: {  	_ =	shalt  }
0x71: {  	_ =	shalt  }
0x72: {  	_ =	shalt  }
0x73: {  	_ =	shalt  }
0x74: {  	_ =	shalt  }
0x75: {  	_ =	shalt  }
0x76: {  	_ =	shalt  }
0x77: {  	_ =	shalt  }
0x78: {  	_ =	shalt  }
0x79: {  	_ =	shalt  }
0x7a: {  	_ =	shalt  }
0x7b: {  	_ =	shalt  }
0x7c: {  	_ =	shalt  }
0x7d: {  	_ =	shalt  }
0x7e: {  	_ =	shalt  }
0x7f: {  	_ =	shalt  }
0x80: {  	_ =	shalt  }
0x81: {  	_ =	shalt  }
0x82: {  	_ =	shalt  }
0x83: {  	_ =	shalt  }
0x84: {  	_ =	shalt  }
0x85: {  	_ =	shalt  }
0x86: {  	_ =	shalt  }
0x87: {  	_ =	shalt  }
.Lfunc_end0:
.L_simem_size_0:
called_computation_lowered:
.L_overlay_start_0:
0x88: {  	s2 =	sld [smem:$0x3FD9]  }
0x89: {  	s3 =	sld [smem:$0x3FFE];
	_ =	sdelay $0x1  }
0x8a: {  	s1 =	srdreg.scid  }
0x8b: {  	s0 =	sand.u32 $0x1, s1  }
0x8c: {  	s17 =	sshll.u32 s0, $0xA;
	s2 =	sadd.s32 s3, s2  }
0x8d: {  	s2 =	sadd.s32 s2, s17  }
0x8e: {  	[smem:$0x3FB8] =	sst s2  }
0x8f: {  	_ = 	snop  }
0x90: {  	s2 =	sld [smem:$0x3FC9]  }
0x91: {  	s18 =	sld [smem:$0x3FD0];
	(tm) =	ssettm $0x1  }
0x92: {  	s4 =	sld [smem:$0x3FFB];
	_ =	sdelay $0x3  }
0x93: {  	_ =	strace s4  }
0x94: {  	s4 =	sld [smem:$0x3FFC];
	_ =	sdelay $0x3  }
0x95: {  	_ =	strace s4  }
0x96: {  	s4 =	sld [smem:$0x3FFD];
	_ =	sdelay $0x3  }
0x97: {  	_ =	strace s4  }
0x98: {  	_ =	strace $0x8FFFFFFF  }
0x99: {  	s19 =	sld [smem:$0x3FDB];
	_ =	sdelay $0x1  }
0x9a: {  	s5 =	simm.s32 $_scs_section_size  }
0x9b: {  	s6 =	simm.s32 $_size__tile_overlayer_lowered;
	s7 =	simm.s32 $_tile_overlayer_lowered  }
0x9c: {  	s22 =	simm.s32 $0x1BFF;
	s21 =	sshll.u32 s7, $0x1;
	s4 =	sadd.s32 s5, s19  }
0x9d: {  	s8 =	simm.s32 $0x0;
	s20 =	sshll.u32 s6, $0x1;
	s6 =	sadd.s32 s21, s4  }
0x9e: {  	[timem:s8], [sflag:s22] =	dma.local [hbm:s6], s20  }
0x9f: {  	_ =	swait.ge [sflag:s22], s20  }
0xa0: {  	s5 =	ssub.s32 $0x0, s20;
	[sflag:s22] =	ssyncset.done $0x0  }
0xa1: {  	[sflag:s22] =	ssyncadd.s32 s5;
	_ =	sdelay $0x1  }
0xa2: {  	s23 =	simm.s32 $0x1B8B  }
0xa3: {  	_ =	swait.ge [sflag:s23], $0x1  }
0xa4: {  	[sflag:s23] =	ssyncset.done $0x0  }
0xa5: {  	s25 =	simm.s32 $0x1B8E;
	s24 =	sld [smem:$0x3FFE];
	[sflag:s23] =	ssyncadd.s32 $0xFFFFFFFF  }
0xa6: {  	s26 =	simm.s32 $execute0_lowered;
	[smem:$0x3FD2] =	sst s25  }
0xa7: {  	s6 =	sshll.u32 s26, $0x1;
	_ =	strace $0x80000046;
	[dreg:$0x1] =	wrdreg $0xFFFFFFFF  }
0xa8: {  	s28 =	simm.s32 $_size_execute0_lowered;
	s4 =	sadd.s32 s4, s6;
	[dreg:$0x0] =	wrdreg $0x0  }
0xa9: {  	s6 =	sshll.u32 s28, $0x1;
	[dreg:$0x2] =	wrdreg s4  }
0xaa: {  	[dreg:$0x3] =	wrdreg s6  }
0xab: {  	[dreg:$0x4] =	wrdreg $0xC0  }
0xac: {  	_ =	task [dreg:s8], $0x5FFFF  }
0xad: {  	[dreg:$0x1] =	wrdreg $0xFFFFFFFF  }
0xae: {  	[dreg:$0x0] =	wrdreg $0x60  }
0xaf: {  	[dreg:$0x2] =	wrdreg s2  }
0xb0: {  	[dreg:$0x3] =	wrdreg s18  }
0xb1: {  	[dreg:$0x4] =	wrdreg s24  }
0xb2: {  	[dreg:$0x5] =	wrdreg $0xB2200  }
0xb3: {  	[dreg:$0x6] =	wrdreg $0x9  }
0xb4: {  	_ =	task.clear_ibuf [dreg:s8], $0x7FFFF;
	_ =	strace $0x90000046  }
0xb5: {  	s29 =	simm.s32 $0x9;
	_ =	strace $0x80000048  }
0xb6: {  	_ =	swait.ge [sflag:s29], $0x1  }
0xb7: {  	[sflag:s29] =	ssyncadd.s32 $0xFFFFFFFF  }
0xb8: {  	_ =	strace $0x90000048  }
0xb9: {  	_ =	sfence  }
0xba: {  	s30 =	sld [smem:$0x0];
	_ =	sdelay $0x2  }
0xbb: {  	s31 =	sshll.u32 s1, $0xD;
	s1 =	sshrl.u32 s1, $0x2  }
0xbc: {  	s3 =	sand.u32 $0x4000, s31;
	s1 =	sadd.s32 s1, s30  }
0xbd: {  	s0 =	sor.u32 s3, s0;
	s1 =	sshll.u32 s1, $0x11  }
0xbe: {  	s0 =	sor.u32 s1, s0  }
0xbf: {  	s0 =	sadd.s32 $0x8F2B, s0  }
0xc0: {  	[sflag:s0] =	ssyncadd.remote.s32 $0x1  }
0xc1: {  	_ =	sfence.sel $0xFFFF  }
0xc2: {  	[dreg:$0x0] =	wrdreg $0xFFFFFFFF;
	(pc) =	sbr.abs _section_cstart, $3  }
0xc3: {  	[dreg:$0x1] =	wrdreg $0xFFFFFFFF  }
0xc4: {  	_ =	task.clear_ibuf [dreg:s8], $0x2FFFF;
	_ =	strace $0x9FFFFFFF  }
0xc5: {  	(tm) =	ssettm $0x7FFFFFFF  }
tec
execute0_lowered:
.L_overlay_start_1:
0x0: {  	(tag) =	ssettag $0x1  }
0x1: {  	s1 =	rddreg [dreg:$0x0]  }
0x2: {  	s15 =	rddreg [dreg:$0x1];
	s2 =	srdreg.scid  }
0x3: {  	s0 =	stileid.u32;
	s3 =	rddreg [dreg:$0x2]  }
0x4: {  	s4 =	rddreg [dreg:$0x3];
	s17 =	simm.s32 $0x28;
	s18 =	simm.s32 $0x4E20  }
0x5: {  	s19 =	simm.s32 $0x6220;
	s21 =	simm.s32 $0x7620;
	s23 =	simm.s32 $0x8A20  }
0x6: {  	s28 =	simm.s32 $0x2;
	s29 =	simm.s32 $0x3;
	s30 =	simm.s32 $0x4  }
0x7: {  	s31 =	simm.s32 $0x5;
	s16 =	simm.s32 $0x4DD0;
	s20 =	simm.s32 $0x4DF8  }
0x8: {  	s22 =	simm.s32 $0x0;
	s2 =	sand.u32 $0x1, s2;
	s5 =	sshll.u32 s0, $0x1  }
0x9: {  	p4 =	sne.s32 s0, $0xF;
	p0 =	seq.s32 s0, $0xF;
	s11 =	smul.u32 $0x13C00, s0  }
0xa: {  	s6 =	sor.u32 s2, s5;
	s5 =	simm.s32 $0x0;
	s7 =	ssub.s32 $0x2, s2  }
0xb: {  	p2 =	seq.s32 s2, $0x0;
	s12 =	smul.u32 $0x138800, s2;
	p3 =	seq.s32 s2, $0x1  }
0xc: {  	s6 =	smul.u32 $0x2710, s6;
	[smem:$0x7FF] =	sst s5;
	s8 =	sshrl.u32 s7, $0x1  }
0xd: {  	p1 =	por !p2, !p4;
	p2 =	por !p2, !p0;
	s13 =	sshrl.u32 s11, $0x3  }
0xe: {  	p4 =	por !p4, !p3;
	_ =	strace $0x80000047;
	s10 =	ssub.s32 s7, s8  }
0xf: {  	p1 =	por !p1, !p1;
	p2 =	por !p2, !p2;
	s8 =	sadd.s32 $0x128400, s4  }
0x10: {  	s24 =	sadd.s32 s1, s13;
	s25 =	sadd.s32 s11, s12;
	p4 =	por !p4, !p4  }
0x11: {  	s14 =	sshrl.u32 s12, $0x3;
	s6 =	sshrl.u32 s6, $0x3;
	[dreg:$0x5] =	wrdreg s24  }
0x12: {  	s2 =	sshrl.u32 s25, $0x3;
	s25 =	simm.s32 $0x9E20;
	s9 =	sadd.s32 s6, s3  }
0x13: {  	s3 =	sadd.s32 $0x16400, s3;
	s6 =	sadd.s32 $0x2A00, s9;
	s7 =	sadd.s32 $0xC640, s9  }
0x14: {  	s9 =	sadd.s32 s11, s4;
	s11 =	sadd.s32 s15, s13;
	s12 =	sadd.s32 s3, s2  }
0x15: {  	s26 =	sadd.s32 s3, s14;
	s14 =	smax.u32 s10, $0x1;
	s15 =	simm.s32 $0x6  }
0x16: {  	s10 =	simm.s32 $0x4DA8;
	s13 =	sadd.s32 $0x25080, s26;
	s26 =	simm.s32 $0x1  }
.LBB2_1:
0x17: {  	[tilespmem:s5], [sflag:$0x6] =	stream.linear.gather [hbm4b:s6+s5], $0x2710, $0x38;
	[tilespmem:$0x1EAA0] =	vst v63  }
0x18: {  	_ =	swait.ge [sflag:s15], $0x2710  }
0x19: {  	[sflag:s15] =	ssyncset.done $0x0  }
0x1a: {  	s2 =	simm.s32 $0x2710;
	[sflag:s15] =	ssyncadd.s32 $0xFFFFD8F0  }
0x1b: {  	[tilespmem:s2], [sflag:$0x6] =	stream.linear.gather [hbm4b:s7+s5], $0x2710, $0x38;
	[tilespmem:$0x1EAA0] =	vst v63  }
0x1c: {  	_ =	swait.ge [sflag:s15], $0x2710  }
0x1d: {  	[sflag:s15] =	ssyncset.done $0x0  }
0x1e: {  	[sflag:s15] =	ssyncadd.s32 $0xFFFFD8F0  }
0x1f: {  	[tilespmem:s18], [sflag:$0x1] =	stream.indirect.gather [hbm4b:s1+s17], $0x80, s5, s17, $0xb8;
	[tilespmem:$0x1EAA0] =	vst v63  }
0x20: {  	_ = 	snop  }
0x21: {  	[tilespmem:s19], [sflag:$0x2] =	stream.indirect.gather [hbm4b:s1+s17], $0x80, s17, s17, $0xb8;
	[tilespmem:$0x1EAA0] =	vst v63  }
0x22: {  	s24 =	simm.s32 $0x50  }
0x23: {  	[tilespmem:s21], [sflag:$0x3] =	stream.indirect.gather [hbm4b:s1+s17], $0x80, s24, s17, $0xb8;
	[tilespmem:$0x1EAA0] =	vst v63  }
.Ltmp0:
0x24: {  	_ = 	snop;
	(pc) =	sbr.rel @!p1 .LBB2_4-.Ltmp0, $4  }
0x25: {  	s3 =	simm.s32 $0x78  }
0x26: {  	[tilespmem:s23], [sflag:$0x4] =	stream.indirect.gather [hbm4b:s1+s17], $0x80, s3, s17, $0xb8;
	[tilespmem:$0x1EAA0] =	vst v63  }
0x27: {  	s24 =	simm.s32 $0xA0  }
0x28: {  	[tilespmem:s25], [sflag:$0x5] =	stream.indirect.gather [hbm4b:s1+s17], $0x80, s24, s17, $0xb8;
	[tilespmem:$0x1EAA0] =	vst v63  }
0x29: {  	s3 =	sshll.u32 s0, $0x6;
	s24 =	sshrl.u32 s9, $0x3  }
.Ltmp1:
0x2a: {  	s2 =	rddreg [dreg:$0x5];
	s3 =	sor.u32 $0x1C06, s3;
	(pc) =	sbr.rel .LBB2_3-.Ltmp1, $4  }
0x2b: {  	[spmem:s24], [sflag:s3] =	dma.local [hbm:s2], $0x2780  }
0x2c: {  	_ =	swait.ge [sflag:s15], $0x2780  }
0x2d: {  	[sflag:s15] =	ssyncset.done $0x0  }
0x2e: {  	p5 =	por $0x0, $0x0;
	[sflag:s15] =	ssyncadd.s32 $0xFFFFD880  }
.LBB2_4:
.Ltmp2:
0x2f: {  	(pc) =	sbr.rel @!p2 .LBB2_3-.Ltmp2, $2  }
0x30: {  	_ =	sdelay $0x2  }
0x31: {  	p5 =	por p0, p0  }
.Ltmp3:
0x32: {  	(pc) =	sbr.rel .LBB2_6-.Ltmp3, $2  }
0x33: {  	_ =	sdelay $0x2  }
0x34: {  	p5 =	por $0x1, $0x1;
	s24 =	simm.s32 $0xF;
	s3 =	smov.u32 s1  }
.LBB2_3:
0x35: {  	s3 =	sshll.u32 @p4 s0, $0x6;
	p6 =	por @p4 $0x1, $0x1  }
0x36: {  	s24 =	sshrl.u32 @p4 s9, $0x3;
	s3 =	sor.u32 @p4 $0x1C06, s3;
	p6 =	por @!p4 p3, p3  }
0x37: {  	[spmem:s24], [sflag:s3] =	dma.local @p4 [hbm:s11], $0x2780  }
0x38: {  	p6 =	por !p6, !p5  }
0x39: {  	p6 =	por !p6, !p6  }
.Ltmp4:
0x3a: {  	s3 =	simm.s32 @p4 $0x6;
	(pc) =	sbr.rel @!p6 .LBB2_7-.Ltmp4, $4  }
0x3b: {  	_ =	swait.ge @p4 [sflag:s3], $0x2780  }
0x3c: {  	[sflag:s3] =	ssyncset.done @p4 $0x0  }
0x3d: {  	[sflag:s3] =	ssyncadd.s32 @p4 $0xFFFFD880  }
0x3e: {  	s24 =	stileid.u32;
	s3 =	rddreg [dreg:$0x1]  }
.LBB2_6:
0x3f: {  	s24 =	sshll.u32 s24, $0x6  }
0x40: {  	s3 =	sadd.s32 $0x25080, s3;
	s2 =	sshrl.u32 s8, $0x3;
	s24 =	sor.u32 $0x1C06, s24  }
0x41: {  	[spmem:s2], [sflag:s24] =	dma.local [hbm:s3], $0x2080  }
0x42: {  	_ =	swait.ge [sflag:s15], $0x2080  }
0x43: {  	[sflag:s15] =	ssyncset.done $0x0  }
0x44: {  	[sflag:s15] =	ssyncadd.s32 $0xFFFFDF80  }
.LBB2_7:
0x45: {  	[bflag:$0x0] =	sbarrier.arrive $0xFFFF  }
0x46: {  	_ =	swait.ge [sflag:s26], $0x1400  }
0x47: {  	[sflag:s26] =	ssyncset.done $0x0  }
0x48: {  	s2 =	simm.s32 $0x2710;
	[sflag:s26] =	ssyncadd.s32 $0xFFFFEC00  }
0x49: {  	[spmem:s4] =	stream.indirect.scatter.add.f32 [tilespmem:s18], [sflag:$0x6], $0x80, s2, s17, $0xb8;
	[tilespmem:$0x1EAA0] =	vst v63  }
0x4a: {  	_ =	swait.ge [sflag:s15], $0x1400  }
0x4b: {  	[sflag:s15] =	ssyncset.done $0x0  }
0x4c: {  	s3 =	simm.s32 $0xC8;
	[sflag:s15] =	ssyncadd.s32 $0xFFFFEC00  }
0x4d: {  	[tilespmem:s18], [sflag:$0x1] =	stream.indirect.gather [hbm4b:s1+s17], $0x80, s3, s17, $0xb8;
	[tilespmem:$0x1EAA0] =	vst v63  }
0x4e: {  	_ =	swait.ge [sflag:s28], $0x1400  }
0x4f: {  	[sflag:s28] =	ssyncset.done $0x0  }
0x50: {  	s24 =	simm.s32 $0x2738;
	[sflag:s28] =	ssyncadd.s32 $0xFFFFEC00  }
0x51: {  	[spmem:s4] =	stream.indirect.scatter.add.f32 [tilespmem:s19], [sflag:$0x6], $0x80, s24, s17, $0xb8;
	[tilespmem:$0x1EAA0] =	vst v63  }
0x52: {  	_ =	swait.ge [sflag:s15], $0x1400  }
0x53: {  	[sflag:s15] =	ssyncset.done $0x0  }
0x54: {  	s3 =	simm.s32 $0xF0;
	[sflag:s15] =	ssyncadd.s32 $0xFFFFEC00  }
0x55: {  	[tilespmem:s19], [sflag:$0x2] =	stream.indirect.gather [hbm4b:s1+s17], $0x80, s3, s17, $0xb8;
	[tilespmem:$0x1EAA0] =	vst v63  }
0x56: {  	_ =	swait.ge [sflag:s29], $0x1400  }
0x57: {  	[sflag:s29] =	ssyncset.done $0x0  }
0x58: {  	s24 =	simm.s32 $0x2760;
	[sflag:s29] =	ssyncadd.s32 $0xFFFFEC00  }
0x59: {  	[spmem:s4] =	stream.indirect.scatter.add.f32 [tilespmem:s21], [sflag:$0x6], $0x80, s24, s17, $0xb8;
	[tilespmem:$0x1EAA0] =	vst v63  }
0x5a: {  	_ =	swait.ge [sflag:s15], $0x1400  }
0x5b: {  	[sflag:s15] =	ssyncset.done $0x0  }
0x5c: {  	s3 =	simm.s32 $0x118;
	[sflag:s15] =	ssyncadd.s32 $0xFFFFEC00  }
0x5d: {  	[tilespmem:s21], [sflag:$0x3] =	stream.indirect.gather [hbm4b:s1+s17], $0x80, s3, s17, $0xb8;
	[tilespmem:$0x1EAA0] =	vst v63  }
0x5e: {  	_ =	swait.ge [sflag:s30], $0x1400  }
0x5f: {  	[sflag:s30] =	ssyncset.done $0x0  }
0x60: {  	s24 =	simm.s32 $0x2788;
	[sflag:s30] =	ssyncadd.s32 $0xFFFFEC00  }
0x61: {  	[spmem:s4] =	stream.indirect.scatter.add.f32 [tilespmem:s23], [sflag:$0x6], $0x80, s24, s17, $0xb8;
	[tilespmem:$0x1EAA0] =	vst v63  }
0x62: {  	_ =	swait.ge [sflag:s15], $0x1400  }
0x63: {  	[sflag:s15] =	ssyncset.done $0x0  }
0x64: {  	s3 =	simm.s32 $0x140;
	[sflag:s15] =	ssyncadd.s32 $0xFFFFEC00  }
0x65: {  	[tilespmem:s23], [sflag:$0x4] =	stream.indirect.gather [hbm4b:s1+s17], $0x80, s3, s17, $0xb8;
	[tilespmem:$0x1EAA0] =	vst v63  }
0x66: {  	_ =	swait.ge [sflag:s31], $0x1400  }
0x67: {  	[sflag:s31] =	ssyncset.done $0x0  }
0x68: {  	s24 =	simm.s32 $0x27B0;
	[sflag:s31] =	ssyncadd.s32 $0xFFFFEC00  }
0x69: {  	[spmem:s4] =	stream.indirect.scatter.add.f32 [tilespmem:s25], [sflag:$0x6], $0x80, s24, s17, $0xb8;
	[tilespmem:$0x1EAA0] =	vst v63  }
0x6a: {  	_ =	swait.ge [sflag:s15], $0x1400  }
0x6b: {  	[sflag:s15] =	ssyncset.done $0x0  }
0x6c: {  	s3 =	simm.s32 $0x168;
	s24 =	simm.s32 $0x320;
	[sflag:s15] =	ssyncadd.s32 $0xFFFFEC00  }
.LBB2_8:
0x6d: {  	[tilespmem:s25], [sflag:$0x5] =	stream.indirect.gather [hbm4b:s1+s17], $0x80, s3, s17, $0xb8;
	[tilespmem:$0x1EAA0] =	vst v63  }
0x6e: {  	s2 =	smov.u32 s24  }
0x6f: {  	p6 =	sne.s32 s24, $0x9600;
	s24 =	sadd.s32 $0x320, s24;
	_ =	swait.ge [sflag:s26], $0x1400  }
0x70: {  	s3 =	sshra.s32 s2, $0x2;
	[sflag:s26] =	ssyncset.done $0x0  }
0x71: {  	s2 =	sadd.s32 $0x2710, s3;
	[sflag:s26] =	ssyncadd.s32 $0xFFFFEC00  }
0x72: {  	[spmem:s4] =	stream.indirect.scatter.add.f32 [tilespmem:s18], [sflag:$0x6], $0x80, s2, s17, $0xb8;
	[tilespmem:$0x1EAA0] =	vst v63  }
0x73: {  	_ =	swait.ge [sflag:s15], $0x1400  }
0x74: {  	[sflag:s15] =	ssyncset.done $0x0  }
0x75: {  	s2 =	sadd.s32 $0xC8, s3;
	[sflag:s15] =	ssyncadd.s32 $0xFFFFEC00  }
0x76: {  	[tilespmem:s18], [sflag:$0x1] =	stream.indirect.gather [hbm4b:s1+s17], $0x80, s2, s17, $0xb8;
	[tilespmem:$0x1EAA0] =	vst v63  }
0x77: {  	_ =	swait.ge [sflag:s28], $0x1400  }
0x78: {  	[sflag:s28] =	ssyncset.done $0x0  }
0x79: {  	s2 =	sadd.s32 $0x2738, s3;
	[sflag:s28] =	ssyncadd.s32 $0xFFFFEC00  }
0x7a: {  	[spmem:s4] =	stream.indirect.scatter.add.f32 [tilespmem:s19], [sflag:$0x6], $0x80, s2, s17, $0xb8;
	[tilespmem:$0x1EAA0] =	vst v63  }
0x7b: {  	_ =	swait.ge [sflag:s15], $0x1400  }
0x7c: {  	[sflag:s15] =	ssyncset.done $0x0  }
0x7d: {  	s2 =	sadd.s32 $0xF0, s3;
	[sflag:s15] =	ssyncadd.s32 $0xFFFFEC00  }
0x7e: {  	[tilespmem:s19], [sflag:$0x2] =	stream.indirect.gather [hbm4b:s1+s17], $0x80, s2, s17, $0xb8;
	[tilespmem:$0x1EAA0] =	vst v63  }
0x7f: {  	_ =	swait.ge [sflag:s29], $0x1400  }
0x80: {  	[sflag:s29] =	ssyncset.done $0x0  }
0x81: {  	s2 =	sadd.s32 $0x2760, s3;
	[sflag:s29] =	ssyncadd.s32 $0xFFFFEC00  }
0x82: {  	[spmem:s4] =	stream.indirect.scatter.add.f32 [tilespmem:s21], [sflag:$0x6], $0x80, s2, s17, $0xb8;
	[tilespmem:$0x1EAA0] =	vst v63  }
0x83: {  	_ =	swait.ge [sflag:s15], $0x1400  }
0x84: {  	[sflag:s15] =	ssyncset.done $0x0  }
0x85: {  	s2 =	sadd.s32 $0x118, s3;
	[sflag:s15] =	ssyncadd.s32 $0xFFFFEC00  }
0x86: {  	[tilespmem:s21], [sflag:$0x3] =	stream.indirect.gather [hbm4b:s1+s17], $0x80, s2, s17, $0xb8;
	[tilespmem:$0x1EAA0] =	vst v63  }
0x87: {  	_ =	swait.ge [sflag:s30], $0x1400  }
0x88: {  	[sflag:s30] =	ssyncset.done $0x0  }
0x89: {  	s2 =	sadd.s32 $0x2788, s3;
	[sflag:s30] =	ssyncadd.s32 $0xFFFFEC00  }
0x8a: {  	[spmem:s4] =	stream.indirect.scatter.add.f32 [tilespmem:s23], [sflag:$0x6], $0x80, s2, s17, $0xb8;
	[tilespmem:$0x1EAA0] =	vst v63  }
0x8b: {  	_ =	swait.ge [sflag:s15], $0x1400  }
0x8c: {  	[sflag:s15] =	ssyncset.done $0x0  }
0x8d: {  	s2 =	sadd.s32 $0x140, s3;
	[sflag:s15] =	ssyncadd.s32 $0xFFFFEC00  }
0x8e: {  	[tilespmem:s23], [sflag:$0x4] =	stream.indirect.gather [hbm4b:s1+s17], $0x80, s2, s17, $0xb8;
	[tilespmem:$0x1EAA0] =	vst v63  }
0x8f: {  	_ =	swait.ge [sflag:s31], $0x1400  }
0x90: {  	[sflag:s31] =	ssyncset.done $0x0  }
.Ltmp5:
0x91: {  	s2 =	sadd.s32 $0x27B0, s3;
	[sflag:s31] =	ssyncadd.s32 $0xFFFFEC00;
	(pc) =	sbr.rel @p6 .LBB2_8-.Ltmp5, $4  }
0x92: {  	[spmem:s4] =	stream.indirect.scatter.add.f32 [tilespmem:s25], [sflag:$0x6], $0x80, s2, s17, $0xb8;
	[tilespmem:$0x1EAA0] =	vst v63  }
0x93: {  	_ =	swait.ge [sflag:s15], $0x1400  }
0x94: {  	[sflag:s15] =	ssyncset.done $0x0  }
0x95: {  	s3 =	sadd.s32 $0x168, s3;
	[sflag:s15] =	ssyncadd.s32 $0xFFFFEC00  }
0x96: {  	[tilespmem:s25], [sflag:$0x5] =	stream.indirect.gather [hbm4b:s1+s17], $0x80, s3, s17, $0xb8;
	[tilespmem:$0x1EAA0] =	vst v63  }
0x97: {  	_ =	swait.ge [sflag:s26], $0x1400  }
0x98: {  	[sflag:s26] =	ssyncset.done $0x0  }
0x99: {  	s2 =	simm.s32 $0x4D58;
	[sflag:s26] =	ssyncadd.s32 $0xFFFFEC00  }
0x9a: {  	[spmem:s4] =	stream.indirect.scatter.add.f32 [tilespmem:s18], [sflag:$0x6], $0x80, s2, s17, $0xb8;
	[tilespmem:$0x1EAA0] =	vst v63  }
0x9b: {  	_ =	swait.ge [sflag:s15], $0x1400  }
0x9c: {  	[sflag:s15] =	ssyncset.done $0x0  }
0x9d: {  	[sflag:s15] =	ssyncadd.s32 $0xFFFFEC00  }
0x9e: {  	_ =	swait.ge [sflag:s28], $0x1400  }
0x9f: {  	[sflag:s28] =	ssyncset.done $0x0  }
0xa0: {  	s24 =	simm.s32 $0x4D80;
	[sflag:s28] =	ssyncadd.s32 $0xFFFFEC00  }
0xa1: {  	[spmem:s4] =	stream.indirect.scatter.add.f32 [tilespmem:s19], [sflag:$0x6], $0x80, s24, s17, $0xb8;
	[tilespmem:$0x1EAA0] =	vst v63  }
0xa2: {  	_ =	swait.ge [sflag:s15], $0x1400  }
0xa3: {  	[sflag:s15] =	ssyncset.done $0x0  }
0xa4: {  	[sflag:s15] =	ssyncadd.s32 $0xFFFFEC00  }
0xa5: {  	_ =	swait.ge [sflag:s29], $0x1400  }
0xa6: {  	[sflag:s29] =	ssyncset.done $0x0  }
0xa7: {  	[sflag:s29] =	ssyncadd.s32 $0xFFFFEC00  }
0xa8: {  	[spmem:s4] =	stream.indirect.scatter.add.f32 [tilespmem:s21], [sflag:$0x6], $0x80, s10, s17, $0xb8;
	[tilespmem:$0x1EAA0] =	vst v63  }
0xa9: {  	_ =	swait.ge [sflag:s15], $0x1400  }
0xaa: {  	[sflag:s15] =	ssyncset.done $0x0  }
0xab: {  	[sflag:s15] =	ssyncadd.s32 $0xFFFFEC00  }
0xac: {  	_ =	swait.ge [sflag:s30], $0x1400  }
0xad: {  	[sflag:s30] =	ssyncset.done $0x0  }
0xae: {  	[sflag:s30] =	ssyncadd.s32 $0xFFFFEC00  }
0xaf: {  	[spmem:s4] =	stream.indirect.scatter.add.f32 [tilespmem:s23], [sflag:$0x6], $0x80, s16, s17, $0xb8;
	[tilespmem:$0x1EAA0] =	vst v63  }
0xb0: {  	_ =	swait.ge [sflag:s15], $0x1400  }
0xb1: {  	[sflag:s15] =	ssyncset.done $0x0  }
0xb2: {  	[sflag:s15] =	ssyncadd.s32 $0xFFFFEC00  }
0xb3: {  	_ =	swait.ge [sflag:s31], $0x1400  }
0xb4: {  	[sflag:s31] =	ssyncset.done $0x0  }
0xb5: {  	[sflag:s31] =	ssyncadd.s32 $0xFFFFEC00  }
0xb6: {  	[spmem:s4] =	stream.indirect.scatter.add.f32 [tilespmem:s25], [sflag:$0x6], $0x80, s20, s17, $0xb8;
	[tilespmem:$0x1EAA0] =	vst v63  }
0xb7: {  	_ =	swait.ge [sflag:s15], $0x1400  }
0xb8: {  	[sflag:s15] =	ssyncset.done $0x0  }
0xb9: {  	s2 =	sshll.u32 @!p0 s0, $0x6;
	[sflag:s15] =	ssyncadd.s32 $0xFFFFEC00  }
0xba: {  	s3 =	sshrl.u32 @!p0 s9, $0x3;
	s2 =	sor.u32 @!p0 $0x1C06, s2;
	[bflag:$0x0] =	sbarrier.arrive $0xFFFF  }
0xbb: {  	[hbm:s12], [sflag:s2] =	dma.local @!p0 [spmem:s3], $0x2780  }
0xbc: {  	s2 =	simm.s32 @!p0 $0x6  }
0xbd: {  	s22 =	sadd.s32 $0x1, s22;
	_ =	swait.ge @!p0 [sflag:s2], $0x2780  }
0xbe: {  	p6 =	sne.s32 s22, s14;
	s3 =	sshll.u32 @p5 s0, $0x6;
	[sflag:s2] =	ssyncset.done @!p0 $0x0  }
0xbf: {  	[sflag:s2] =	ssyncadd.s32 @!p0 $0xFFFFD880;
	s2 =	sor.u32 @p5 $0x1C06, s3;
	s3 =	sshrl.u32 @p5 s8, $0x3  }
0xc0: {  	[hbm:s13], [sflag:s2] =	dma.local @p5 [spmem:s3], $0x2080  }
.Ltmp6:
0xc1: {  	_ = 	snop;
	(pc) =	sbr.rel @p6 .LBB2_1-.Ltmp6, $4  }
0xc2: {  	s2 =	simm.s32 @p5 $0x6  }
0xc3: {  	_ =	swait.ge @p5 [sflag:s2], $0x2080  }
0xc4: {  	[sflag:s2] =	ssyncset.done @p5 $0x0  }
0xc5: {  	[sflag:s2] =	ssyncadd.s32 @p5 $0xFFFFDF80  }
0xc6: {  	_ =	sfence.sel $0x180000  }
0xc7: {  	[bflag:$0x0] =	sbarrier.arrive $0xFFFF  }
0xc8: {  	_ =	strace $0x90000047  }
0xc9: {  	[bflag:$0x2] =	sbarrier.arrive $0xFFFF  }
0xca: {  	p0 =	sne.s32 s0, $0x0;
	s0 =	rddreg [dreg:$0x4]  }
0xcb: {  	s0 =	sadd.s32 @!p0 $0x100000, s0  }
0xcc: {  	[sflag:s0] =	ssyncadd.tile.s32 @!p0 $0x1;
	_ =	shalt  }
.Lfunc_end2:
_tile_overlayer_lowered:
.L_overlay_start_2:
0xcd: {  	(tag) =	ssettag $0x2  }
0xce: {  	s0 =	rddreg [dreg:$0x0];
	s2 =	stileid.u32  }
0xcf: {  	s1 =	rddreg [dreg:$0x1];
	p0 =	sne.s32 s2, $0x0  }
0xd0: {  	s3 =	rddreg [dreg:$0x2];
	[bflag:$0x3] =	sbarrier.arrive $0xFFFF;
	s2 =	simm.s32 @!p0 $0x1C06  }
0xd1: {  	[timem:s3], [sflag:s2] =	dma.local @!p0 [hbm:s0], s1  }
0xd2: {  	s0 =	simm.s32 @!p0 $0x6  }
0xd3: {  	_ =	swait.ge @!p0 [sflag:s0], s1  }
0xd4: {  	s1 =	ssub.s32 @!p0 $0x0, s1;
	[sflag:s0] =	ssyncset.done @!p0 $0x0  }
0xd5: {  	[sflag:s0] =	ssyncadd.s32 @!p0 s1  }
0xd6: {  	[bflag:$0x3] =	sbarrier.arrive $0xFFFF  }
0xd7: {  	_ =	shalt  }

// kernel: kernel.9.cloned.1.call-start
scs
__scs_entry_jumppad:
0x0: {  	(pc) =	sbr.rel $0x88, $3  }
0x1: {  	(tag) =	ssettag $0x0;
	lr =	simm.s32 $0x1  }
0x2: {  	[smem:$0x3F91] =	sst lr;
	_ =	strace $0xD0000000  }
0x3: {  	_ = 	snop  }
0x4: {  	_ = 	snop  }
0x5: {  	_ = 	snop  }
0x6: {  	_ = 	snop  }
0x7: {  	_ = 	snop  }
__scs_overlays_trampoline_lowered:
0x8: {  	[smem:$0x3FA0] =	sst s0  }
0x9: {  	[smem:$0x3FA1] =	sst s1  }
0xa: {  	[smem:$0x3FA2] =	sst s2  }
0xb: {  	[smem:$0x3FA3] =	sst s3  }
0xc: {  	[smem:$0x3FA4] =	sst s4  }
0xd: {  	[smem:$0x3FA5] =	sst s5  }
0xe: {  	[smem:$0x3FA6] =	sst s6  }
0xf: {  	[smem:$0x3FA7] =	sst s7  }
0x10: {  	[smem:$0x3FA8] =	sst s8  }
0x11: {  	[smem:$0x3FA9] =	sst s9;
	s0 =	simm.s32 @!p0 $0x0  }
0x12: {  	s1 =	sld [smem:$0x3F8F];
	s0 =	simm.s32 @p0 $0x1  }
0x13: {  	[smem:$0x3FAA] =	sst s0;
	s0 =	simm.s32 @!p1 $0x0  }
0x14: {  	s2 =	sld [smem:$0x3F8E];
	s0 =	simm.s32 @p1 $0x1  }
0x15: {  	[smem:$0x3FAB] =	sst s0;
	s0 =	simm.s32 @!p2 $0x0  }
0x16: {  	s3 =	sld [smem:$0x3FDB];
	s0 =	simm.s32 @p2 $0x1  }
0x17: {  	s4 =	simm.s32 $0x1BF5;
	[smem:$0x3FAD] =	sst s0  }
0x18: {  	s0 =	sld [smem:$0x3F90];
	_ =	swait.ge [sflag:s4], $0x0  }
0x19: {  	s7 =	sld [smem:$0x3F91]  }
0x1a: {  	s8 =	sadd.s32 $0xFFFFE003, lr  }
0x1b: {  	s9 =	sadd.s32 $0xFFFFFEF7, lr;
	s5 =	simm.s32 $0xFFFFFFFF;
	p2 =	slt.u32 s8, $0xFFFFF086  }
0x1c: {  	p1 =	slt.u32 s9, $0xF7A;
	s5 =	simm.s32 @!p2 $0x0  }
0x1d: {  	s5 =	simm.s32 @p1 $0x1;
	p0 =	seq.s32 s7, s2  }
0x1e: {  	s7 =	smul.u32 @!p0 $0xF7A, s2;
	p2 =	seq.s32 @!p0 s5, $0x0  }
0x1f: {  	s9 =	smul.u32 $0xF7A, s1;
	s8 =	simm.s32 @!p0 $0x1BF5;
	p2 =	por !p2, p0  }
0x20: {  	[sflag:s8] =	ssyncset.s32 @!p0 $0xFFFFF086;
	s6 =	sadd.s32 @!p0 s3, s7;
	s7 =	simm.s32 @!p0 $0x108  }
0x21: {  	s3 =	sadd.s32 s3, s9;
	s6 =	sadd.s32 @!p0 $0x88, s6;
	s7 =	simm.s32 @p2 $0x1082  }
0x22: {  	[simem:s7], [sflag:s8] =	dma.local @!p0 [hbm:s6], $0xF7A  }
0x23: {  	s9 =	sor.u32 $0xD0000000, s2;
	s6 =	simm.s32 $0x108;
	_ =	swait.ge @!p0 [sflag:s8], $0x0  }
0x24: {  	s3 =	sadd.s32 $0x88, s3;
	s6 =	simm.s32 @!p1 $0x1082;
	[sflag:s4] =	ssyncset.s32 $0xFFFFF086  }
0x25: {  	[simem:s6], [sflag:s4] =	dma.local [hbm:s3], $0xF7A  }
0x26: {  	[smem:$0x3F91] =	sst s1;
	(tag) =	ssettag s2;
	_ =	strace s9  }
0x27: {  	s1 =	sld [smem:$0x3FA1]  }
0x28: {  	s2 =	sld [smem:$0x3FA2]  }
0x29: {  	s4 =	sld [smem:$0x3FA4]  }
0x2a: {  	p0 =	seq.s32 s5, $0x0;
	s5 =	sld [smem:$0x3FA5]  }
0x2b: {  	s6 =	sld [smem:$0x3FA6]  }
0x2c: {  	s7 =	sld [smem:$0x3FA7]  }
0x2d: {  	s3 =	simm.s32 $0x108;
	s8 =	sld [smem:$0x3FA8]  }
0x2e: {  	s3 =	simm.s32 @!p0 $0x1082;
	s9 =	sld [smem:$0x3FA9]  }
0x2f: {  	lr =	sadd.s32 s0, s3;
	s0 =	sld [smem:$0x3FA0]  }
0x30: {  	s3 =	sld [smem:$0x3FA3]  }
0x31: {  	[smem:$0x3FAC] =	sst s10  }
0x32: {  	s10 =	sld [smem:$0x3FAA];
	_ =	sdelay $0x3  }
0x33: {  	p0 =	seq.s32 s10, $0x1;
	s10 =	sld [smem:$0x3FAC];
	_ =	sdelay $0x3  }
0x34: {  	[smem:$0x3FAC] =	sst s10  }
0x35: {  	s10 =	sld [smem:$0x3FAB];
	_ =	sdelay $0x3  }
0x36: {  	p1 =	seq.s32 s10, $0x1;
	s10 =	sld [smem:$0x3FAC];
	_ =	sdelay $0x3  }
0x37: {  	[smem:$0x3FAC] =	sst s10  }
0x38: {  	s10 =	sld [smem:$0x3FAD]  }
0x39: {  	_ = 	snop;
	(pc) =	sbr.ind lr, $3  }
0x3a: {  	_ = 	snop  }
0x3b: {  	_ = 	snop  }
0x3c: {  	p2 =	seq.s32 s10, $0x1;
	s10 =	sld [smem:$0x3FAC]  }
0x3d: {  	_ =	shalt  }
0x3e: {  	_ =	shalt  }
0x3f: {  	_ =	shalt  }
0x40: {  	_ =	shalt  }
0x41: {  	_ =	shalt  }
0x42: {  	_ =	shalt  }
0x43: {  	_ =	shalt  }
0x44: {  	_ =	shalt  }
0x45: {  	_ =	shalt  }
0x46: {  	_ =	shalt  }
0x47: {  	_ =	shalt  }
0x48: {  	_ =	shalt  }
0x49: {  	_ =	shalt  }
0x4a: {  	_ =	shalt  }
0x4b: {  	_ =	shalt  }
0x4c: {  	_ =	shalt  }
0x4d: {  	_ =	shalt  }
0x4e: {  	_ =	shalt  }
0x4f: {  	_ =	shalt  }
0x50: {  	_ =	shalt  }
0x51: {  	_ =	shalt  }
0x52: {  	_ =	shalt  }
0x53: {  	_ =	shalt  }
0x54: {  	_ =	shalt  }
0x55: {  	_ =	shalt  }
0x56: {  	_ =	shalt  }
0x57: {  	_ =	shalt  }
0x58: {  	_ =	shalt  }
0x59: {  	_ =	shalt  }
0x5a: {  	_ =	shalt  }
0x5b: {  	_ =	shalt  }
0x5c: {  	_ =	shalt  }
0x5d: {  	_ =	shalt  }
0x5e: {  	_ =	shalt  }
0x5f: {  	_ =	shalt  }
0x60: {  	_ =	shalt  }
0x61: {  	_ =	shalt  }
0x62: {  	_ =	shalt  }
0x63: {  	_ =	shalt  }
0x64: {  	_ =	shalt  }
0x65: {  	_ =	shalt  }
0x66: {  	_ =	shalt  }
0x67: {  	_ =	shalt  }
0x68: {  	_ =	shalt  }
0x69: {  	_ =	shalt  }
0x6a: {  	_ =	shalt  }
0x6b: {  	_ =	shalt  }
0x6c: {  	_ =	shalt  }
0x6d: {  	_ =	shalt  }
0x6e: {  	_ =	shalt  }
0x6f: {  	_ =	shalt  }
0x70: {  	_ =	shalt  }
0x71: {  	_ =	shalt  }
0x72: {  	_ =	shalt  }
0x73: {  	_ =	shalt  }
0x74: {  	_ =	shalt  }
0x75: {  	_ =	shalt  }
0x76: {  	_ =	shalt  }
0x77: {  	_ =	shalt  }
0x78: {  	_ =	shalt  }
0x79: {  	_ =	shalt  }
0x7a: {  	_ =	shalt  }
0x7b: {  	_ =	shalt  }
0x7c: {  	_ =	shalt  }
0x7d: {  	_ =	shalt  }
0x7e: {  	_ =	shalt  }
0x7f: {  	_ =	shalt  }
0x80: {  	_ =	shalt  }
0x81: {  	_ =	shalt  }
0x82: {  	_ =	shalt  }
0x83: {  	_ =	shalt  }
0x84: {  	_ =	shalt  }
0x85: {  	_ =	shalt  }
0x86: {  	_ =	shalt  }
0x87: {  	_ =	shalt  }
.Lfunc_end0:
.L_simem_size_0:
called_computation.1_lowered:
.L_overlay_start_0:
0x88: {  	s2 =	sld [smem:$0x3FD9]  }
0x89: {  	s3 =	sld [smem:$0x3FFE];
	_ =	sdelay $0x1  }
0x8a: {  	s1 =	srdreg.scid  }
0x8b: {  	s0 =	sand.u32 $0x1, s1  }
0x8c: {  	s17 =	sshll.u32 s0, $0xA;
	s2 =	sadd.s32 s3, s2  }
0x8d: {  	s2 =	sadd.s32 s2, s17  }
0x8e: {  	[smem:$0x3FB8] =	sst s2  }
0x8f: {  	_ = 	snop  }
0x90: {  	s2 =	sld [smem:$0x3FD0];
	(tm) =	ssettm $0x1  }
0x91: {  	s18 =	sld [smem:$0x3FFB];
	_ =	sdelay $0x3  }
0x92: {  	_ =	strace s18  }
0x93: {  	s3 =	sld [smem:$0x3FFC];
	_ =	sdelay $0x3  }
0x94: {  	_ =	strace s3  }
0x95: {  	s3 =	sld [smem:$0x3FFD];
	_ =	sdelay $0x3  }
0x96: {  	_ =	strace s3  }
0x97: {  	_ =	strace $0x8FFFFFFF  }
0x98: {  	s19 =	sld [smem:$0x3FDB];
	_ =	sdelay $0x1  }
0x99: {  	s4 =	simm.s32 $_scs_section_size  }
0x9a: {  	s5 =	simm.s32 $_size__tile_overlayer_lowered;
	s6 =	simm.s32 $_tile_overlayer_lowered  }
0x9b: {  	s22 =	simm.s32 $0x1BFF;
	s21 =	sshll.u32 s6, $0x1;
	s3 =	sadd.s32 s4, s19  }
0x9c: {  	s7 =	simm.s32 $0x0;
	s20 =	sshll.u32 s5, $0x1;
	s5 =	sadd.s32 s21, s3  }
0x9d: {  	[timem:s7], [sflag:s22] =	dma.local [hbm:s5], s20  }
0x9e: {  	_ =	swait.ge [sflag:s22], s20  }
0x9f: {  	s4 =	ssub.s32 $0x0, s20;
	[sflag:s22] =	ssyncset.done $0x0  }
0xa0: {  	[sflag:s22] =	ssyncadd.s32 s4;
	_ =	sdelay $0x1  }
0xa1: {  	s23 =	simm.s32 $0x1B8B  }
0xa2: {  	_ =	swait.ge [sflag:s23], $0x1  }
0xa3: {  	[sflag:s23] =	ssyncset.done $0x0  }
0xa4: {  	s25 =	simm.s32 $0x1B8E;
	s24 =	sld [smem:$0x3FFE];
	[sflag:s23] =	ssyncadd.s32 $0xFFFFFFFF  }
0xa5: {  	s26 =	simm.s32 $execute0_lowered;
	[smem:$0x3FD2] =	sst s25  }
0xa6: {  	s5 =	sshll.u32 s26, $0x1;
	_ =	strace $0x80000049;
	[dreg:$0x1] =	wrdreg $0xFFFFFFFF  }
0xa7: {  	s28 =	simm.s32 $_size_execute0_lowered;
	s3 =	sadd.s32 s3, s5;
	[dreg:$0x0] =	wrdreg $0x0  }
0xa8: {  	s5 =	sshll.u32 s28, $0x1;
	[dreg:$0x2] =	wrdreg s3  }
0xa9: {  	[dreg:$0x3] =	wrdreg s5  }
0xaa: {  	[dreg:$0x4] =	wrdreg $0xC0  }
0xab: {  	_ =	task [dreg:s7], $0x5FFFF  }
0xac: {  	[dreg:$0x1] =	wrdreg $0xFFFFFFFF  }
0xad: {  	[dreg:$0x0] =	wrdreg $0x60  }
0xae: {  	[dreg:$0x2] =	wrdreg s24  }
0xaf: {  	[dreg:$0x3] =	wrdreg s2  }
0xb0: {  	[dreg:$0x4] =	wrdreg $0xB2200  }
0xb1: {  	[dreg:$0x5] =	wrdreg $0x9  }
0xb2: {  	_ =	task.clear_ibuf [dreg:s7], $0x6FFFF;
	_ =	strace $0x90000049  }
0xb3: {  	s29 =	simm.s32 $0x9;
	_ =	strace $0x8000004B  }
0xb4: {  	_ =	swait.ge [sflag:s29], $0x1  }
0xb5: {  	[sflag:s29] =	ssyncadd.s32 $0xFFFFFFFF  }
0xb6: {  	_ =	strace $0x9000004B  }
0xb7: {  	_ =	sfence  }
0xb8: {  	s30 =	sld [smem:$0x0];
	_ =	sdelay $0x2  }
0xb9: {  	s31 =	sshll.u32 s1, $0xD;
	s1 =	sshrl.u32 s1, $0x2  }
0xba: {  	s3 =	sand.u32 $0x4000, s31;
	s1 =	sadd.s32 s1, s30  }
0xbb: {  	s0 =	sor.u32 s3, s0;
	s1 =	sshll.u32 s1, $0x11  }
0xbc: {  	s0 =	sor.u32 s1, s0  }
0xbd: {  	s0 =	sadd.s32 $0x8F2B, s0  }
0xbe: {  	[sflag:s0] =	ssyncadd.remote.s32 $0x1  }
0xbf: {  	_ =	sfence.sel $0xFFFF  }
0xc0: {  	[dreg:$0x0] =	wrdreg $0xFFFFFFFF;
	(pc) =	sbr.abs _section_cstart, $3  }
0xc1: {  	[dreg:$0x1] =	wrdreg $0xFFFFFFFF  }
0xc2: {  	_ =	task.clear_ibuf [dreg:s7], $0x2FFFF;
	_ =	strace $0x9FFFFFFF  }
0xc3: {  	(tm) =	ssettm $0x7FFFFFFF  }
tec
execute0_lowered:
.L_overlay_start_1:
0x0: {  	(tag) =	ssettag $0x1  }
0x1: {  	s1 =	rddreg [dreg:$0x0]  }
0x2: {  	s15 =	rddreg [dreg:$0x1];
	s2 =	srdreg.scid  }
0x3: {  	s0 =	stileid.u32;
	s3 =	rddreg [dreg:$0x2]  }
0x4: {  	s4 =	simm.s32 $0x0;
	s17 =	simm.s32 $0x28;
	s18 =	simm.s32 $0x4E20  }
0x5: {  	s19 =	simm.s32 $0x6220;
	s21 =	simm.s32 $0x7620;
	s23 =	simm.s32 $0x8A20  }
0x6: {  	s28 =	simm.s32 $0x2;
	s29 =	simm.s32 $0x3;
	s30 =	simm.s32 $0x4  }
0x7: {  	s31 =	simm.s32 $0x5;
	s16 =	simm.s32 $0x4DD0;
	s20 =	simm.s32 $0x4DF8  }
0x8: {  	s22 =	simm.s32 $0x0;
	s2 =	sand.u32 $0x1, s2;
	s5 =	sshll.u32 s0, $0x1  }
0x9: {  	[smem:$0x7FF] =	sst s4;
	p4 =	sne.s32 s0, $0xF;
	p0 =	seq.s32 s0, $0xF  }
0xa: {  	s11 =	smul.u32 $0x13C00, s0;
	s5 =	sor.u32 s2, s5;
	_ =	strace $0x8000004A  }
0xb: {  	s7 =	ssub.s32 $0x2, s2;
	p2 =	seq.s32 s2, $0x0;
	s12 =	smul.u32 $0x138800, s2  }
0xc: {  	p3 =	seq.s32 s2, $0x1;
	s6 =	smul.u32 $0x2710, s5;
	s5 =	sadd.s32 $0x16400, s1  }
0xd: {  	s8 =	sshrl.u32 s7, $0x1;
	p1 =	por !p2, !p4;
	p2 =	por !p2, !p0  }
0xe: {  	s13 =	sshrl.u32 s11, $0x3;
	p4 =	por !p4, !p3;
	s10 =	ssub.s32 s7, s8  }
0xf: {  	p1 =	por !p1, !p1;
	p2 =	por !p2, !p2;
	s8 =	sadd.s32 $0x128400, s3  }
0x10: {  	s25 =	sadd.s32 s5, s13;
	s26 =	sadd.s32 s11, s12;
	p4 =	por !p4, !p4  }
0x11: {  	s14 =	sshrl.u32 s12, $0x3;
	s6 =	sshrl.u32 s6, $0x3;
	[dreg:$0x4] =	wrdreg s25  }
0x12: {  	s2 =	sshrl.u32 s26, $0x3;
	s25 =	simm.s32 $0x9E20;
	s9 =	sadd.s32 s6, s1  }
0x13: {  	s26 =	simm.s32 $0x1;
	s1 =	sadd.s32 $0x3D600, s1;
	s6 =	sadd.s32 $0x2A00, s9  }
0x14: {  	s7 =	sadd.s32 $0xC640, s9;
	s9 =	sadd.s32 s11, s3;
	s11 =	sadd.s32 s15, s13  }
0x15: {  	s12 =	sadd.s32 s1, s2;
	s1 =	sadd.s32 s1, s14;
	s14 =	smax.u32 s10, $0x1  }
0x16: {  	s15 =	simm.s32 $0x6;
	s10 =	simm.s32 $0x4DA8;
	s13 =	sadd.s32 $0x25080, s1  }
.LBB2_1:
0x17: {  	[tilespmem:s4], [sflag:$0x6] =	stream.linear.gather [hbm4b:s6+s4], $0x2710, $0x38;
	[tilespmem:$0x1EAA0] =	vst v63  }
0x18: {  	_ =	swait.ge [sflag:s15], $0x2710  }
0x19: {  	[sflag:s15] =	ssyncset.done $0x0  }
0x1a: {  	s1 =	simm.s32 $0x2710;
	[sflag:s15] =	ssyncadd.s32 $0xFFFFD8F0  }
0x1b: {  	[tilespmem:s1], [sflag:$0x6] =	stream.linear.gather [hbm4b:s7+s4], $0x2710, $0x38;
	[tilespmem:$0x1EAA0] =	vst v63  }
0x1c: {  	_ =	swait.ge [sflag:s15], $0x2710  }
0x1d: {  	[sflag:s15] =	ssyncset.done $0x0  }
0x1e: {  	[sflag:s15] =	ssyncadd.s32 $0xFFFFD8F0  }
0x1f: {  	[tilespmem:s18], [sflag:$0x1] =	stream.indirect.gather [hbm4b:s5+s17], $0x80, s4, s17, $0xb8;
	[tilespmem:$0x1EAA0] =	vst v63  }
0x20: {  	_ = 	snop  }
0x21: {  	[tilespmem:s19], [sflag:$0x2] =	stream.indirect.gather [hbm4b:s5+s17], $0x80, s17, s17, $0xb8;
	[tilespmem:$0x1EAA0] =	vst v63  }
0x22: {  	s24 =	simm.s32 $0x50  }
0x23: {  	[tilespmem:s21], [sflag:$0x3] =	stream.indirect.gather [hbm4b:s5+s17], $0x80, s24, s17, $0xb8;
	[tilespmem:$0x1EAA0] =	vst v63  }
.Ltmp0:
0x24: {  	_ = 	snop;
	(pc) =	sbr.rel @!p1 .LBB2_4-.Ltmp0, $4  }
0x25: {  	s2 =	simm.s32 $0x78  }
0x26: {  	[tilespmem:s23], [sflag:$0x4] =	stream.indirect.gather [hbm4b:s5+s17], $0x80, s2, s17, $0xb8;
	[tilespmem:$0x1EAA0] =	vst v63  }
0x27: {  	s24 =	simm.s32 $0xA0  }
0x28: {  	[tilespmem:s25], [sflag:$0x5] =	stream.indirect.gather [hbm4b:s5+s17], $0x80, s24, s17, $0xb8;
	[tilespmem:$0x1EAA0] =	vst v63  }
0x29: {  	s1 =	sshll.u32 s0, $0x6;
	s24 =	sshrl.u32 s9, $0x3  }
.Ltmp1:
0x2a: {  	s2 =	rddreg [dreg:$0x4];
	s1 =	sor.u32 $0x1C06, s1;
	(pc) =	sbr.rel .LBB2_3-.Ltmp1, $4  }
0x2b: {  	[spmem:s24], [sflag:s1] =	dma.local [hbm:s2], $0x2780  }
0x2c: {  	_ =	swait.ge [sflag:s15], $0x2780  }
0x2d: {  	[sflag:s15] =	ssyncset.done $0x0  }
0x2e: {  	p5 =	por $0x0, $0x0;
	[sflag:s15] =	ssyncadd.s32 $0xFFFFD880  }
.LBB2_4:
.Ltmp2:
0x2f: {  	(pc) =	sbr.rel @!p2 .LBB2_3-.Ltmp2, $2  }
0x30: {  	_ =	sdelay $0x2  }
0x31: {  	p5 =	por p0, p0  }
.Ltmp3:
0x32: {  	(pc) =	sbr.rel .LBB2_6-.Ltmp3, $2  }
0x33: {  	_ =	sdelay $0x2  }
0x34: {  	p5 =	por $0x1, $0x1;
	s24 =	simm.s32 $0xF;
	s1 =	smov.u32 s5  }
.LBB2_3:
0x35: {  	s1 =	sshll.u32 @p4 s0, $0x6;
	p6 =	por @p4 $0x1, $0x1  }
0x36: {  	s24 =	sshrl.u32 @p4 s9, $0x3;
	s1 =	sor.u32 @p4 $0x1C06, s1;
	p6 =	por @!p4 p3, p3  }
0x37: {  	[spmem:s24], [sflag:s1] =	dma.local @p4 [hbm:s11], $0x2780  }
0x38: {  	p6 =	por !p6, !p5  }
0x39: {  	p6 =	por !p6, !p6  }
.Ltmp4:
0x3a: {  	s1 =	simm.s32 @p4 $0x6;
	(pc) =	sbr.rel @!p6 .LBB2_7-.Ltmp4, $4  }
0x3b: {  	_ =	swait.ge @p4 [sflag:s1], $0x2780  }
0x3c: {  	[sflag:s1] =	ssyncset.done @p4 $0x0  }
0x3d: {  	[sflag:s1] =	ssyncadd.s32 @p4 $0xFFFFD880  }
0x3e: {  	s24 =	stileid.u32;
	s1 =	rddreg [dreg:$0x1]  }
.LBB2_6:
0x3f: {  	s24 =	sshll.u32 s24, $0x6  }
0x40: {  	s1 =	sadd.s32 $0x25080, s1;
	s2 =	sshrl.u32 s8, $0x3;
	s24 =	sor.u32 $0x1C06, s24  }
0x41: {  	[spmem:s2], [sflag:s24] =	dma.local [hbm:s1], $0x2080  }
0x42: {  	_ =	swait.ge [sflag:s15], $0x2080  }
0x43: {  	[sflag:s15] =	ssyncset.done $0x0  }
0x44: {  	[sflag:s15] =	ssyncadd.s32 $0xFFFFDF80  }
.LBB2_7:
0x45: {  	[bflag:$0x0] =	sbarrier.arrive $0xFFFF  }
0x46: {  	_ =	swait.ge [sflag:s26], $0x1400  }
0x47: {  	[sflag:s26] =	ssyncset.done $0x0  }
0x48: {  	s1 =	simm.s32 $0x2710;
	[sflag:s26] =	ssyncadd.s32 $0xFFFFEC00  }
0x49: {  	[spmem:s3] =	stream.indirect.scatter.add.f32 [tilespmem:s18], [sflag:$0x6], $0x80, s1, s17, $0xb8;
	[tilespmem:$0x1EAA0] =	vst v63  }
0x4a: {  	_ =	swait.ge [sflag:s15], $0x1400  }
0x4b: {  	[sflag:s15] =	ssyncset.done $0x0  }
0x4c: {  	s2 =	simm.s32 $0xC8;
	[sflag:s15] =	ssyncadd.s32 $0xFFFFEC00  }
0x4d: {  	[tilespmem:s18], [sflag:$0x1] =	stream.indirect.gather [hbm4b:s5+s17], $0x80, s2, s17, $0xb8;
	[tilespmem:$0x1EAA0] =	vst v63  }
0x4e: {  	_ =	swait.ge [sflag:s28], $0x1400  }
0x4f: {  	[sflag:s28] =	ssyncset.done $0x0  }
0x50: {  	s24 =	simm.s32 $0x2738;
	[sflag:s28] =	ssyncadd.s32 $0xFFFFEC00  }
0x51: {  	[spmem:s3] =	stream.indirect.scatter.add.f32 [tilespmem:s19], [sflag:$0x6], $0x80, s24, s17, $0xb8;
	[tilespmem:$0x1EAA0] =	vst v63  }
0x52: {  	_ =	swait.ge [sflag:s15], $0x1400  }
0x53: {  	[sflag:s15] =	ssyncset.done $0x0  }
0x54: {  	s2 =	simm.s32 $0xF0;
	[sflag:s15] =	ssyncadd.s32 $0xFFFFEC00  }
0x55: {  	[tilespmem:s19], [sflag:$0x2] =	stream.indirect.gather [hbm4b:s5+s17], $0x80, s2, s17, $0xb8;
	[tilespmem:$0x1EAA0] =	vst v63  }
0x56: {  	_ =	swait.ge [sflag:s29], $0x1400  }
0x57: {  	[sflag:s29] =	ssyncset.done $0x0  }
0x58: {  	s24 =	simm.s32 $0x2760;
	[sflag:s29] =	ssyncadd.s32 $0xFFFFEC00  }
0x59: {  	[spmem:s3] =	stream.indirect.scatter.add.f32 [tilespmem:s21], [sflag:$0x6], $0x80, s24, s17, $0xb8;
	[tilespmem:$0x1EAA0] =	vst v63  }
0x5a: {  	_ =	swait.ge [sflag:s15], $0x1400  }
0x5b: {  	[sflag:s15] =	ssyncset.done $0x0  }
0x5c: {  	s2 =	simm.s32 $0x118;
	[sflag:s15] =	ssyncadd.s32 $0xFFFFEC00  }
0x5d: {  	[tilespmem:s21], [sflag:$0x3] =	stream.indirect.gather [hbm4b:s5+s17], $0x80, s2, s17, $0xb8;
	[tilespmem:$0x1EAA0] =	vst v63  }
0x5e: {  	_ =	swait.ge [sflag:s30], $0x1400  }
0x5f: {  	[sflag:s30] =	ssyncset.done $0x0  }
0x60: {  	s24 =	simm.s32 $0x2788;
	[sflag:s30] =	ssyncadd.s32 $0xFFFFEC00  }
0x61: {  	[spmem:s3] =	stream.indirect.scatter.add.f32 [tilespmem:s23], [sflag:$0x6], $0x80, s24, s17, $0xb8;
	[tilespmem:$0x1EAA0] =	vst v63  }
0x62: {  	_ =	swait.ge [sflag:s15], $0x1400  }
0x63: {  	[sflag:s15] =	ssyncset.done $0x0  }
0x64: {  	s2 =	simm.s32 $0x140;
	[sflag:s15] =	ssyncadd.s32 $0xFFFFEC00  }
0x65: {  	[tilespmem:s23], [sflag:$0x4] =	stream.indirect.gather [hbm4b:s5+s17], $0x80, s2, s17, $0xb8;
	[tilespmem:$0x1EAA0] =	vst v63  }
0x66: {  	_ =	swait.ge [sflag:s31], $0x1400  }
0x67: {  	[sflag:s31] =	ssyncset.done $0x0  }
0x68: {  	s24 =	simm.s32 $0x27B0;
	[sflag:s31] =	ssyncadd.s32 $0xFFFFEC00  }
0x69: {  	[spmem:s3] =	stream.indirect.scatter.add.f32 [tilespmem:s25], [sflag:$0x6], $0x80, s24, s17, $0xb8;
	[tilespmem:$0x1EAA0] =	vst v63  }
0x6a: {  	_ =	swait.ge [sflag:s15], $0x1400  }
0x6b: {  	[sflag:s15] =	ssyncset.done $0x0  }
0x6c: {  	s1 =	simm.s32 $0x168;
	s24 =	simm.s32 $0x320;
	[sflag:s15] =	ssyncadd.s32 $0xFFFFEC00  }
.LBB2_8:
0x6d: {  	[tilespmem:s25], [sflag:$0x5] =	stream.indirect.gather [hbm4b:s5+s17], $0x80, s1, s17, $0xb8;
	[tilespmem:$0x1EAA0] =	vst v63  }
0x6e: {  	s1 =	smov.u32 s24  }
0x6f: {  	p6 =	sne.s32 s24, $0x9600;
	s24 =	sadd.s32 $0x320, s24;
	_ =	swait.ge [sflag:s26], $0x1400  }
0x70: {  	s1 =	sshra.s32 s1, $0x2;
	[sflag:s26] =	ssyncset.done $0x0  }
0x71: {  	s2 =	sadd.s32 $0x2710, s1;
	[sflag:s26] =	ssyncadd.s32 $0xFFFFEC00  }
0x72: {  	[spmem:s3] =	stream.indirect.scatter.add.f32 [tilespmem:s18], [sflag:$0x6], $0x80, s2, s17, $0xb8;
	[tilespmem:$0x1EAA0] =	vst v63  }
0x73: {  	_ =	swait.ge [sflag:s15], $0x1400  }
0x74: {  	[sflag:s15] =	ssyncset.done $0x0  }
0x75: {  	s2 =	sadd.s32 $0xC8, s1;
	[sflag:s15] =	ssyncadd.s32 $0xFFFFEC00  }
0x76: {  	[tilespmem:s18], [sflag:$0x1] =	stream.indirect.gather [hbm4b:s5+s17], $0x80, s2, s17, $0xb8;
	[tilespmem:$0x1EAA0] =	vst v63  }
0x77: {  	_ =	swait.ge [sflag:s28], $0x1400  }
0x78: {  	[sflag:s28] =	ssyncset.done $0x0  }
0x79: {  	s2 =	sadd.s32 $0x2738, s1;
	[sflag:s28] =	ssyncadd.s32 $0xFFFFEC00  }
0x7a: {  	[spmem:s3] =	stream.indirect.scatter.add.f32 [tilespmem:s19], [sflag:$0x6], $0x80, s2, s17, $0xb8;
	[tilespmem:$0x1EAA0] =	vst v63  }
0x7b: {  	_ =	swait.ge [sflag:s15], $0x1400  }
0x7c: {  	[sflag:s15] =	ssyncset.done $0x0  }
0x7d: {  	s2 =	sadd.s32 $0xF0, s1;
	[sflag:s15] =	ssyncadd.s32 $0xFFFFEC00  }
0x7e: {  	[tilespmem:s19], [sflag:$0x2] =	stream.indirect.gather [hbm4b:s5+s17], $0x80, s2, s17, $0xb8;
	[tilespmem:$0x1EAA0] =	vst v63  }
0x7f: {  	_ =	swait.ge [sflag:s29], $0x1400  }
0x80: {  	[sflag:s29] =	ssyncset.done $0x0  }
0x81: {  	s2 =	sadd.s32 $0x2760, s1;
	[sflag:s29] =	ssyncadd.s32 $0xFFFFEC00  }
0x82: {  	[spmem:s3] =	stream.indirect.scatter.add.f32 [tilespmem:s21], [sflag:$0x6], $0x80, s2, s17, $0xb8;
	[tilespmem:$0x1EAA0] =	vst v63  }
0x83: {  	_ =	swait.ge [sflag:s15], $0x1400  }
0x84: {  	[sflag:s15] =	ssyncset.done $0x0  }
0x85: {  	s2 =	sadd.s32 $0x118, s1;
	[sflag:s15] =	ssyncadd.s32 $0xFFFFEC00  }
0x86: {  	[tilespmem:s21], [sflag:$0x3] =	stream.indirect.gather [hbm4b:s5+s17], $0x80, s2, s17, $0xb8;
	[tilespmem:$0x1EAA0] =	vst v63  }
0x87: {  	_ =	swait.ge [sflag:s30], $0x1400  }
0x88: {  	[sflag:s30] =	ssyncset.done $0x0  }
0x89: {  	s2 =	sadd.s32 $0x2788, s1;
	[sflag:s30] =	ssyncadd.s32 $0xFFFFEC00  }
0x8a: {  	[spmem:s3] =	stream.indirect.scatter.add.f32 [tilespmem:s23], [sflag:$0x6], $0x80, s2, s17, $0xb8;
	[tilespmem:$0x1EAA0] =	vst v63  }
0x8b: {  	_ =	swait.ge [sflag:s15], $0x1400  }
0x8c: {  	[sflag:s15] =	ssyncset.done $0x0  }
0x8d: {  	s2 =	sadd.s32 $0x140, s1;
	[sflag:s15] =	ssyncadd.s32 $0xFFFFEC00  }
0x8e: {  	[tilespmem:s23], [sflag:$0x4] =	stream.indirect.gather [hbm4b:s5+s17], $0x80, s2, s17, $0xb8;
	[tilespmem:$0x1EAA0] =	vst v63  }
0x8f: {  	_ =	swait.ge [sflag:s31], $0x1400  }
0x90: {  	[sflag:s31] =	ssyncset.done $0x0  }
.Ltmp5:
0x91: {  	s2 =	sadd.s32 $0x27B0, s1;
	[sflag:s31] =	ssyncadd.s32 $0xFFFFEC00;
	(pc) =	sbr.rel @p6 .LBB2_8-.Ltmp5, $4  }
0x92: {  	[spmem:s3] =	stream.indirect.scatter.add.f32 [tilespmem:s25], [sflag:$0x6], $0x80, s2, s17, $0xb8;
	[tilespmem:$0x1EAA0] =	vst v63  }
0x93: {  	_ =	swait.ge [sflag:s15], $0x1400  }
0x94: {  	[sflag:s15] =	ssyncset.done $0x0  }
0x95: {  	s1 =	sadd.s32 $0x168, s1;
	[sflag:s15] =	ssyncadd.s32 $0xFFFFEC00  }
0x96: {  	[tilespmem:s25], [sflag:$0x5] =	stream.indirect.gather [hbm4b:s5+s17], $0x80, s1, s17, $0xb8;
	[tilespmem:$0x1EAA0] =	vst v63  }
0x97: {  	_ =	swait.ge [sflag:s26], $0x1400  }
0x98: {  	[sflag:s26] =	ssyncset.done $0x0  }
0x99: {  	s2 =	simm.s32 $0x4D58;
	[sflag:s26] =	ssyncadd.s32 $0xFFFFEC00  }
0x9a: {  	[spmem:s3] =	stream.indirect.scatter.add.f32 [tilespmem:s18], [sflag:$0x6], $0x80, s2, s17, $0xb8;
	[tilespmem:$0x1EAA0] =	vst v63  }
0x9b: {  	_ =	swait.ge [sflag:s15], $0x1400  }
0x9c: {  	[sflag:s15] =	ssyncset.done $0x0  }
0x9d: {  	[sflag:s15] =	ssyncadd.s32 $0xFFFFEC00  }
0x9e: {  	_ =	swait.ge [sflag:s28], $0x1400  }
0x9f: {  	[sflag:s28] =	ssyncset.done $0x0  }
0xa0: {  	s24 =	simm.s32 $0x4D80;
	[sflag:s28] =	ssyncadd.s32 $0xFFFFEC00  }
0xa1: {  	[spmem:s3] =	stream.indirect.scatter.add.f32 [tilespmem:s19], [sflag:$0x6], $0x80, s24, s17, $0xb8;
	[tilespmem:$0x1EAA0] =	vst v63  }
0xa2: {  	_ =	swait.ge [sflag:s15], $0x1400  }
0xa3: {  	[sflag:s15] =	ssyncset.done $0x0  }
0xa4: {  	[sflag:s15] =	ssyncadd.s32 $0xFFFFEC00  }
0xa5: {  	_ =	swait.ge [sflag:s29], $0x1400  }
0xa6: {  	[sflag:s29] =	ssyncset.done $0x0  }
0xa7: {  	[sflag:s29] =	ssyncadd.s32 $0xFFFFEC00  }
0xa8: {  	[spmem:s3] =	stream.indirect.scatter.add.f32 [tilespmem:s21], [sflag:$0x6], $0x80, s10, s17, $0xb8;
	[tilespmem:$0x1EAA0] =	vst v63  }
0xa9: {  	_ =	swait.ge [sflag:s15], $0x1400  }
0xaa: {  	[sflag:s15] =	ssyncset.done $0x0  }
0xab: {  	[sflag:s15] =	ssyncadd.s32 $0xFFFFEC00  }
0xac: {  	_ =	swait.ge [sflag:s30], $0x1400  }
0xad: {  	[sflag:s30] =	ssyncset.done $0x0  }
0xae: {  	[sflag:s30] =	ssyncadd.s32 $0xFFFFEC00  }
0xaf: {  	[spmem:s3] =	stream.indirect.scatter.add.f32 [tilespmem:s23], [sflag:$0x6], $0x80, s16, s17, $0xb8;
	[tilespmem:$0x1EAA0] =	vst v63  }
0xb0: {  	_ =	swait.ge [sflag:s15], $0x1400  }
0xb1: {  	[sflag:s15] =	ssyncset.done $0x0  }
0xb2: {  	[sflag:s15] =	ssyncadd.s32 $0xFFFFEC00  }
0xb3: {  	_ =	swait.ge [sflag:s31], $0x1400  }
0xb4: {  	[sflag:s31] =	ssyncset.done $0x0  }
0xb5: {  	[sflag:s31] =	ssyncadd.s32 $0xFFFFEC00  }
0xb6: {  	[spmem:s3] =	stream.indirect.scatter.add.f32 [tilespmem:s25], [sflag:$0x6], $0x80, s20, s17, $0xb8;
	[tilespmem:$0x1EAA0] =	vst v63  }
0xb7: {  	_ =	swait.ge [sflag:s15], $0x1400  }
0xb8: {  	[sflag:s15] =	ssyncset.done $0x0  }
0xb9: {  	s1 =	sshll.u32 @!p0 s0, $0x6;
	[sflag:s15] =	ssyncadd.s32 $0xFFFFEC00  }
0xba: {  	s1 =	sor.u32 @!p0 $0x1C06, s1;
	s2 =	sshrl.u32 @!p0 s9, $0x3;
	[bflag:$0x0] =	sbarrier.arrive $0xFFFF  }
0xbb: {  	[hbm:s12], [sflag:s1] =	dma.local @!p0 [spmem:s2], $0x2780  }
0xbc: {  	s1 =	simm.s32 @!p0 $0x6  }
0xbd: {  	s22 =	sadd.s32 $0x1, s22;
	_ =	swait.ge @!p0 [sflag:s1], $0x2780  }
0xbe: {  	p6 =	sne.s32 s22, s14;
	s2 =	sshll.u32 @p5 s0, $0x6;
	[sflag:s1] =	ssyncset.done @!p0 $0x0  }
0xbf: {  	[sflag:s1] =	ssyncadd.s32 @!p0 $0xFFFFD880;
	s1 =	sor.u32 @p5 $0x1C06, s2;
	s2 =	sshrl.u32 @p5 s8, $0x3  }
0xc0: {  	[hbm:s13], [sflag:s1] =	dma.local @p5 [spmem:s2], $0x2080  }
.Ltmp6:
0xc1: {  	_ = 	snop;
	(pc) =	sbr.rel @p6 .LBB2_1-.Ltmp6, $4  }
0xc2: {  	s1 =	simm.s32 @p5 $0x6  }
0xc3: {  	_ =	swait.ge @p5 [sflag:s1], $0x2080  }
0xc4: {  	[sflag:s1] =	ssyncset.done @p5 $0x0  }
0xc5: {  	[sflag:s1] =	ssyncadd.s32 @p5 $0xFFFFDF80  }
0xc6: {  	_ =	sfence.sel $0x180000  }
0xc7: {  	[bflag:$0x0] =	sbarrier.arrive $0xFFFF  }
0xc8: {  	_ =	strace $0x9000004A  }
0xc9: {  	[bflag:$0x2] =	sbarrier.arrive $0xFFFF  }
0xca: {  	p0 =	sne.s32 s0, $0x0;
	s0 =	rddreg [dreg:$0x3]  }
0xcb: {  	s0 =	sadd.s32 @!p0 $0x100000, s0  }
0xcc: {  	[sflag:s0] =	ssyncadd.tile.s32 @!p0 $0x1;
	_ =	shalt  }
.Lfunc_end2:
_tile_overlayer_lowered:
.L_overlay_start_2:
0xcd: {  	(tag) =	ssettag $0x2  }
0xce: {  	s0 =	rddreg [dreg:$0x0];
	s2 =	stileid.u32  }
0xcf: {  	s1 =	rddreg [dreg:$0x1];
	p0 =	sne.s32 s2, $0x0  }
0xd0: {  	s3 =	rddreg [dreg:$0x2];
	[bflag:$0x3] =	sbarrier.arrive $0xFFFF;
	s2 =	simm.s32 @!p0 $0x1C06  }
0xd1: {  	[timem:s3], [sflag:s2] =	dma.local @!p0 [hbm:s0], s1  }
0xd2: {  	s0 =	simm.s32 @!p0 $0x6  }
0xd3: {  	_ =	swait.ge @!p0 [sflag:s0], s1  }
0xd4: {  	s1 =	ssub.s32 @!p0 $0x0, s1;
	[sflag:s0] =	ssyncset.done @!p0 $0x0  }
0xd5: {  	[sflag:s0] =	ssyncadd.s32 @!p0 s1  }
0xd6: {  	[bflag:$0x3] =	sbarrier.arrive $0xFFFF  }
0xd7: {  	_ =	shalt  }

</sc_bundles>
